<compile_context>
chip_gen: v7x
topology: tpu7x:2x2x1
jax: 0.10.2.dev20260603
libtpu: 0.0.44.dev20260713+nightly
codegen_flags: <defaults>
</compile_context>

<pallas_src>
import functools

import jax
import jax.numpy as jnp
from jax import lax
from jax.experimental import pallas as pl
from jax.experimental.pallas import tpu as pltpu
from jax.experimental.pallas import tpu_sc as plsc

NC = 2
NS = 16
L = 16
CHUNK = 128
FAST_SHARE = 0.68
PACK_B = 14
PACK_M = (1 << PACK_B) - 1


def _mesh():
    return plsc.VectorSubcoreMesh(
        core_axis_name="c", subcore_axis_name="s",
        num_cores=NC, num_subcores=NS)


def _make_deg_kernel(n_pad, kc0, kc1):
    rows_per_tile = n_pad // NS
    zsz = ((rows_per_tile + L - 1) // L) * L
    kc_max = max(kc0, kc1)

    @functools.partial(
        pl.kernel,
        out_type=jax.ShapeDtypeStruct((NC, n_pad), jnp.float32),
        mesh=_mesh(),
        scratch_types=[
            pltpu.VMEM((kc_max, CHUNK), jnp.int32),
            pltpu.VMEM((CHUNK,), jnp.float32),
            pltpu.VMEM((zsz,), jnp.float32),
            pltpu.VMEM_SHARED((n_pad,), jnp.float32),
        ],
    )
    def deg_kernel(dst_hbm, out_hbm, idx_v, ones_v, zbuf, deg_sh):
        c = lax.axis_index("c")
        s = lax.axis_index("s")
        wid = c * NS + s
        kc_c = jnp.where(c == 0, kc0, kc1)
        for i in range(CHUNK // L):
            ones_v[pl.ds(i * L, L)] = jnp.ones((L,), jnp.float32)

        def zfill(i, carry):
            zbuf[pl.ds(i * L, L)] = jnp.zeros((L,), jnp.float32)
            return carry

        lax.fori_loop(0, zsz // L, zfill, 0)
        pltpu.sync_copy(zbuf.at[pl.ds(0, rows_per_tile)],
                        deg_sh.at[pl.ds(s * rows_per_tile, rows_per_tile)])
        pltpu.sync_copy(dst_hbm.at[wid], idx_v)
        plsc.subcore_barrier()

        def body(j, carry):
            pltpu.sync_copy(ones_v, deg_sh.at[idx_v.at[j]], add=True)
            return carry

        lax.fori_loop(0, kc_c, body, 0)
        plsc.subcore_barrier()
        pltpu.sync_copy(
            deg_sh.at[pl.ds(s * rows_per_tile, rows_per_tile)],
            out_hbm.at[c, pl.ds(s * rows_per_tile, rows_per_tile)])

    return deg_kernel


def _make_edge_kernel(n_pad, kc0, kc1, d):
    rows_per_tile = n_pad // NS
    kc_max = max(kc0, kc1)

    @functools.partial(
        pl.kernel,
        out_type=jax.ShapeDtypeStruct((NC, n_pad, d), jnp.float32),
        mesh=_mesh(),
        scratch_types=[
            pltpu.VMEM((kc_max, CHUNK), jnp.int32),
            pltpu.VMEM((2, CHUNK), jnp.int32),
            pltpu.VMEM((2, CHUNK), jnp.int32),
            pltpu.VMEM((CHUNK, d), jnp.float32),
            pltpu.VMEM((CHUNK, d), jnp.float32),
            pltpu.VMEM_SHARED((n_pad, d), jnp.float32),
            pltpu.SemaphoreType.DMA,
            pltpu.SemaphoreType.DMA,
            pltpu.SemaphoreType.DMA,
            pltpu.SemaphoreType.DMA,
        ],
    )
    def edge_kernel(y_hbm, pk_hbm, out_hbm,
                    pk_v, ua, ub, rows_a, rows_b, s_sh,
                    sem_ga, sem_gb, sem_sa, sem_sb):
        c = lax.axis_index("c")
        s = lax.axis_index("s")
        wid = c * NS + s
        kc_c = jnp.where(c == 0, kc0, kc1)

        def zfill(i, carry):
            r = i // (d // L)
            k = (i % (d // L)) * L
            rows_a[r, pl.ds(k, L)] = jnp.zeros((L,), jnp.float32)
            return carry

        lax.fori_loop(0, CHUNK * (d // L), zfill, 0)
        for t in range(rows_per_tile // CHUNK):
            pltpu.sync_copy(
                rows_a,
                s_sh.at[pl.ds(s * rows_per_tile + t * CHUNK, CHUNK)])
        pltpu.sync_copy(pk_hbm.at[wid], pk_v)
        plsc.subcore_barrier()

        def unpack(j, u):
            for i in range(CHUNK // L):
                v = pk_v[j, pl.ds(i * L, L)]
                u[0, pl.ds(i * L, L)] = jnp.bitwise_and(v, PACK_M)
                u[1, pl.ds(i * L, L)] = jnp.right_shift(v, PACK_B)

        unpack(0, ua)
        pltpu.async_copy(y_hbm.at[ua.at[0]], rows_a, sem_ga)

        def body(p, carry):
            j0 = 2 * p
            j1 = j0 + 1
            pltpu.make_async_copy(
                y_hbm.at[ua.at[0]], rows_a, sem_ga).wait()
            pltpu.async_copy(rows_a, s_sh.at[ua.at[1]], sem_sa, add=True)

            @pl.when(p > 0)
            def _():
                pltpu.make_async_copy(
                    rows_b, s_sh.at[ub.at[1]], sem_sb).wait()

            unpack(j1, ub)
            pltpu.async_copy(y_hbm.at[ub.at[0]], rows_b, sem_gb)
            pltpu.make_async_copy(
                y_hbm.at[ub.at[0]], rows_b, sem_gb).wait()
            pltpu.async_copy(rows_b, s_sh.at[ub.at[1]], sem_sb, add=True)
            pltpu.make_async_copy(
                rows_a, s_sh.at[ua.at[1]], sem_sa).wait()

            @pl.when(j0 + 2 < kc_c)
            def _():
                unpack(j0 + 2, ua)
                pltpu.async_copy(y_hbm.at[ua.at[0]], rows_a, sem_ga)

            return carry

        lax.fori_loop(0, kc_c // 2, body, 0)
        pltpu.make_async_copy(
            rows_b, s_sh.at[ub.at[1]], sem_sb).wait()
        plsc.subcore_barrier()
        for t in range(rows_per_tile // CHUNK):
            base = s * rows_per_tile + t * CHUNK
            pltpu.sync_copy(s_sh.at[pl.ds(base, CHUNK)],
                            out_hbm.at[c, pl.ds(base, CHUNK)])

    return edge_kernel


def _scale_body(degp_ref, x_ref, y_ref):
    deg = degp_ref[0] + degp_ref[1] + 1.0
    dis = lax.rsqrt(deg)
    y_ref[...] = x_ref[...] * dis


def _out_body(degp_ref, s_ref, x_ref, wl_ref, bl_ref, wh_ref, bh_ref,
              lo_ref, hi_ref):
    deg = degp_ref[0] + degp_ref[1] + 1.0
    dis = lax.rsqrt(deg)
    stot = s_ref[0] + s_ref[1]
    agg = dis * stot + (dis * dis) * x_ref[...]
    lo_ref[...] = jnp.dot(agg, wl_ref[...],
                          preferred_element_type=jnp.float32) + bl_ref[...]
    hi_ref[...] = jnp.dot(agg, wh_ref[...],
                          preferred_element_type=jnp.float32) + bh_ref[...]


def kernel(x, edge_index, W_low, b_low, W_high, b_high):
    n, d = x.shape
    hid = W_low.shape[1]
    e = edge_index.shape[1]

    n_pad = ((n + 1 + 2047) // 2048) * 2048

    src = edge_index[0].astype(jnp.int32)
    dst = edge_index[1].astype(jnp.int32)

    per_tile = (e + NS - 1) // NS
    kc0 = -(-int(per_tile * FAST_SHARE) // CHUNK)
    kc0 = kc0 + (kc0 % 2)
    cap0 = NS * kc0 * CHUNK
    kc1 = -(-(e - cap0) // (NS * CHUNK))
    kc1 = max(2, kc1 + (kc1 % 2))
    kc_max = max(kc0, kc1)
    e_pad = (kc0 + kc1) * NS * CHUNK

    def split_pad(v, fill):
        flat = jnp.concatenate([v, jnp.full((e_pad - e,), fill, jnp.int32)])
        b0 = jnp.pad(flat[:cap0].reshape(NS, kc0, CHUNK),
                     ((0, 0), (0, kc_max - kc0), (0, 0)),
                     constant_values=fill)
        b1 = jnp.pad(flat[cap0:].reshape(NS, kc1, CHUNK),
                     ((0, 0), (0, kc_max - kc1), (0, 0)),
                     constant_values=fill)
        return jnp.concatenate([b0, b1], axis=0)

    src_sp = split_pad(src, 0)
    dst_sp = split_pad(dst, n)
    pk_sp = src_sp | (dst_sp << PACK_B)

    x_pad = jnp.pad(x, ((0, n_pad - n), (0, 0)))
    degp = _make_deg_kernel(n_pad, kc0, kc1)(dst_sp)
    degp3 = degp.reshape(NC, n_pad, 1)

    blk = 512
    grid = n_pad // blk
    y = pl.pallas_call(
        _scale_body,
        grid=(grid,),
        in_specs=[
            pl.BlockSpec((NC, blk, 1), lambda i: (0, i, 0)),
            pl.BlockSpec((blk, d), lambda i: (i, 0)),
        ],
        out_specs=pl.BlockSpec((blk, d), lambda i: (i, 0)),
        out_shape=jax.ShapeDtypeStruct((n_pad, d), jnp.float32),
    )(degp3, x_pad)

    S = _make_edge_kernel(n_pad, kc0, kc1, d)(y, pk_sp)

    lo, hi = pl.pallas_call(
        _out_body,
        grid=(grid,),
        in_specs=[
            pl.BlockSpec((NC, blk, 1), lambda i: (0, i, 0)),
            pl.BlockSpec((NC, blk, d), lambda i: (0, i, 0)),
            pl.BlockSpec((blk, d), lambda i: (i, 0)),
            pl.BlockSpec((d, hid), lambda i: (0, 0)),
            pl.BlockSpec((1, hid), lambda i: (0, 0)),
            pl.BlockSpec((d, hid), lambda i: (0, 0)),
            pl.BlockSpec((1, hid), lambda i: (0, 0)),
        ],
        out_specs=[
            pl.BlockSpec((blk, hid), lambda i: (i, 0)),
            pl.BlockSpec((blk, hid), lambda i: (i, 0)),
        ],
        out_shape=[
            jax.ShapeDtypeStruct((n_pad, hid), jnp.float32),
            jax.ShapeDtypeStruct((n_pad, hid), jnp.float32),
        ],
    )(degp3, S, x_pad, W_low, b_low.reshape(1, hid),
      W_high, b_high.reshape(1, hid))

    return (lo[:n], hi[:n])

# --- scband reference (transcript-rebuilt; emitter-appended) ---
"""Pipeline reference for scband-multi-kernel-gcn-8753143349539 (READ-ONLY COPY).

The authoritative reference and input builder live on the scoring server;
editing this copy changes nothing except your own understanding.
"""

import jax, jax.numpy as jnp
import numpy as np

N_NODES = 10000
IN_DIM = 128
HID_DIM = 256
N_EDGES = 320000


def setup_inputs(seed: int = 0) -> dict:
    key = jax.random.key(seed)
    k1, k2, k3, k4, k5, k6 = jax.random.split(key, 6)
    x = jax.random.normal(k1, (N_NODES, IN_DIM), dtype=jnp.float32)
    edge_index = jax.random.randint(k2, (2, N_EDGES), 0, N_NODES, dtype=jnp.int64)
    s = 1.0 / np.sqrt(IN_DIM)
    W_low = jax.random.uniform(k3, (IN_DIM, HID_DIM), dtype=jnp.float32, minval=-s, maxval=s)
    b_low = jnp.zeros((HID_DIM,), dtype=jnp.float32)
    W_high = jax.random.uniform(k4, (IN_DIM, HID_DIM), dtype=jnp.float32, minval=-s, maxval=s)
    b_high = jnp.zeros((HID_DIM,), dtype=jnp.float32)
    return {"x": x, "edge_index": edge_index, "W_low": W_low, "b_low": b_low, "W_high": W_high, "b_high": b_high}


def _gcn_conv(x, src, dst, W, b, n_nodes):
    # PyG GCNConv: add self-loops, symmetric normalization, linear, aggregate, bias
    h = x @ W  # [N, hidden]
    deg = jnp.zeros((n_nodes,), dtype=x.dtype).at[dst].add(1.0)
    deg_inv_sqrt = jnp.where(deg > 0, 1.0 / jnp.sqrt(deg), 0.0)
    norm = deg_inv_sqrt[src] * deg_inv_sqrt[dst]  # [E+N]
    msg = h[src] * norm[:, None]  # gather + scale
    out = jnp.zeros((n_nodes, h.shape[1]), dtype=x.dtype).at[dst].add(msg)  # scatter-add
    return out + b


def reference(x, edge_index, W_low, b_low, W_high, b_high):
    n_nodes = x.shape[0]
    loop = jnp.arange(n_nodes, dtype=edge_index.dtype)
    src = jnp.concatenate([edge_index[0], loop])
    dst = jnp.concatenate([edge_index[1], loop])
    low_features = _gcn_conv(x, src, dst, W_low, b_low, n_nodes)
    high_features = _gcn_conv(x, src, dst, W_high, b_high, n_nodes)
    return (low_features, high_features)

if __name__ == "__main__":
    import jax
    _d = setup_inputs()
    print(jax.jit(kernel)(*tuple(_d.values())))

</pallas_src>

<mosaic_0001>
#map = affine_map<(d0, d1) -> (0, 0, 0)>
#map1 = affine_map<(d0, d1) -> (0, 0)>
module attributes {stable_mosaic.version = 14 : i64} {
  func.func @deg_kernel(%arg0: i32, %arg1: i32, %arg2: memref<32x108x128xi32, #tpu.memory_space<hbm>>, %arg3: memref<2x10240xf32, #tpu.memory_space<hbm>>, %arg4: memref<108x128xi32, #tpu.memory_space<vmem>>, %arg5: memref<128xf32, #tpu.memory_space<vmem>>, %arg6: memref<640xf32, #tpu.memory_space<vmem>>, %arg7: memref<10240xf32, #tpu.memory_space<vmem_shared>>) attributes {dimension_semantics = [#tpu.dimension_semantics<core_parallel>, #tpu.dimension_semantics<subcore_parallel>], iteration_bounds = array<i64: 2, 16>, scalar_prefetch = 0 : i64, scratch_operands = 4 : i64, tpu.core_type = #tpu.core_type<sc_vector_subcore>, window_params = [{transform_indices = #map}, {transform_indices = #map1}]} {
    %mul3A = arith.constant 16 : i32
    %mul3A_0 = arith.muli %arg0, %mul3A : i32
    %add3A = arith.addi %mul3A_0, %arg1 : i32
    %eq3A = arith.constant 0 : i32
    %eq3A_1 = arith.cmpi eq, %arg0, %eq3A : i32
    %jit3A = arith.constant 108 : i32
    %jit3A_2 = arith.constant 50 : i32
    %select_n3A = arith.select %eq3A_1, %jit3A, %jit3A_2 : i32
    %broadcast_in_dim3A = arith.constant 1.000000e+00 : f32
    %broadcast_in_dim3A_3 = vector.broadcast %broadcast_in_dim3A : f32 to vector<16xf32>
    %swap3A = arith.constant 0 : index
    %swap3A_4 = tpu.vector_load %arg5[%swap3A] {strides = array<i32>} : memref<128xf32, #tpu.memory_space<vmem>>, vector<16xf32>,
    %swap3A_5 = vector.shape_cast %swap3A_4 : vector<16xf32> to vector<16xf32>
    %swap3A_6 = vector.shape_cast %broadcast_in_dim3A_3 : vector<16xf32> to vector<16xf32>
    tpu.vector_store %arg5[%swap3A], %swap3A_6 {strides = array<i32>} : memref<128xf32, #tpu.memory_space<vmem>>, vector<16xf32>,
    %broadcast_in_dim3A_7 = arith.constant 1.000000e+00 : f32
    %broadcast_in_dim3A_8 = vector.broadcast %broadcast_in_dim3A_7 : f32 to vector<16xf32>
    %swap3A_9 = arith.constant 16 : index
    %swap3A_10 = tpu.vector_load %arg5[%swap3A_9] {strides = array<i32>} : memref<128xf32, #tpu.memory_space<vmem>>, vector<16xf32>,
    %swap3A_11 = vector.shape_cast %swap3A_10 : vector<16xf32> to vector<16xf32>
    %swap3A_12 = vector.shape_cast %broadcast_in_dim3A_8 : vector<16xf32> to vector<16xf32>
    tpu.vector_store %arg5[%swap3A_9], %swap3A_12 {strides = array<i32>} : memref<128xf32, #tpu.memory_space<vmem>>, vector<16xf32>,
    %broadcast_in_dim3A_13 = arith.constant 1.000000e+00 : f32
    %broadcast_in_dim3A_14 = vector.broadcast %broadcast_in_dim3A_13 : f32 to vector<16xf32>
    %swap3A_15 = arith.constant 32 : index
    %swap3A_16 = tpu.vector_load %arg5[%swap3A_15] {strides = array<i32>} : memref<128xf32, #tpu.memory_space<vmem>>, vector<16xf32>,
    %swap3A_17 = vector.shape_cast %swap3A_16 : vector<16xf32> to vector<16xf32>
    %swap3A_18 = vector.shape_cast %broadcast_in_dim3A_14 : vector<16xf32> to vector<16xf32>
    tpu.vector_store %arg5[%swap3A_15], %swap3A_18 {strides = array<i32>} : memref<128xf32, #tpu.memory_space<vmem>>, vector<16xf32>,
    %broadcast_in_dim3A_19 = arith.constant 1.000000e+00 : f32
    %broadcast_in_dim3A_20 = vector.broadcast %broadcast_in_dim3A_19 : f32 to vector<16xf32>
    %swap3A_21 = arith.constant 48 : index
    %swap3A_22 = tpu.vector_load %arg5[%swap3A_21] {strides = array<i32>} : memref<128xf32, #tpu.memory_space<vmem>>, vector<16xf32>,
    %swap3A_23 = vector.shape_cast %swap3A_22 : vector<16xf32> to vector<16xf32>
    %swap3A_24 = vector.shape_cast %broadcast_in_dim3A_20 : vector<16xf32> to vector<16xf32>
    tpu.vector_store %arg5[%swap3A_21], %swap3A_24 {strides = array<i32>} : memref<128xf32, #tpu.memory_space<vmem>>, vector<16xf32>,
    %broadcast_in_dim3A_25 = arith.constant 1.000000e+00 : f32
    %broadcast_in_dim3A_26 = vector.broadcast %broadcast_in_dim3A_25 : f32 to vector<16xf32>
    %swap3A_27 = arith.constant 64 : index
    %swap3A_28 = tpu.vector_load %arg5[%swap3A_27] {strides = array<i32>} : memref<128xf32, #tpu.memory_space<vmem>>, vector<16xf32>,
    %swap3A_29 = vector.shape_cast %swap3A_28 : vector<16xf32> to vector<16xf32>
    %swap3A_30 = vector.shape_cast %broadcast_in_dim3A_26 : vector<16xf32> to vector<16xf32>
    tpu.vector_store %arg5[%swap3A_27], %swap3A_30 {strides = array<i32>} : memref<128xf32, #tpu.memory_space<vmem>>, vector<16xf32>,
    %broadcast_in_dim3A_31 = arith.constant 1.000000e+00 : f32
    %broadcast_in_dim3A_32 = vector.broadcast %broadcast_in_dim3A_31 : f32 to vector<16xf32>
    %swap3A_33 = arith.constant 80 : index
    %swap3A_34 = tpu.vector_load %arg5[%swap3A_33] {strides = array<i32>} : memref<128xf32, #tpu.memory_space<vmem>>, vector<16xf32>,
    %swap3A_35 = vector.shape_cast %swap3A_34 : vector<16xf32> to vector<16xf32>
    %swap3A_36 = vector.shape_cast %broadcast_in_dim3A_32 : vector<16xf32> to vector<16xf32>
    tpu.vector_store %arg5[%swap3A_33], %swap3A_36 {strides = array<i32>} : memref<128xf32, #tpu.memory_space<vmem>>, vector<16xf32>,
    %broadcast_in_dim3A_37 = arith.constant 1.000000e+00 : f32
    %broadcast_in_dim3A_38 = vector.broadcast %broadcast_in_dim3A_37 : f32 to vector<16xf32>
    %swap3A_39 = arith.constant 96 : index
    %swap3A_40 = tpu.vector_load %arg5[%swap3A_39] {strides = array<i32>} : memref<128xf32, #tpu.memory_space<vmem>>, vector<16xf32>,
    %swap3A_41 = vector.shape_cast %swap3A_40 : vector<16xf32> to vector<16xf32>
    %swap3A_42 = vector.shape_cast %broadcast_in_dim3A_38 : vector<16xf32> to vector<16xf32>
    tpu.vector_store %arg5[%swap3A_39], %swap3A_42 {strides = array<i32>} : memref<128xf32, #tpu.memory_space<vmem>>, vector<16xf32>,
    %broadcast_in_dim3A_43 = arith.constant 1.000000e+00 : f32
    %broadcast_in_dim3A_44 = vector.broadcast %broadcast_in_dim3A_43 : f32 to vector<16xf32>
    %swap3A_45 = arith.constant 112 : index
    %swap3A_46 = tpu.vector_load %arg5[%swap3A_45] {strides = array<i32>} : memref<128xf32, #tpu.memory_space<vmem>>, vector<16xf32>,
    %swap3A_47 = vector.shape_cast %swap3A_46 : vector<16xf32> to vector<16xf32>
    %swap3A_48 = vector.shape_cast %broadcast_in_dim3A_44 : vector<16xf32> to vector<16xf32>
    tpu.vector_store %arg5[%swap3A_45], %swap3A_48 {strides = array<i32>} : memref<128xf32, #tpu.memory_space<vmem>>, vector<16xf32>,
    %scan3A = arith.constant 0 : i32
    %scan3A_49 = arith.constant 0 : i32
    %scan3A_50 = arith.constant 40 : i32
    %scan3A_51 = arith.addi %scan3A_49, %scan3A_50 : i32
    %scan3A_52 = arith.constant 1 : i32
    scf.for %scan3A_70 = %scan3A_49 to %scan3A_51 step %scan3A_52  : i32 {
      %broadcast_in_dim3A_71 = arith.constant 0.000000e+00 : f32
      %broadcast_in_dim3A_72 = vector.broadcast %broadcast_in_dim3A_71 : f32 to vector<16xf32>
      %mul3A_73 = arith.constant 16 : i32
      %mul3A_74 = arith.muli %scan3A_70, %mul3A_73 : i32
      %swap3A_75 = arith.index_cast %mul3A_74 : i32 to index
      %swap3A_76 = tpu.vector_load %arg6[%swap3A_75] {strides = array<i32>} : memref<640xf32, #tpu.memory_space<vmem>>, vector<16xf32>,
      %swap3A_77 = vector.shape_cast %swap3A_76 : vector<16xf32> to vector<16xf32>
      %swap3A_78 = vector.shape_cast %broadcast_in_dim3A_72 : vector<16xf32> to vector<16xf32>
      tpu.vector_store %arg6[%swap3A_75], %swap3A_78 {strides = array<i32>} : memref<640xf32, #tpu.memory_space<vmem>>, vector<16xf32>,
    }
    %scan3A_53 = arith.constant 40 : i32
    %mul3A_54 = arith.constant 640 : i32
    %mul3A_55 = arith.muli %arg1, %mul3A_54 : i32
    "tpu.region"() ({
      %run_scoped3A = tpu.sem_alloc : memref<!tpu.dma_semaphore, #tpu.memory_space<semaphore_mem>>
      %dma_start3A = arith.constant 0 : i32
      %dma_start3A_70 = tpu.memref_slice %arg6[%dma_start3A] : memref<640xf32, #tpu.memory_space<vmem>> -> memref<640xf32, #tpu.memory_space<vmem>>
      %dma_start3A_71 = tpu.memref_slice %arg7[%mul3A_55] : memref<10240xf32, #tpu.memory_space<vmem_shared>> -> memref<640xf32, #tpu.memory_space<vmem_shared>>
      %dma_start3A_72 = tpu.memref_slice %arg7[%mul3A_55] : memref<10240xf32, #tpu.memory_space<vmem_shared>> -> memref<640xf32, #tpu.memory_space<vmem_shared>>
      %dma_start3A_73 = arith.constant 0 : i32
      %dma_start3A_74 = tpu.memref_slice %arg6[%dma_start3A_73] : memref<640xf32, #tpu.memory_space<vmem>> -> memref<640xf32, #tpu.memory_space<vmem>>
      tpu.enqueue_dma source(%dma_start3A_74 : memref<640xf32, #tpu.memory_space<vmem>>) target(%dma_start3A_72 : memref<640xf32, #tpu.memory_space<vmem_shared>>) target_semaphore(%run_scoped3A : memref<!tpu.dma_semaphore, #tpu.memory_space<semaphore_mem>>)
      %dma_wait3A = arith.constant 0 : i32
      %dma_wait3A_75 = tpu.memref_slice %arg6[%dma_wait3A] : memref<640xf32, #tpu.memory_space<vmem>> -> memref<640xf32, #tpu.memory_space<vmem>>
      %dma_wait3A_76 = tpu.memref_slice %arg7[%mul3A_55] : memref<10240xf32, #tpu.memory_space<vmem_shared>> -> memref<640xf32, #tpu.memory_space<vmem_shared>>
      %dma_wait3A_77 = tpu.memref_slice %arg7[%mul3A_55] : memref<10240xf32, #tpu.memory_space<vmem_shared>> -> memref<640xf32, #tpu.memory_space<vmem_shared>>
      %dma_wait3A_78 = arith.constant 0 : i32
      %dma_wait3A_79 = tpu.memref_slice %arg6[%dma_wait3A_78] : memref<640xf32, #tpu.memory_space<vmem>> -> memref<640xf32, #tpu.memory_space<vmem>>
      tpu.wait_dma2 semaphore(%run_scoped3A : memref<!tpu.dma_semaphore, #tpu.memory_space<semaphore_mem>>) src(%dma_wait3A_79 : memref<640xf32, #tpu.memory_space<vmem>>) dst(%dma_wait3A_77 : memref<640xf32, #tpu.memory_space<vmem_shared>>)
      tpu.yield
    }) : () -> ()
    "tpu.region"() ({
      %run_scoped3A = tpu.sem_alloc : memref<!tpu.dma_semaphore, #tpu.memory_space<semaphore_mem>>
      %dma_start3A = arith.constant 0 : i32
      %dma_start3A_70 = arith.constant 0 : i32
      %dma_start3A_71 = tpu.memref_slice %arg2[%add3A, %dma_start3A, %dma_start3A_70] : memref<32x108x128xi32, #tpu.memory_space<hbm>> -> memref<1x108x128xi32, #tpu.memory_space<hbm>>
      %dma_start3A_72 = tpu.memref_squeeze %dma_start3A_71 : memref<1x108x128xi32, #tpu.memory_space<hbm>> -> memref<108x128xi32, #tpu.memory_space<hbm>>
      %dma_start3A_73 = arith.constant 0 : i32
      %dma_start3A_74 = arith.constant 0 : i32
      %dma_start3A_75 = tpu.memref_slice %arg2[%add3A, %dma_start3A_73, %dma_start3A_74] : memref<32x108x128xi32, #tpu.memory_space<hbm>> -> memref<1x108x128xi32, #tpu.memory_space<hbm>>
      %dma_start3A_76 = tpu.memref_squeeze %dma_start3A_75 : memref<1x108x128xi32, #tpu.memory_space<hbm>> -> memref<108x128xi32, #tpu.memory_space<hbm>>
      tpu.enqueue_dma source(%dma_start3A_76 : memref<108x128xi32, #tpu.memory_space<hbm>>) target(%arg4 : memref<108x128xi32, #tpu.memory_space<vmem>>) target_semaphore(%run_scoped3A : memref<!tpu.dma_semaphore, #tpu.memory_space<semaphore_mem>>)
      %dma_wait3A = arith.constant 0 : i32
      %dma_wait3A_77 = arith.constant 0 : i32
      %dma_wait3A_78 = tpu.memref_slice %arg2[%add3A, %dma_wait3A, %dma_wait3A_77] : memref<32x108x128xi32, #tpu.memory_space<hbm>> -> memref<1x108x128xi32, #tpu.memory_space<hbm>>
      %dma_wait3A_79 = tpu.memref_squeeze %dma_wait3A_78 : memref<1x108x128xi32, #tpu.memory_space<hbm>> -> memref<108x128xi32, #tpu.memory_space<hbm>>
      %dma_wait3A_80 = arith.constant 0 : i32
      %dma_wait3A_81 = arith.constant 0 : i32
      %dma_wait3A_82 = tpu.memref_slice %arg2[%add3A, %dma_wait3A_80, %dma_wait3A_81] : memref<32x108x128xi32, #tpu.memory_space<hbm>> -> memref<1x108x128xi32, #tpu.memory_space<hbm>>
      %dma_wait3A_83 = tpu.memref_squeeze %dma_wait3A_82 : memref<1x108x128xi32, #tpu.memory_space<hbm>> -> memref<108x128xi32, #tpu.memory_space<hbm>>
      tpu.wait_dma2 semaphore(%run_scoped3A : memref<!tpu.dma_semaphore, #tpu.memory_space<semaphore_mem>>) src(%dma_wait3A_83 : memref<108x128xi32, #tpu.memory_space<hbm>>) dst(%arg4 : memref<108x128xi32, #tpu.memory_space<vmem>>)
      tpu.yield
    }) : () -> ()
    %barrier3A = arith.constant 0 : index
    tpu.barrier barrier_id(%barrier3A)
    %while3A = arith.constant 0 : i32
    %while3A_56 = arith.constant 0 : i32
    %while3A_57 = arith.subi %select_n3A, %while3A_56 : i32
    %while3A_58 = arith.addi %while3A_56, %while3A_57 : i32
    %while3A_59 = arith.constant 1 : i32
    %while3A_60 = arith.divsi %while3A_57, %while3A_59 : i32
    %while3A_61 = arith.muli %while3A_60, %while3A_59 : i32
    %while3A_62 = arith.addi %while3A_56, %while3A_61 : i32
    %while3A_63 = arith.constant 1 : i32
    scf.for %while3A_70 = %while3A_56 to %while3A_62 step %while3A_63  : i32 {
      "tpu.region"() ({
        %run_scoped3A = tpu.sem_alloc : memref<!tpu.dma_semaphore, #tpu.memory_space<semaphore_mem>>
        %dma_start3A = arith.constant 0 : i32
        %dma_start3A_71 = tpu.memref_slice %arg4[%while3A_70, %dma_start3A] : memref<108x128xi32, #tpu.memory_space<vmem>> -> memref<1x128xi32, #tpu.memory_space<vmem>>
        %dma_start3A_72 = tpu.memref_squeeze %dma_start3A_71 : memref<1x128xi32, #tpu.memory_space<vmem>> -> memref<128xi32, #tpu.memory_space<vmem>>
        %dma_start3A_73 = arith.constant 0 : i32
        %dma_start3A_74 = tpu.memref_slice %arg7[%dma_start3A_73] : memref<10240xf32, #tpu.memory_space<vmem_shared>> -> memref<10240xf32, #tpu.memory_space<vmem_shared>>
        tpu.enqueue_indirect_dma source(%arg5 : memref<128xf32, #tpu.memory_space<vmem>>) target(%dma_start3A_74 : memref<10240xf32, #tpu.memory_space<vmem_shared>>) offsets(%dma_start3A_72 : memref<128xi32, #tpu.memory_space<vmem>>) semaphore(%run_scoped3A : memref<!tpu.dma_semaphore, #tpu.memory_space<semaphore_mem>>) {add = true}
        %dma_wait3A = arith.constant 0 : i32
        %dma_wait3A_75 = tpu.memref_slice %arg4[%while3A_70, %dma_wait3A] : memref<108x128xi32, #tpu.memory_space<vmem>> -> memref<1x128xi32, #tpu.memory_space<vmem>>
        %dma_wait3A_76 = tpu.memref_squeeze %dma_wait3A_75 : memref<1x128xi32, #tpu.memory_space<vmem>> -> memref<128xi32, #tpu.memory_space<vmem>>
        %dma_wait3A_77 = arith.constant 0 : i32
        %dma_wait3A_78 = tpu.memref_slice %arg7[%dma_wait3A_77] : memref<10240xf32, #tpu.memory_space<vmem_shared>> -> memref<10240xf32, #tpu.memory_space<vmem_shared>>
        tpu.wait_indirect_dma semaphore(%run_scoped3A : memref<!tpu.dma_semaphore, #tpu.memory_space<semaphore_mem>>) src(%arg5 : memref<128xf32, #tpu.memory_space<vmem>>) dst(%dma_wait3A_78 : memref<10240xf32, #tpu.memory_space<vmem_shared>>)
        tpu.yield
      }) : () -> ()
    }
    %while3A_64 = arith.constant 1 : i32
    scf.for %while3A_70 = %while3A_62 to %while3A_58 step %while3A_64  : i32 {
      "tpu.region"() ({
        %run_scoped3A = tpu.sem_alloc : memref<!tpu.dma_semaphore, #tpu.memory_space<semaphore_mem>>
        %dma_start3A = arith.constant 0 : i32
        %dma_start3A_71 = tpu.memref_slice %arg4[%while3A_70, %dma_start3A] : memref<108x128xi32, #tpu.memory_space<vmem>> -> memref<1x128xi32, #tpu.memory_space<vmem>>
        %dma_start3A_72 = tpu.memref_squeeze %dma_start3A_71 : memref<1x128xi32, #tpu.memory_space<vmem>> -> memref<128xi32, #tpu.memory_space<vmem>>
        %dma_start3A_73 = arith.constant 0 : i32
        %dma_start3A_74 = tpu.memref_slice %arg7[%dma_start3A_73] : memref<10240xf32, #tpu.memory_space<vmem_shared>> -> memref<10240xf32, #tpu.memory_space<vmem_shared>>
        tpu.enqueue_indirect_dma source(%arg5 : memref<128xf32, #tpu.memory_space<vmem>>) target(%dma_start3A_74 : memref<10240xf32, #tpu.memory_space<vmem_shared>>) offsets(%dma_start3A_72 : memref<128xi32, #tpu.memory_space<vmem>>) semaphore(%run_scoped3A : memref<!tpu.dma_semaphore, #tpu.memory_space<semaphore_mem>>) {add = true}
        %dma_wait3A = arith.constant 0 : i32
        %dma_wait3A_75 = tpu.memref_slice %arg4[%while3A_70, %dma_wait3A] : memref<108x128xi32, #tpu.memory_space<vmem>> -> memref<1x128xi32, #tpu.memory_space<vmem>>
        %dma_wait3A_76 = tpu.memref_squeeze %dma_wait3A_75 : memref<1x128xi32, #tpu.memory_space<vmem>> -> memref<128xi32, #tpu.memory_space<vmem>>
        %dma_wait3A_77 = arith.constant 0 : i32
        %dma_wait3A_78 = tpu.memref_slice %arg7[%dma_wait3A_77] : memref<10240xf32, #tpu.memory_space<vmem_shared>> -> memref<10240xf32, #tpu.memory_space<vmem_shared>>
        tpu.wait_indirect_dma semaphore(%run_scoped3A : memref<!tpu.dma_semaphore, #tpu.memory_space<semaphore_mem>>) src(%arg5 : memref<128xf32, #tpu.memory_space<vmem>>) dst(%dma_wait3A_78 : memref<10240xf32, #tpu.memory_space<vmem_shared>>)
        tpu.yield
      }) : () -> ()
    }
    %barrier3A_65 = arith.constant 0 : index
    tpu.barrier barrier_id(%barrier3A_65)
    %mul3A_66 = arith.constant 640 : i32
    %mul3A_67 = arith.muli %arg1, %mul3A_66 : i32
    %mul3A_68 = arith.constant 640 : i32
    %mul3A_69 = arith.muli %arg1, %mul3A_68 : i32
    "tpu.region"() ({
      %run_scoped3A = tpu.sem_alloc : memref<!tpu.dma_semaphore, #tpu.memory_space<semaphore_mem>>
      %dma_start3A = tpu.memref_slice %arg3[%arg0, %mul3A_69] : memref<2x10240xf32, #tpu.memory_space<hbm>> -> memref<1x640xf32, #tpu.memory_space<hbm>>
      %dma_start3A_70 = tpu.memref_squeeze %dma_start3A : memref<1x640xf32, #tpu.memory_space<hbm>> -> memref<640xf32, #tpu.memory_space<hbm>>
      %dma_start3A_71 = tpu.memref_slice %arg7[%mul3A_67] : memref<10240xf32, #tpu.memory_space<vmem_shared>> -> memref<640xf32, #tpu.memory_space<vmem_shared>>
      tpu.enqueue_dma source(%dma_start3A_71 : memref<640xf32, #tpu.memory_space<vmem_shared>>) target(%dma_start3A_70 : memref<640xf32, #tpu.memory_space<hbm>>) target_semaphore(%run_scoped3A : memref<!tpu.dma_semaphore, #tpu.memory_space<semaphore_mem>>)
      %dma_wait3A = tpu.memref_slice %arg3[%arg0, %mul3A_69] : memref<2x10240xf32, #tpu.memory_space<hbm>> -> memref<1x640xf32, #tpu.memory_space<hbm>>
      %dma_wait3A_72 = tpu.memref_squeeze %dma_wait3A : memref<1x640xf32, #tpu.memory_space<hbm>> -> memref<640xf32, #tpu.memory_space<hbm>>
      %dma_wait3A_73 = tpu.memref_slice %arg7[%mul3A_67] : memref<10240xf32, #tpu.memory_space<vmem_shared>> -> memref<640xf32, #tpu.memory_space<vmem_shared>>
      tpu.wait_dma2 semaphore(%run_scoped3A : memref<!tpu.dma_semaphore, #tpu.memory_space<semaphore_mem>>) src(%dma_wait3A_73 : memref<640xf32, #tpu.memory_space<vmem_shared>>) dst(%dma_wait3A_72 : memref<640xf32, #tpu.memory_space<hbm>>)
      tpu.yield
    }) : () -> ()
    return
  }
}

#map = affine_map<(d0, d1) -> (0, 0)>
#map1 = affine_map<(d0, d1) -> (0, 0, 0)>
module attributes {stable_mosaic.version = 14 : i64} {
  func.func @edge_kernel(%arg0: i32, %arg1: i32, %arg2: memref<10240x128xf32, #tpu.memory_space<hbm>>, %arg3: memref<32x108x128xi32, #tpu.memory_space<hbm>>, %arg4: memref<2x10240x128xf32, #tpu.memory_space<hbm>>, %arg5: memref<108x128xi32, #tpu.memory_space<vmem>>, %arg6: memref<2x128xi32, #tpu.memory_space<vmem>>, %arg7: memref<2x128xi32, #tpu.memory_space<vmem>>, %arg8: memref<128x128xf32, #tpu.memory_space<vmem>>, %arg9: memref<128x128xf32, #tpu.memory_space<vmem>>, %arg10: memref<10240x128xf32, #tpu.memory_space<vmem_shared>>, %arg11: memref<!tpu.dma_semaphore, #tpu.memory_space<semaphore_mem>>, %arg12: memref<!tpu.dma_semaphore, #tpu.memory_space<semaphore_mem>>, %arg13: memref<!tpu.dma_semaphore, #tpu.memory_space<semaphore_mem>>, %arg14: memref<!tpu.dma_semaphore, #tpu.memory_space<semaphore_mem>>) attributes {dimension_semantics = [#tpu.dimension_semantics<core_parallel>, #tpu.dimension_semantics<subcore_parallel>], iteration_bounds = array<i64: 2, 16>, scalar_prefetch = 0 : i64, scratch_operands = 10 : i64, tpu.core_type = #tpu.core_type<sc_vector_subcore>, window_params = [{transform_indices = #map}, {transform_indices = #map1}, {transform_indices = #map1}]} {
    %mul3A = arith.constant 16 : i32
    %mul3A_0 = arith.muli %arg0, %mul3A : i32
    %add3A = arith.addi %mul3A_0, %arg1 : i32
    %eq3A = arith.constant 0 : i32
    %eq3A_1 = arith.cmpi eq, %arg0, %eq3A : i32
    %jit3A = arith.constant 108 : i32
    %jit3A_2 = arith.constant 50 : i32
    %select_n3A = arith.select %eq3A_1, %jit3A, %jit3A_2 : i32
    %scan3A = arith.constant 0 : i32
    %scan3A_3 = arith.constant 0 : i32
    %scan3A_4 = arith.constant 1024 : i32
    %scan3A_5 = arith.addi %scan3A_3, %scan3A_4 : i32
    %scan3A_6 = arith.constant 1 : i32
    scf.for %scan3A_269 = %scan3A_3 to %scan3A_5 step %scan3A_6  : i32 {
      %jit3A_270 = arith.constant 8 : i32
      %div3A_271 = arith.divsi %scan3A_269, %jit3A_270 : i32
      %sign3A_272 = arith.constant 0 : i32
      %sign3A_273 = arith.cmpi sgt, %scan3A_269, %sign3A_272 : i32
      %sign3A_274 = arith.extui %sign3A_273 : i1 to i32
      %sign3A_275 = arith.constant 0 : i32
      %sign3A_276 = arith.cmpi slt, %scan3A_269, %sign3A_275 : i32
      %sign3A_277 = arith.extui %sign3A_276 : i1 to i32
      %sign3A_278 = arith.subi %sign3A_274, %sign3A_277 : i32
      %sign3A_279 = arith.constant 0 : i32
      %sign3A_280 = arith.cmpi sgt, %jit3A_270, %sign3A_279 : i32
      %sign3A_281 = arith.extui %sign3A_280 : i1 to i32
      %sign3A_282 = arith.constant 0 : i32
      %sign3A_283 = arith.cmpi slt, %jit3A_270, %sign3A_282 : i32
      %sign3A_284 = arith.extui %sign3A_283 : i1 to i32
      %sign3A_285 = arith.subi %sign3A_281, %sign3A_284 : i32
      %ne3A_286 = arith.cmpi ne, %sign3A_278, %sign3A_285 : i32
      %rem3A_287 = arith.remsi %scan3A_269, %jit3A_270 : i32
      %ne3A_288 = arith.constant 0 : i32
      %ne3A_289 = arith.cmpi ne, %rem3A_287, %ne3A_288 : i32
      %and3A_290 = arith.andi %ne3A_286, %ne3A_289 : i1
      %sub3A_291 = arith.constant 1 : i32
      %sub3A_292 = arith.subi %div3A_271, %sub3A_291 : i32
      %select_n3A_293 = arith.select %and3A_290, %sub3A_292, %div3A_271 : i32
      %jit3A_294 = arith.constant 8 : i32
      %eq3A_295 = arith.constant 0 : i32
      %eq3A_296 = arith.cmpi eq, %jit3A_294, %eq3A_295 : i32
      %jit3A_297 = arith.constant 1 : i32
      %select_n3A_298 = arith.select %eq3A_296, %jit3A_297, %jit3A_294 : i32
      %rem3A_299 = arith.remsi %scan3A_269, %select_n3A_298 : i32
      %ne3A_300 = arith.constant 0 : i32
      %ne3A_301 = arith.cmpi ne, %rem3A_299, %ne3A_300 : i32
      %lt3A = arith.constant 0 : i32
      %lt3A_302 = arith.cmpi slt, %rem3A_299, %lt3A : i32
      %lt3A_303 = arith.constant 0 : i32
      %lt3A_304 = arith.cmpi slt, %select_n3A_298, %lt3A_303 : i32
      %ne3A_305 = arith.xori %lt3A_302, %lt3A_304 : i1
      %and3A_306 = arith.andi %ne3A_305, %ne3A_301 : i1
      %add3A_307 = arith.addi %rem3A_299, %select_n3A_298 : i32
      %select_n3A_308 = arith.select %and3A_306, %add3A_307, %rem3A_299 : i32
      %mul3A_309 = arith.constant 16 : i32
      %mul3A_310 = arith.muli %select_n3A_308, %mul3A_309 : i32
      %broadcast_in_dim3A = arith.constant 0.000000e+00 : f32
      %broadcast_in_dim3A_311 = vector.broadcast %broadcast_in_dim3A : f32 to vector<16xf32>
      %swap3A_312 = arith.index_cast %select_n3A_293 : i32 to index
      %swap3A_313 = arith.index_cast %mul3A_310 : i32 to index
      %swap3A_314 = tpu.vector_load %arg8[%swap3A_312, %swap3A_313] {strides = array<i32>} : memref<128x128xf32, #tpu.memory_space<vmem>>, vector<1x16xf32>,
      %swap3A_315 = vector.shape_cast %swap3A_314 : vector<1x16xf32> to vector<16xf32>
      %swap3A_316 = vector.shape_cast %broadcast_in_dim3A_311 : vector<16xf32> to vector<1x16xf32>
      tpu.vector_store %arg8[%swap3A_312, %swap3A_313], %swap3A_316 {strides = array<i32>} : memref<128x128xf32, #tpu.memory_space<vmem>>, vector<1x16xf32>,
    }
    %scan3A_7 = arith.constant 1024 : i32
    %mul3A_8 = arith.constant 640 : i32
    %mul3A_9 = arith.muli %arg1, %mul3A_8 : i32
    %add3A_10 = arith.constant 0 : i32
    %add3A_11 = arith.addi %mul3A_9, %add3A_10 : i32
    "tpu.region"() ({
      %run_scoped3A = tpu.sem_alloc : memref<!tpu.dma_semaphore, #tpu.memory_space<semaphore_mem>>
      %dma_start3A_269 = arith.constant 0 : i32
      %dma_start3A_270 = tpu.memref_slice %arg10[%add3A_11, %dma_start3A_269] : memref<10240x128xf32, #tpu.memory_space<vmem_shared>> -> memref<128x128xf32, #tpu.memory_space<vmem_shared>>
      %dma_start3A_271 = arith.constant 0 : i32
      %dma_start3A_272 = tpu.memref_slice %arg10[%add3A_11, %dma_start3A_271] : memref<10240x128xf32, #tpu.memory_space<vmem_shared>> -> memref<128x128xf32, #tpu.memory_space<vmem_shared>>
      tpu.enqueue_dma source(%arg8 : memref<128x128xf32, #tpu.memory_space<vmem>>) target(%dma_start3A_272 : memref<128x128xf32, #tpu.memory_space<vmem_shared>>) target_semaphore(%run_scoped3A : memref<!tpu.dma_semaphore, #tpu.memory_space<semaphore_mem>>)
      %dma_wait3A_273 = arith.constant 0 : i32
      %dma_wait3A_274 = tpu.memref_slice %arg10[%add3A_11, %dma_wait3A_273] : memref<10240x128xf32, #tpu.memory_space<vmem_shared>> -> memref<128x128xf32, #tpu.memory_space<vmem_shared>>
      %dma_wait3A_275 = arith.constant 0 : i32
      %dma_wait3A_276 = tpu.memref_slice %arg10[%add3A_11, %dma_wait3A_275] : memref<10240x128xf32, #tpu.memory_space<vmem_shared>> -> memref<128x128xf32, #tpu.memory_space<vmem_shared>>
      tpu.wait_dma2 semaphore(%run_scoped3A : memref<!tpu.dma_semaphore, #tpu.memory_space<semaphore_mem>>) src(%arg8 : memref<128x128xf32, #tpu.memory_space<vmem>>) dst(%dma_wait3A_276 : memref<128x128xf32, #tpu.memory_space<vmem_shared>>)
      tpu.yield
    }) : () -> ()
    %mul3A_12 = arith.constant 640 : i32
    %mul3A_13 = arith.muli %arg1, %mul3A_12 : i32
    %add3A_14 = arith.constant 128 : i32
    %add3A_15 = arith.addi %mul3A_13, %add3A_14 : i32
    "tpu.region"() ({
      %run_scoped3A = tpu.sem_alloc : memref<!tpu.dma_semaphore, #tpu.memory_space<semaphore_mem>>
      %dma_start3A_269 = arith.constant 0 : i32
      %dma_start3A_270 = tpu.memref_slice %arg10[%add3A_15, %dma_start3A_269] : memref<10240x128xf32, #tpu.memory_space<vmem_shared>> -> memref<128x128xf32, #tpu.memory_space<vmem_shared>>
      %dma_start3A_271 = arith.constant 0 : i32
      %dma_start3A_272 = tpu.memref_slice %arg10[%add3A_15, %dma_start3A_271] : memref<10240x128xf32, #tpu.memory_space<vmem_shared>> -> memref<128x128xf32, #tpu.memory_space<vmem_shared>>
      tpu.enqueue_dma source(%arg8 : memref<128x128xf32, #tpu.memory_space<vmem>>) target(%dma_start3A_272 : memref<128x128xf32, #tpu.memory_space<vmem_shared>>) target_semaphore(%run_scoped3A : memref<!tpu.dma_semaphore, #tpu.memory_space<semaphore_mem>>)
      %dma_wait3A_273 = arith.constant 0 : i32
      %dma_wait3A_274 = tpu.memref_slice %arg10[%add3A_15, %dma_wait3A_273] : memref<10240x128xf32, #tpu.memory_space<vmem_shared>> -> memref<128x128xf32, #tpu.memory_space<vmem_shared>>
      %dma_wait3A_275 = arith.constant 0 : i32
      %dma_wait3A_276 = tpu.memref_slice %arg10[%add3A_15, %dma_wait3A_275] : memref<10240x128xf32, #tpu.memory_space<vmem_shared>> -> memref<128x128xf32, #tpu.memory_space<vmem_shared>>
      tpu.wait_dma2 semaphore(%run_scoped3A : memref<!tpu.dma_semaphore, #tpu.memory_space<semaphore_mem>>) src(%arg8 : memref<128x128xf32, #tpu.memory_space<vmem>>) dst(%dma_wait3A_276 : memref<128x128xf32, #tpu.memory_space<vmem_shared>>)
      tpu.yield
    }) : () -> ()
    %mul3A_16 = arith.constant 640 : i32
    %mul3A_17 = arith.muli %arg1, %mul3A_16 : i32
    %add3A_18 = arith.constant 256 : i32
    %add3A_19 = arith.addi %mul3A_17, %add3A_18 : i32
    "tpu.region"() ({
      %run_scoped3A = tpu.sem_alloc : memref<!tpu.dma_semaphore, #tpu.memory_space<semaphore_mem>>
      %dma_start3A_269 = arith.constant 0 : i32
      %dma_start3A_270 = tpu.memref_slice %arg10[%add3A_19, %dma_start3A_269] : memref<10240x128xf32, #tpu.memory_space<vmem_shared>> -> memref<128x128xf32, #tpu.memory_space<vmem_shared>>
      %dma_start3A_271 = arith.constant 0 : i32
      %dma_start3A_272 = tpu.memref_slice %arg10[%add3A_19, %dma_start3A_271] : memref<10240x128xf32, #tpu.memory_space<vmem_shared>> -> memref<128x128xf32, #tpu.memory_space<vmem_shared>>
      tpu.enqueue_dma source(%arg8 : memref<128x128xf32, #tpu.memory_space<vmem>>) target(%dma_start3A_272 : memref<128x128xf32, #tpu.memory_space<vmem_shared>>) target_semaphore(%run_scoped3A : memref<!tpu.dma_semaphore, #tpu.memory_space<semaphore_mem>>)
      %dma_wait3A_273 = arith.constant 0 : i32
      %dma_wait3A_274 = tpu.memref_slice %arg10[%add3A_19, %dma_wait3A_273] : memref<10240x128xf32, #tpu.memory_space<vmem_shared>> -> memref<128x128xf32, #tpu.memory_space<vmem_shared>>
      %dma_wait3A_275 = arith.constant 0 : i32
      %dma_wait3A_276 = tpu.memref_slice %arg10[%add3A_19, %dma_wait3A_275] : memref<10240x128xf32, #tpu.memory_space<vmem_shared>> -> memref<128x128xf32, #tpu.memory_space<vmem_shared>>
      tpu.wait_dma2 semaphore(%run_scoped3A : memref<!tpu.dma_semaphore, #tpu.memory_space<semaphore_mem>>) src(%arg8 : memref<128x128xf32, #tpu.memory_space<vmem>>) dst(%dma_wait3A_276 : memref<128x128xf32, #tpu.memory_space<vmem_shared>>)
      tpu.yield
    }) : () -> ()
    %mul3A_20 = arith.constant 640 : i32
    %mul3A_21 = arith.muli %arg1, %mul3A_20 : i32
    %add3A_22 = arith.constant 384 : i32
    %add3A_23 = arith.addi %mul3A_21, %add3A_22 : i32
    "tpu.region"() ({
      %run_scoped3A = tpu.sem_alloc : memref<!tpu.dma_semaphore, #tpu.memory_space<semaphore_mem>>
      %dma_start3A_269 = arith.constant 0 : i32
      %dma_start3A_270 = tpu.memref_slice %arg10[%add3A_23, %dma_start3A_269] : memref<10240x128xf32, #tpu.memory_space<vmem_shared>> -> memref<128x128xf32, #tpu.memory_space<vmem_shared>>
      %dma_start3A_271 = arith.constant 0 : i32
      %dma_start3A_272 = tpu.memref_slice %arg10[%add3A_23, %dma_start3A_271] : memref<10240x128xf32, #tpu.memory_space<vmem_shared>> -> memref<128x128xf32, #tpu.memory_space<vmem_shared>>
      tpu.enqueue_dma source(%arg8 : memref<128x128xf32, #tpu.memory_space<vmem>>) target(%dma_start3A_272 : memref<128x128xf32, #tpu.memory_space<vmem_shared>>) target_semaphore(%run_scoped3A : memref<!tpu.dma_semaphore, #tpu.memory_space<semaphore_mem>>)
      %dma_wait3A_273 = arith.constant 0 : i32
      %dma_wait3A_274 = tpu.memref_slice %arg10[%add3A_23, %dma_wait3A_273] : memref<10240x128xf32, #tpu.memory_space<vmem_shared>> -> memref<128x128xf32, #tpu.memory_space<vmem_shared>>
      %dma_wait3A_275 = arith.constant 0 : i32
      %dma_wait3A_276 = tpu.memref_slice %arg10[%add3A_23, %dma_wait3A_275] : memref<10240x128xf32, #tpu.memory_space<vmem_shared>> -> memref<128x128xf32, #tpu.memory_space<vmem_shared>>
      tpu.wait_dma2 semaphore(%run_scoped3A : memref<!tpu.dma_semaphore, #tpu.memory_space<semaphore_mem>>) src(%arg8 : memref<128x128xf32, #tpu.memory_space<vmem>>) dst(%dma_wait3A_276 : memref<128x128xf32, #tpu.memory_space<vmem_shared>>)
      tpu.yield
    }) : () -> ()
    %mul3A_24 = arith.constant 640 : i32
    %mul3A_25 = arith.muli %arg1, %mul3A_24 : i32
    %add3A_26 = arith.constant 512 : i32
    %add3A_27 = arith.addi %mul3A_25, %add3A_26 : i32
    "tpu.region"() ({
      %run_scoped3A = tpu.sem_alloc : memref<!tpu.dma_semaphore, #tpu.memory_space<semaphore_mem>>
      %dma_start3A_269 = arith.constant 0 : i32
      %dma_start3A_270 = tpu.memref_slice %arg10[%add3A_27, %dma_start3A_269] : memref<10240x128xf32, #tpu.memory_space<vmem_shared>> -> memref<128x128xf32, #tpu.memory_space<vmem_shared>>
      %dma_start3A_271 = arith.constant 0 : i32
      %dma_start3A_272 = tpu.memref_slice %arg10[%add3A_27, %dma_start3A_271] : memref<10240x128xf32, #tpu.memory_space<vmem_shared>> -> memref<128x128xf32, #tpu.memory_space<vmem_shared>>
      tpu.enqueue_dma source(%arg8 : memref<128x128xf32, #tpu.memory_space<vmem>>) target(%dma_start3A_272 : memref<128x128xf32, #tpu.memory_space<vmem_shared>>) target_semaphore(%run_scoped3A : memref<!tpu.dma_semaphore, #tpu.memory_space<semaphore_mem>>)
      %dma_wait3A_273 = arith.constant 0 : i32
      %dma_wait3A_274 = tpu.memref_slice %arg10[%add3A_27, %dma_wait3A_273] : memref<10240x128xf32, #tpu.memory_space<vmem_shared>> -> memref<128x128xf32, #tpu.memory_space<vmem_shared>>
      %dma_wait3A_275 = arith.constant 0 : i32
      %dma_wait3A_276 = tpu.memref_slice %arg10[%add3A_27, %dma_wait3A_275] : memref<10240x128xf32, #tpu.memory_space<vmem_shared>> -> memref<128x128xf32, #tpu.memory_space<vmem_shared>>
      tpu.wait_dma2 semaphore(%run_scoped3A : memref<!tpu.dma_semaphore, #tpu.memory_space<semaphore_mem>>) src(%arg8 : memref<128x128xf32, #tpu.memory_space<vmem>>) dst(%dma_wait3A_276 : memref<128x128xf32, #tpu.memory_space<vmem_shared>>)
      tpu.yield
    }) : () -> ()
    "tpu.region"() ({
      %run_scoped3A = tpu.sem_alloc : memref<!tpu.dma_semaphore, #tpu.memory_space<semaphore_mem>>
      %dma_start3A_269 = arith.constant 0 : i32
      %dma_start3A_270 = arith.constant 0 : i32
      %dma_start3A_271 = tpu.memref_slice %arg3[%add3A, %dma_start3A_269, %dma_start3A_270] : memref<32x108x128xi32, #tpu.memory_space<hbm>> -> memref<1x108x128xi32, #tpu.memory_space<hbm>>
      %dma_start3A_272 = tpu.memref_squeeze %dma_start3A_271 : memref<1x108x128xi32, #tpu.memory_space<hbm>> -> memref<108x128xi32, #tpu.memory_space<hbm>>
      %dma_start3A_273 = arith.constant 0 : i32
      %dma_start3A_274 = arith.constant 0 : i32
      %dma_start3A_275 = tpu.memref_slice %arg3[%add3A, %dma_start3A_273, %dma_start3A_274] : memref<32x108x128xi32, #tpu.memory_space<hbm>> -> memref<1x108x128xi32, #tpu.memory_space<hbm>>
      %dma_start3A_276 = tpu.memref_squeeze %dma_start3A_275 : memref<1x108x128xi32, #tpu.memory_space<hbm>> -> memref<108x128xi32, #tpu.memory_space<hbm>>
      tpu.enqueue_dma source(%dma_start3A_276 : memref<108x128xi32, #tpu.memory_space<hbm>>) target(%arg5 : memref<108x128xi32, #tpu.memory_space<vmem>>) target_semaphore(%run_scoped3A : memref<!tpu.dma_semaphore, #tpu.memory_space<semaphore_mem>>)
      %dma_wait3A_277 = arith.constant 0 : i32
      %dma_wait3A_278 = arith.constant 0 : i32
      %dma_wait3A_279 = tpu.memref_slice %arg3[%add3A, %dma_wait3A_277, %dma_wait3A_278] : memref<32x108x128xi32, #tpu.memory_space<hbm>> -> memref<1x108x128xi32, #tpu.memory_space<hbm>>
      %dma_wait3A_280 = tpu.memref_squeeze %dma_wait3A_279 : memref<1x108x128xi32, #tpu.memory_space<hbm>> -> memref<108x128xi32, #tpu.memory_space<hbm>>
      %dma_wait3A_281 = arith.constant 0 : i32
      %dma_wait3A_282 = arith.constant 0 : i32
      %dma_wait3A_283 = tpu.memref_slice %arg3[%add3A, %dma_wait3A_281, %dma_wait3A_282] : memref<32x108x128xi32, #tpu.memory_space<hbm>> -> memref<1x108x128xi32, #tpu.memory_space<hbm>>
      %dma_wait3A_284 = tpu.memref_squeeze %dma_wait3A_283 : memref<1x108x128xi32, #tpu.memory_space<hbm>> -> memref<108x128xi32, #tpu.memory_space<hbm>>
      tpu.wait_dma2 semaphore(%run_scoped3A : memref<!tpu.dma_semaphore, #tpu.memory_space<semaphore_mem>>) src(%dma_wait3A_284 : memref<108x128xi32, #tpu.memory_space<hbm>>) dst(%arg5 : memref<108x128xi32, #tpu.memory_space<vmem>>)
      tpu.yield
    }) : () -> ()
    %barrier3A = arith.constant 0 : index
    tpu.barrier barrier_id(%barrier3A)
    %get3A = arith.constant 0 : i32
    %get3A_28 = arith.index_cast %get3A : i32 to index
    %get3A_29 = arith.constant 0 : index
    %get3A_30 = tpu.vector_load %arg5[%get3A_28, %get3A_29] {strides = array<i32>} : memref<108x128xi32, #tpu.memory_space<vmem>>, vector<1x16xi32>,
    %get3A_31 = vector.shape_cast %get3A_30 : vector<1x16xi32> to vector<16xi32>
    %and3A = arith.constant 16383 : i32
    %and3A_32 = vector.broadcast %and3A : i32 to vector<16xi32>
    %and3A_33 = arith.andi %get3A_31, %and3A_32 : vector<16xi32>
    %swap3A = arith.constant 0 : i32
    %swap3A_34 = arith.index_cast %swap3A : i32 to index
    %swap3A_35 = arith.constant 0 : index
    %swap3A_36 = tpu.vector_load %arg6[%swap3A_34, %swap3A_35] {strides = array<i32>} : memref<2x128xi32, #tpu.memory_space<vmem>>, vector<1x16xi32>,
    %swap3A_37 = vector.shape_cast %swap3A_36 : vector<1x16xi32> to vector<16xi32>
    %swap3A_38 = vector.shape_cast %and3A_33 : vector<16xi32> to vector<1x16xi32>
    tpu.vector_store %arg6[%swap3A_34, %swap3A_35], %swap3A_38 {strides = array<i32>} : memref<2x128xi32, #tpu.memory_space<vmem>>, vector<1x16xi32>,
    %shift_right_arithmetic3A = arith.constant 14 : i32
    %shift_right_arithmetic3A_39 = vector.broadcast %shift_right_arithmetic3A : i32 to vector<16xi32>
    %shift_right_arithmetic3A_40 = arith.shrsi %get3A_31, %shift_right_arithmetic3A_39 : vector<16xi32>
    %swap3A_41 = arith.constant 1 : i32
    %swap3A_42 = arith.index_cast %swap3A_41 : i32 to index
    %swap3A_43 = arith.constant 0 : index
    %swap3A_44 = tpu.vector_load %arg6[%swap3A_42, %swap3A_43] {strides = array<i32>} : memref<2x128xi32, #tpu.memory_space<vmem>>, vector<1x16xi32>,
    %swap3A_45 = vector.shape_cast %swap3A_44 : vector<1x16xi32> to vector<16xi32>
    %swap3A_46 = vector.shape_cast %shift_right_arithmetic3A_40 : vector<16xi32> to vector<1x16xi32>
    tpu.vector_store %arg6[%swap3A_42, %swap3A_43], %swap3A_46 {strides = array<i32>} : memref<2x128xi32, #tpu.memory_space<vmem>>, vector<1x16xi32>,
    %get3A_47 = arith.constant 0 : i32
    %get3A_48 = arith.index_cast %get3A_47 : i32 to index
    %get3A_49 = arith.constant 16 : index
    %get3A_50 = tpu.vector_load %arg5[%get3A_48, %get3A_49] {strides = array<i32>} : memref<108x128xi32, #tpu.memory_space<vmem>>, vector<1x16xi32>,
    %get3A_51 = vector.shape_cast %get3A_50 : vector<1x16xi32> to vector<16xi32>
    %and3A_52 = arith.constant 16383 : i32
    %and3A_53 = vector.broadcast %and3A_52 : i32 to vector<16xi32>
    %and3A_54 = arith.andi %get3A_51, %and3A_53 : vector<16xi32>
    %swap3A_55 = arith.constant 0 : i32
    %swap3A_56 = arith.index_cast %swap3A_55 : i32 to index
    %swap3A_57 = arith.constant 16 : index
    %swap3A_58 = tpu.vector_load %arg6[%swap3A_56, %swap3A_57] {strides = array<i32>} : memref<2x128xi32, #tpu.memory_space<vmem>>, vector<1x16xi32>,
    %swap3A_59 = vector.shape_cast %swap3A_58 : vector<1x16xi32> to vector<16xi32>
    %swap3A_60 = vector.shape_cast %and3A_54 : vector<16xi32> to vector<1x16xi32>
    tpu.vector_store %arg6[%swap3A_56, %swap3A_57], %swap3A_60 {strides = array<i32>} : memref<2x128xi32, #tpu.memory_space<vmem>>, vector<1x16xi32>,
    %shift_right_arithmetic3A_61 = arith.constant 14 : i32
    %shift_right_arithmetic3A_62 = vector.broadcast %shift_right_arithmetic3A_61 : i32 to vector<16xi32>
    %shift_right_arithmetic3A_63 = arith.shrsi %get3A_51, %shift_right_arithmetic3A_62 : vector<16xi32>
    %swap3A_64 = arith.constant 1 : i32
    %swap3A_65 = arith.index_cast %swap3A_64 : i32 to index
    %swap3A_66 = arith.constant 16 : index
    %swap3A_67 = tpu.vector_load %arg6[%swap3A_65, %swap3A_66] {strides = array<i32>} : memref<2x128xi32, #tpu.memory_space<vmem>>, vector<1x16xi32>,
    %swap3A_68 = vector.shape_cast %swap3A_67 : vector<1x16xi32> to vector<16xi32>
    %swap3A_69 = vector.shape_cast %shift_right_arithmetic3A_63 : vector<16xi32> to vector<1x16xi32>
    tpu.vector_store %arg6[%swap3A_65, %swap3A_66], %swap3A_69 {strides = array<i32>} : memref<2x128xi32, #tpu.memory_space<vmem>>, vector<1x16xi32>,
    %get3A_70 = arith.constant 0 : i32
    %get3A_71 = arith.index_cast %get3A_70 : i32 to index
    %get3A_72 = arith.constant 32 : index
    %get3A_73 = tpu.vector_load %arg5[%get3A_71, %get3A_72] {strides = array<i32>} : memref<108x128xi32, #tpu.memory_space<vmem>>, vector<1x16xi32>,
    %get3A_74 = vector.shape_cast %get3A_73 : vector<1x16xi32> to vector<16xi32>
    %and3A_75 = arith.constant 16383 : i32
    %and3A_76 = vector.broadcast %and3A_75 : i32 to vector<16xi32>
    %and3A_77 = arith.andi %get3A_74, %and3A_76 : vector<16xi32>
    %swap3A_78 = arith.constant 0 : i32
    %swap3A_79 = arith.index_cast %swap3A_78 : i32 to index
    %swap3A_80 = arith.constant 32 : index
    %swap3A_81 = tpu.vector_load %arg6[%swap3A_79, %swap3A_80] {strides = array<i32>} : memref<2x128xi32, #tpu.memory_space<vmem>>, vector<1x16xi32>,
    %swap3A_82 = vector.shape_cast %swap3A_81 : vector<1x16xi32> to vector<16xi32>
    %swap3A_83 = vector.shape_cast %and3A_77 : vector<16xi32> to vector<1x16xi32>
    tpu.vector_store %arg6[%swap3A_79, %swap3A_80], %swap3A_83 {strides = array<i32>} : memref<2x128xi32, #tpu.memory_space<vmem>>, vector<1x16xi32>,
    %shift_right_arithmetic3A_84 = arith.constant 14 : i32
    %shift_right_arithmetic3A_85 = vector.broadcast %shift_right_arithmetic3A_84 : i32 to vector<16xi32>
    %shift_right_arithmetic3A_86 = arith.shrsi %get3A_74, %shift_right_arithmetic3A_85 : vector<16xi32>
    %swap3A_87 = arith.constant 1 : i32
    %swap3A_88 = arith.index_cast %swap3A_87 : i32 to index
    %swap3A_89 = arith.constant 32 : index
    %swap3A_90 = tpu.vector_load %arg6[%swap3A_88, %swap3A_89] {strides = array<i32>} : memref<2x128xi32, #tpu.memory_space<vmem>>, vector<1x16xi32>,
    %swap3A_91 = vector.shape_cast %swap3A_90 : vector<1x16xi32> to vector<16xi32>
    %swap3A_92 = vector.shape_cast %shift_right_arithmetic3A_86 : vector<16xi32> to vector<1x16xi32>
    tpu.vector_store %arg6[%swap3A_88, %swap3A_89], %swap3A_92 {strides = array<i32>} : memref<2x128xi32, #tpu.memory_space<vmem>>, vector<1x16xi32>,
    %get3A_93 = arith.constant 0 : i32
    %get3A_94 = arith.index_cast %get3A_93 : i32 to index
    %get3A_95 = arith.constant 48 : index
    %get3A_96 = tpu.vector_load %arg5[%get3A_94, %get3A_95] {strides = array<i32>} : memref<108x128xi32, #tpu.memory_space<vmem>>, vector<1x16xi32>,
    %get3A_97 = vector.shape_cast %get3A_96 : vector<1x16xi32> to vector<16xi32>
    %and3A_98 = arith.constant 16383 : i32
    %and3A_99 = vector.broadcast %and3A_98 : i32 to vector<16xi32>
    %and3A_100 = arith.andi %get3A_97, %and3A_99 : vector<16xi32>
    %swap3A_101 = arith.constant 0 : i32
    %swap3A_102 = arith.index_cast %swap3A_101 : i32 to index
    %swap3A_103 = arith.constant 48 : index
    %swap3A_104 = tpu.vector_load %arg6[%swap3A_102, %swap3A_103] {strides = array<i32>} : memref<2x128xi32, #tpu.memory_space<vmem>>, vector<1x16xi32>,
    %swap3A_105 = vector.shape_cast %swap3A_104 : vector<1x16xi32> to vector<16xi32>
    %swap3A_106 = vector.shape_cast %and3A_100 : vector<16xi32> to vector<1x16xi32>
    tpu.vector_store %arg6[%swap3A_102, %swap3A_103], %swap3A_106 {strides = array<i32>} : memref<2x128xi32, #tpu.memory_space<vmem>>, vector<1x16xi32>,
    %shift_right_arithmetic3A_107 = arith.constant 14 : i32
    %shift_right_arithmetic3A_108 = vector.broadcast %shift_right_arithmetic3A_107 : i32 to vector<16xi32>
    %shift_right_arithmetic3A_109 = arith.shrsi %get3A_97, %shift_right_arithmetic3A_108 : vector<16xi32>
    %swap3A_110 = arith.constant 1 : i32
    %swap3A_111 = arith.index_cast %swap3A_110 : i32 to index
    %swap3A_112 = arith.constant 48 : index
    %swap3A_113 = tpu.vector_load %arg6[%swap3A_111, %swap3A_112] {strides = array<i32>} : memref<2x128xi32, #tpu.memory_space<vmem>>, vector<1x16xi32>,
    %swap3A_114 = vector.shape_cast %swap3A_113 : vector<1x16xi32> to vector<16xi32>
    %swap3A_115 = vector.shape_cast %shift_right_arithmetic3A_109 : vector<16xi32> to vector<1x16xi32>
    tpu.vector_store %arg6[%swap3A_111, %swap3A_112], %swap3A_115 {strides = array<i32>} : memref<2x128xi32, #tpu.memory_space<vmem>>, vector<1x16xi32>,
    %get3A_116 = arith.constant 0 : i32
    %get3A_117 = arith.index_cast %get3A_116 : i32 to index
    %get3A_118 = arith.constant 64 : index
    %get3A_119 = tpu.vector_load %arg5[%get3A_117, %get3A_118] {strides = array<i32>} : memref<108x128xi32, #tpu.memory_space<vmem>>, vector<1x16xi32>,
    %get3A_120 = vector.shape_cast %get3A_119 : vector<1x16xi32> to vector<16xi32>
    %and3A_121 = arith.constant 16383 : i32
    %and3A_122 = vector.broadcast %and3A_121 : i32 to vector<16xi32>
    %and3A_123 = arith.andi %get3A_120, %and3A_122 : vector<16xi32>
    %swap3A_124 = arith.constant 0 : i32
    %swap3A_125 = arith.index_cast %swap3A_124 : i32 to index
    %swap3A_126 = arith.constant 64 : index
    %swap3A_127 = tpu.vector_load %arg6[%swap3A_125, %swap3A_126] {strides = array<i32>} : memref<2x128xi32, #tpu.memory_space<vmem>>, vector<1x16xi32>,
    %swap3A_128 = vector.shape_cast %swap3A_127 : vector<1x16xi32> to vector<16xi32>
    %swap3A_129 = vector.shape_cast %and3A_123 : vector<16xi32> to vector<1x16xi32>
    tpu.vector_store %arg6[%swap3A_125, %swap3A_126], %swap3A_129 {strides = array<i32>} : memref<2x128xi32, #tpu.memory_space<vmem>>, vector<1x16xi32>,
    %shift_right_arithmetic3A_130 = arith.constant 14 : i32
    %shift_right_arithmetic3A_131 = vector.broadcast %shift_right_arithmetic3A_130 : i32 to vector<16xi32>
    %shift_right_arithmetic3A_132 = arith.shrsi %get3A_120, %shift_right_arithmetic3A_131 : vector<16xi32>
    %swap3A_133 = arith.constant 1 : i32
    %swap3A_134 = arith.index_cast %swap3A_133 : i32 to index
    %swap3A_135 = arith.constant 64 : index
    %swap3A_136 = tpu.vector_load %arg6[%swap3A_134, %swap3A_135] {strides = array<i32>} : memref<2x128xi32, #tpu.memory_space<vmem>>, vector<1x16xi32>,
    %swap3A_137 = vector.shape_cast %swap3A_136 : vector<1x16xi32> to vector<16xi32>
    %swap3A_138 = vector.shape_cast %shift_right_arithmetic3A_132 : vector<16xi32> to vector<1x16xi32>
    tpu.vector_store %arg6[%swap3A_134, %swap3A_135], %swap3A_138 {strides = array<i32>} : memref<2x128xi32, #tpu.memory_space<vmem>>, vector<1x16xi32>,
    %get3A_139 = arith.constant 0 : i32
    %get3A_140 = arith.index_cast %get3A_139 : i32 to index
    %get3A_141 = arith.constant 80 : index
    %get3A_142 = tpu.vector_load %arg5[%get3A_140, %get3A_141] {strides = array<i32>} : memref<108x128xi32, #tpu.memory_space<vmem>>, vector<1x16xi32>,
    %get3A_143 = vector.shape_cast %get3A_142 : vector<1x16xi32> to vector<16xi32>
    %and3A_144 = arith.constant 16383 : i32
    %and3A_145 = vector.broadcast %and3A_144 : i32 to vector<16xi32>
    %and3A_146 = arith.andi %get3A_143, %and3A_145 : vector<16xi32>
    %swap3A_147 = arith.constant 0 : i32
    %swap3A_148 = arith.index_cast %swap3A_147 : i32 to index
    %swap3A_149 = arith.constant 80 : index
    %swap3A_150 = tpu.vector_load %arg6[%swap3A_148, %swap3A_149] {strides = array<i32>} : memref<2x128xi32, #tpu.memory_space<vmem>>, vector<1x16xi32>,
    %swap3A_151 = vector.shape_cast %swap3A_150 : vector<1x16xi32> to vector<16xi32>
    %swap3A_152 = vector.shape_cast %and3A_146 : vector<16xi32> to vector<1x16xi32>
    tpu.vector_store %arg6[%swap3A_148, %swap3A_149], %swap3A_152 {strides = array<i32>} : memref<2x128xi32, #tpu.memory_space<vmem>>, vector<1x16xi32>,
    %shift_right_arithmetic3A_153 = arith.constant 14 : i32
    %shift_right_arithmetic3A_154 = vector.broadcast %shift_right_arithmetic3A_153 : i32 to vector<16xi32>
    %shift_right_arithmetic3A_155 = arith.shrsi %get3A_143, %shift_right_arithmetic3A_154 : vector<16xi32>
    %swap3A_156 = arith.constant 1 : i32
    %swap3A_157 = arith.index_cast %swap3A_156 : i32 to index
    %swap3A_158 = arith.constant 80 : index
    %swap3A_159 = tpu.vector_load %arg6[%swap3A_157, %swap3A_158] {strides = array<i32>} : memref<2x128xi32, #tpu.memory_space<vmem>>, vector<1x16xi32>,
    %swap3A_160 = vector.shape_cast %swap3A_159 : vector<1x16xi32> to vector<16xi32>
    %swap3A_161 = vector.shape_cast %shift_right_arithmetic3A_155 : vector<16xi32> to vector<1x16xi32>
    tpu.vector_store %arg6[%swap3A_157, %swap3A_158], %swap3A_161 {strides = array<i32>} : memref<2x128xi32, #tpu.memory_space<vmem>>, vector<1x16xi32>,
    %get3A_162 = arith.constant 0 : i32
    %get3A_163 = arith.index_cast %get3A_162 : i32 to index
    %get3A_164 = arith.constant 96 : index
    %get3A_165 = tpu.vector_load %arg5[%get3A_163, %get3A_164] {strides = array<i32>} : memref<108x128xi32, #tpu.memory_space<vmem>>, vector<1x16xi32>,
    %get3A_166 = vector.shape_cast %get3A_165 : vector<1x16xi32> to vector<16xi32>
    %and3A_167 = arith.constant 16383 : i32
    %and3A_168 = vector.broadcast %and3A_167 : i32 to vector<16xi32>
    %and3A_169 = arith.andi %get3A_166, %and3A_168 : vector<16xi32>
    %swap3A_170 = arith.constant 0 : i32
    %swap3A_171 = arith.index_cast %swap3A_170 : i32 to index
    %swap3A_172 = arith.constant 96 : index
    %swap3A_173 = tpu.vector_load %arg6[%swap3A_171, %swap3A_172] {strides = array<i32>} : memref<2x128xi32, #tpu.memory_space<vmem>>, vector<1x16xi32>,
    %swap3A_174 = vector.shape_cast %swap3A_173 : vector<1x16xi32> to vector<16xi32>
    %swap3A_175 = vector.shape_cast %and3A_169 : vector<16xi32> to vector<1x16xi32>
    tpu.vector_store %arg6[%swap3A_171, %swap3A_172], %swap3A_175 {strides = array<i32>} : memref<2x128xi32, #tpu.memory_space<vmem>>, vector<1x16xi32>,
    %shift_right_arithmetic3A_176 = arith.constant 14 : i32
    %shift_right_arithmetic3A_177 = vector.broadcast %shift_right_arithmetic3A_176 : i32 to vector<16xi32>
    %shift_right_arithmetic3A_178 = arith.shrsi %get3A_166, %shift_right_arithmetic3A_177 : vector<16xi32>
    %swap3A_179 = arith.constant 1 : i32
    %swap3A_180 = arith.index_cast %swap3A_179 : i32 to index
    %swap3A_181 = arith.constant 96 : index
    %swap3A_182 = tpu.vector_load %arg6[%swap3A_180, %swap3A_181] {strides = array<i32>} : memref<2x128xi32, #tpu.memory_space<vmem>>, vector<1x16xi32>,
    %swap3A_183 = vector.shape_cast %swap3A_182 : vector<1x16xi32> to vector<16xi32>
    %swap3A_184 = vector.shape_cast %shift_right_arithmetic3A_178 : vector<16xi32> to vector<1x16xi32>
    tpu.vector_store %arg6[%swap3A_180, %swap3A_181], %swap3A_184 {strides = array<i32>} : memref<2x128xi32, #tpu.memory_space<vmem>>, vector<1x16xi32>,
    %get3A_185 = arith.constant 0 : i32
    %get3A_186 = arith.index_cast %get3A_185 : i32 to index
    %get3A_187 = arith.constant 112 : index
    %get3A_188 = tpu.vector_load %arg5[%get3A_186, %get3A_187] {strides = array<i32>} : memref<108x128xi32, #tpu.memory_space<vmem>>, vector<1x16xi32>,
    %get3A_189 = vector.shape_cast %get3A_188 : vector<1x16xi32> to vector<16xi32>
    %and3A_190 = arith.constant 16383 : i32
    %and3A_191 = vector.broadcast %and3A_190 : i32 to vector<16xi32>
    %and3A_192 = arith.andi %get3A_189, %and3A_191 : vector<16xi32>
    %swap3A_193 = arith.constant 0 : i32
    %swap3A_194 = arith.index_cast %swap3A_193 : i32 to index
    %swap3A_195 = arith.constant 112 : index
    %swap3A_196 = tpu.vector_load %arg6[%swap3A_194, %swap3A_195] {strides = array<i32>} : memref<2x128xi32, #tpu.memory_space<vmem>>, vector<1x16xi32>,
    %swap3A_197 = vector.shape_cast %swap3A_196 : vector<1x16xi32> to vector<16xi32>
    %swap3A_198 = vector.shape_cast %and3A_192 : vector<16xi32> to vector<1x16xi32>
    tpu.vector_store %arg6[%swap3A_194, %swap3A_195], %swap3A_198 {strides = array<i32>} : memref<2x128xi32, #tpu.memory_space<vmem>>, vector<1x16xi32>,
    %shift_right_arithmetic3A_199 = arith.constant 14 : i32
    %shift_right_arithmetic3A_200 = vector.broadcast %shift_right_arithmetic3A_199 : i32 to vector<16xi32>
    %shift_right_arithmetic3A_201 = arith.shrsi %get3A_189, %shift_right_arithmetic3A_200 : vector<16xi32>
    %swap3A_202 = arith.constant 1 : i32
    %swap3A_203 = arith.index_cast %swap3A_202 : i32 to index
    %swap3A_204 = arith.constant 112 : index
    %swap3A_205 = tpu.vector_load %arg6[%swap3A_203, %swap3A_204] {strides = array<i32>} : memref<2x128xi32, #tpu.memory_space<vmem>>, vector<1x16xi32>,
    %swap3A_206 = vector.shape_cast %swap3A_205 : vector<1x16xi32> to vector<16xi32>
    %swap3A_207 = vector.shape_cast %shift_right_arithmetic3A_201 : vector<16xi32> to vector<1x16xi32>
    tpu.vector_store %arg6[%swap3A_203, %swap3A_204], %swap3A_207 {strides = array<i32>} : memref<2x128xi32, #tpu.memory_space<vmem>>, vector<1x16xi32>,
    %dma_start3A = arith.constant 0 : i32
    %dma_start3A_208 = arith.constant 0 : i32
    %dma_start3A_209 = tpu.memref_slice %arg6[%dma_start3A, %dma_start3A_208] : memref<2x128xi32, #tpu.memory_space<vmem>> -> memref<1x128xi32, #tpu.memory_space<vmem>>
    %dma_start3A_210 = tpu.memref_squeeze %dma_start3A_209 : memref<1x128xi32, #tpu.memory_space<vmem>> -> memref<128xi32, #tpu.memory_space<vmem>>
    %dma_start3A_211 = arith.constant 0 : i32
    %dma_start3A_212 = arith.constant 0 : i32
    %dma_start3A_213 = tpu.memref_slice %arg2[%dma_start3A_211, %dma_start3A_212] : memref<10240x128xf32, #tpu.memory_space<hbm>> -> memref<10240x128xf32, #tpu.memory_space<hbm>>
    tpu.enqueue_indirect_dma source(%dma_start3A_213 : memref<10240x128xf32, #tpu.memory_space<hbm>>) target(%arg8 : memref<128x128xf32, #tpu.memory_space<vmem>>) offsets(%dma_start3A_210 : memref<128xi32, #tpu.memory_space<vmem>>) semaphore(%arg11 : memref<!tpu.dma_semaphore, #tpu.memory_space<semaphore_mem>>)
    %jit3A_214 = arith.constant 2 : i32
    %div3A = arith.divsi %select_n3A, %jit3A_214 : i32
    %sign3A = arith.constant 0 : i32
    %sign3A_215 = arith.cmpi sgt, %select_n3A, %sign3A : i32
    %sign3A_216 = arith.extui %sign3A_215 : i1 to i32
    %sign3A_217 = arith.constant 0 : i32
    %sign3A_218 = arith.cmpi slt, %select_n3A, %sign3A_217 : i32
    %sign3A_219 = arith.extui %sign3A_218 : i1 to i32
    %sign3A_220 = arith.subi %sign3A_216, %sign3A_219 : i32
    %sign3A_221 = arith.constant 0 : i32
    %sign3A_222 = arith.cmpi sgt, %jit3A_214, %sign3A_221 : i32
    %sign3A_223 = arith.extui %sign3A_222 : i1 to i32
    %sign3A_224 = arith.constant 0 : i32
    %sign3A_225 = arith.cmpi slt, %jit3A_214, %sign3A_224 : i32
    %sign3A_226 = arith.extui %sign3A_225 : i1 to i32
    %sign3A_227 = arith.subi %sign3A_223, %sign3A_226 : i32
    %ne3A = arith.cmpi ne, %sign3A_220, %sign3A_227 : i32
    %rem3A = arith.remsi %select_n3A, %jit3A_214 : i32
    %ne3A_228 = arith.constant 0 : i32
    %ne3A_229 = arith.cmpi ne, %rem3A, %ne3A_228 : i32
    %and3A_230 = arith.andi %ne3A, %ne3A_229 : i1
    %sub3A = arith.constant 1 : i32
    %sub3A_231 = arith.subi %div3A, %sub3A : i32
    %select_n3A_232 = arith.select %and3A_230, %sub3A_231, %div3A : i32
    %while3A = arith.constant 0 : i32
    %while3A_233 = arith.constant 0 : i32
    %while3A_234 = arith.subi %select_n3A_232, %while3A_233 : i32
    %while3A_235 = arith.addi %while3A_233, %while3A_234 : i32
    %while3A_236 = arith.constant 1 : i32
    %while3A_237 = arith.divsi %while3A_234, %while3A_236 : i32
    %while3A_238 = arith.muli %while3A_237, %while3A_236 : i32
    %while3A_239 = arith.addi %while3A_233, %while3A_238 : i32
    %while3A_240 = arith.constant 1 : i32
    scf.for %while3A_269 = %while3A_233 to %while3A_239 step %while3A_240  : i32 {
      %mul3A_270 = arith.constant 2 : i32
      %mul3A_271 = arith.muli %mul3A_270, %while3A_269 : i32
      %add3A_272 = arith.constant 1 : i32
      %add3A_273 = arith.addi %mul3A_271, %add3A_272 : i32
      %dma_wait3A_274 = arith.constant 0 : i32
      %dma_wait3A_275 = arith.constant 0 : i32
      %dma_wait3A_276 = tpu.memref_slice %arg6[%dma_wait3A_274, %dma_wait3A_275] : memref<2x128xi32, #tpu.memory_space<vmem>> -> memref<1x128xi32, #tpu.memory_space<vmem>>
      %dma_wait3A_277 = tpu.memref_squeeze %dma_wait3A_276 : memref<1x128xi32, #tpu.memory_space<vmem>> -> memref<128xi32, #tpu.memory_space<vmem>>
      %dma_wait3A_278 = arith.constant 0 : i32
      %dma_wait3A_279 = arith.constant 0 : i32
      %dma_wait3A_280 = tpu.memref_slice %arg2[%dma_wait3A_278, %dma_wait3A_279] : memref<10240x128xf32, #tpu.memory_space<hbm>> -> memref<10240x128xf32, #tpu.memory_space<hbm>>
      tpu.wait_indirect_dma semaphore(%arg11 : memref<!tpu.dma_semaphore, #tpu.memory_space<semaphore_mem>>) src(%dma_wait3A_280 : memref<10240x128xf32, #tpu.memory_space<hbm>>) dst(%arg8 : memref<128x128xf32, #tpu.memory_space<vmem>>)
      %dma_start3A_281 = arith.constant 1 : i32
      %dma_start3A_282 = arith.constant 0 : i32
      %dma_start3A_283 = tpu.memref_slice %arg6[%dma_start3A_281, %dma_start3A_282] : memref<2x128xi32, #tpu.memory_space<vmem>> -> memref<1x128xi32, #tpu.memory_space<vmem>>
      %dma_start3A_284 = tpu.memref_squeeze %dma_start3A_283 : memref<1x128xi32, #tpu.memory_space<vmem>> -> memref<128xi32, #tpu.memory_space<vmem>>
      %dma_start3A_285 = arith.constant 0 : i32
      %dma_start3A_286 = arith.constant 0 : i32
      %dma_start3A_287 = tpu.memref_slice %arg10[%dma_start3A_285, %dma_start3A_286] : memref<10240x128xf32, #tpu.memory_space<vmem_shared>> -> memref<10240x128xf32, #tpu.memory_space<vmem_shared>>
      tpu.enqueue_indirect_dma source(%arg8 : memref<128x128xf32, #tpu.memory_space<vmem>>) target(%dma_start3A_287 : memref<10240x128xf32, #tpu.memory_space<vmem_shared>>) offsets(%dma_start3A_284 : memref<128xi32, #tpu.memory_space<vmem>>) semaphore(%arg13 : memref<!tpu.dma_semaphore, #tpu.memory_space<semaphore_mem>>) {add = true}
      %gt3A = arith.constant 0 : i32
      %gt3A_288 = arith.cmpi sgt, %while3A_269, %gt3A : i32
      %convert_element_type3A = arith.extui %gt3A_288 : i1 to i32
      %cond3A = arith.constant 0 : i32
      %cond3A_289 = arith.cmpi ne, %convert_element_type3A, %cond3A : i32
      scf.if %cond3A_289 {
        %dma_wait3A_499 = arith.constant 1 : i32
        %dma_wait3A_500 = arith.constant 0 : i32
        %dma_wait3A_501 = tpu.memref_slice %arg7[%dma_wait3A_499, %dma_wait3A_500] : memref<2x128xi32, #tpu.memory_space<vmem>> -> memref<1x128xi32, #tpu.memory_space<vmem>>
        %dma_wait3A_502 = tpu.memref_squeeze %dma_wait3A_501 : memref<1x128xi32, #tpu.memory_space<vmem>> -> memref<128xi32, #tpu.memory_space<vmem>>
        %dma_wait3A_503 = arith.constant 0 : i32
        %dma_wait3A_504 = arith.constant 0 : i32
        %dma_wait3A_505 = tpu.memref_slice %arg10[%dma_wait3A_503, %dma_wait3A_504] : memref<10240x128xf32, #tpu.memory_space<vmem_shared>> -> memref<10240x128xf32, #tpu.memory_space<vmem_shared>>
        tpu.wait_indirect_dma semaphore(%arg14 : memref<!tpu.dma_semaphore, #tpu.memory_space<semaphore_mem>>) src(%arg9 : memref<128x128xf32, #tpu.memory_space<vmem>>) dst(%dma_wait3A_505 : memref<10240x128xf32, #tpu.memory_space<vmem_shared>>)
      } else {
      }
      %get3A_290 = arith.index_cast %add3A_273 : i32 to index
      %get3A_291 = arith.constant 0 : index
      %get3A_292 = tpu.vector_load %arg5[%get3A_290, %get3A_291] {strides = array<i32>} : memref<108x128xi32, #tpu.memory_space<vmem>>, vector<1x16xi32>,
      %get3A_293 = vector.shape_cast %get3A_292 : vector<1x16xi32> to vector<16xi32>
      %and3A_294 = arith.constant 16383 : i32
      %and3A_295 = vector.broadcast %and3A_294 : i32 to vector<16xi32>
      %and3A_296 = arith.andi %get3A_293, %and3A_295 : vector<16xi32>
      %swap3A_297 = arith.constant 0 : i32
      %swap3A_298 = arith.index_cast %swap3A_297 : i32 to index
      %swap3A_299 = arith.constant 0 : index
      %swap3A_300 = tpu.vector_load %arg7[%swap3A_298, %swap3A_299] {strides = array<i32>} : memref<2x128xi32, #tpu.memory_space<vmem>>, vector<1x16xi32>,
      %swap3A_301 = vector.shape_cast %swap3A_300 : vector<1x16xi32> to vector<16xi32>
      %swap3A_302 = vector.shape_cast %and3A_296 : vector<16xi32> to vector<1x16xi32>
      tpu.vector_store %arg7[%swap3A_298, %swap3A_299], %swap3A_302 {strides = array<i32>} : memref<2x128xi32, #tpu.memory_space<vmem>>, vector<1x16xi32>,
      %shift_right_arithmetic3A_303 = arith.constant 14 : i32
      %shift_right_arithmetic3A_304 = vector.broadcast %shift_right_arithmetic3A_303 : i32 to vector<16xi32>
      %shift_right_arithmetic3A_305 = arith.shrsi %get3A_293, %shift_right_arithmetic3A_304 : vector<16xi32>
      %swap3A_306 = arith.constant 1 : i32
      %swap3A_307 = arith.index_cast %swap3A_306 : i32 to index
      %swap3A_308 = arith.constant 0 : index
      %swap3A_309 = tpu.vector_load %arg7[%swap3A_307, %swap3A_308] {strides = array<i32>} : memref<2x128xi32, #tpu.memory_space<vmem>>, vector<1x16xi32>,
      %swap3A_310 = vector.shape_cast %swap3A_309 : vector<1x16xi32> to vector<16xi32>
      %swap3A_311 = vector.shape_cast %shift_right_arithmetic3A_305 : vector<16xi32> to vector<1x16xi32>
      tpu.vector_store %arg7[%swap3A_307, %swap3A_308], %swap3A_311 {strides = array<i32>} : memref<2x128xi32, #tpu.memory_space<vmem>>, vector<1x16xi32>,
      %get3A_312 = arith.index_cast %add3A_273 : i32 to index
      %get3A_313 = arith.constant 16 : index
      %get3A_314 = tpu.vector_load %arg5[%get3A_312, %get3A_313] {strides = array<i32>} : memref<108x128xi32, #tpu.memory_space<vmem>>, vector<1x16xi32>,
      %get3A_315 = vector.shape_cast %get3A_314 : vector<1x16xi32> to vector<16xi32>
      %and3A_316 = arith.constant 16383 : i32
      %and3A_317 = vector.broadcast %and3A_316 : i32 to vector<16xi32>
      %and3A_318 = arith.andi %get3A_315, %and3A_317 : vector<16xi32>
      %swap3A_319 = arith.constant 0 : i32
      %swap3A_320 = arith.index_cast %swap3A_319 : i32 to index
      %swap3A_321 = arith.constant 16 : index
      %swap3A_322 = tpu.vector_load %arg7[%swap3A_320, %swap3A_321] {strides = array<i32>} : memref<2x128xi32, #tpu.memory_space<vmem>>, vector<1x16xi32>,
      %swap3A_323 = vector.shape_cast %swap3A_322 : vector<1x16xi32> to vector<16xi32>
      %swap3A_324 = vector.shape_cast %and3A_318 : vector<16xi32> to vector<1x16xi32>
      tpu.vector_store %arg7[%swap3A_320, %swap3A_321], %swap3A_324 {strides = array<i32>} : memref<2x128xi32, #tpu.memory_space<vmem>>, vector<1x16xi32>,
      %shift_right_arithmetic3A_325 = arith.constant 14 : i32
      %shift_right_arithmetic3A_326 = vector.broadcast %shift_right_arithmetic3A_325 : i32 to vector<16xi32>
      %shift_right_arithmetic3A_327 = arith.shrsi %get3A_315, %shift_right_arithmetic3A_326 : vector<16xi32>
      %swap3A_328 = arith.constant 1 : i32
      %swap3A_329 = arith.index_cast %swap3A_328 : i32 to index
      %swap3A_330 = arith.constant 16 : index
      %swap3A_331 = tpu.vector_load %arg7[%swap3A_329, %swap3A_330] {strides = array<i32>} : memref<2x128xi32, #tpu.memory_space<vmem>>, vector<1x16xi32>,
      %swap3A_332 = vector.shape_cast %swap3A_331 : vector<1x16xi32> to vector<16xi32>
      %swap3A_333 = vector.shape_cast %shift_right_arithmetic3A_327 : vector<16xi32> to vector<1x16xi32>
      tpu.vector_store %arg7[%swap3A_329, %swap3A_330], %swap3A_333 {strides = array<i32>} : memref<2x128xi32, #tpu.memory_space<vmem>>, vector<1x16xi32>,
      %get3A_334 = arith.index_cast %add3A_273 : i32 to index
      %get3A_335 = arith.constant 32 : index
      %get3A_336 = tpu.vector_load %arg5[%get3A_334, %get3A_335] {strides = array<i32>} : memref<108x128xi32, #tpu.memory_space<vmem>>, vector<1x16xi32>,
      %get3A_337 = vector.shape_cast %get3A_336 : vector<1x16xi32> to vector<16xi32>
      %and3A_338 = arith.constant 16383 : i32
      %and3A_339 = vector.broadcast %and3A_338 : i32 to vector<16xi32>
      %and3A_340 = arith.andi %get3A_337, %and3A_339 : vector<16xi32>
      %swap3A_341 = arith.constant 0 : i32
      %swap3A_342 = arith.index_cast %swap3A_341 : i32 to index
      %swap3A_343 = arith.constant 32 : index
      %swap3A_344 = tpu.vector_load %arg7[%swap3A_342, %swap3A_343] {strides = array<i32>} : memref<2x128xi32, #tpu.memory_space<vmem>>, vector<1x16xi32>,
      %swap3A_345 = vector.shape_cast %swap3A_344 : vector<1x16xi32> to vector<16xi32>
      %swap3A_346 = vector.shape_cast %and3A_340 : vector<16xi32> to vector<1x16xi32>
      tpu.vector_store %arg7[%swap3A_342, %swap3A_343], %swap3A_346 {strides = array<i32>} : memref<2x128xi32, #tpu.memory_space<vmem>>, vector<1x16xi32>,
      %shift_right_arithmetic3A_347 = arith.constant 14 : i32
      %shift_right_arithmetic3A_348 = vector.broadcast %shift_right_arithmetic3A_347 : i32 to vector<16xi32>
      %shift_right_arithmetic3A_349 = arith.shrsi %get3A_337, %shift_right_arithmetic3A_348 : vector<16xi32>
      %swap3A_350 = arith.constant 1 : i32
      %swap3A_351 = arith.index_cast %swap3A_350 : i32 to index
      %swap3A_352 = arith.constant 32 : index
      %swap3A_353 = tpu.vector_load %arg7[%swap3A_351, %swap3A_352] {strides = array<i32>} : memref<2x128xi32, #tpu.memory_space<vmem>>, vector<1x16xi32>,
      %swap3A_354 = vector.shape_cast %swap3A_353 : vector<1x16xi32> to vector<16xi32>
      %swap3A_355 = vector.shape_cast %shift_right_arithmetic3A_349 : vector<16xi32> to vector<1x16xi32>
      tpu.vector_store %arg7[%swap3A_351, %swap3A_352], %swap3A_355 {strides = array<i32>} : memref<2x128xi32, #tpu.memory_space<vmem>>, vector<1x16xi32>,
      %get3A_356 = arith.index_cast %add3A_273 : i32 to index
      %get3A_357 = arith.constant 48 : index
      %get3A_358 = tpu.vector_load %arg5[%get3A_356, %get3A_357] {strides = array<i32>} : memref<108x128xi32, #tpu.memory_space<vmem>>, vector<1x16xi32>,
      %get3A_359 = vector.shape_cast %get3A_358 : vector<1x16xi32> to vector<16xi32>
      %and3A_360 = arith.constant 16383 : i32
      %and3A_361 = vector.broadcast %and3A_360 : i32 to vector<16xi32>
      %and3A_362 = arith.andi %get3A_359, %and3A_361 : vector<16xi32>
      %swap3A_363 = arith.constant 0 : i32
      %swap3A_364 = arith.index_cast %swap3A_363 : i32 to index
      %swap3A_365 = arith.constant 48 : index
      %swap3A_366 = tpu.vector_load %arg7[%swap3A_364, %swap3A_365] {strides = array<i32>} : memref<2x128xi32, #tpu.memory_space<vmem>>, vector<1x16xi32>,
      %swap3A_367 = vector.shape_cast %swap3A_366 : vector<1x16xi32> to vector<16xi32>
      %swap3A_368 = vector.shape_cast %and3A_362 : vector<16xi32> to vector<1x16xi32>
      tpu.vector_store %arg7[%swap3A_364, %swap3A_365], %swap3A_368 {strides = array<i32>} : memref<2x128xi32, #tpu.memory_space<vmem>>, vector<1x16xi32>,
      %shift_right_arithmetic3A_369 = arith.constant 14 : i32
      %shift_right_arithmetic3A_370 = vector.broadcast %shift_right_arithmetic3A_369 : i32 to vector<16xi32>
      %shift_right_arithmetic3A_371 = arith.shrsi %get3A_359, %shift_right_arithmetic3A_370 : vector<16xi32>
      %swap3A_372 = arith.constant 1 : i32
      %swap3A_373 = arith.index_cast %swap3A_372 : i32 to index
      %swap3A_374 = arith.constant 48 : index
      %swap3A_375 = tpu.vector_load %arg7[%swap3A_373, %swap3A_374] {strides = array<i32>} : memref<2x128xi32, #tpu.memory_space<vmem>>, vector<1x16xi32>,
      %swap3A_376 = vector.shape_cast %swap3A_375 : vector<1x16xi32> to vector<16xi32>
      %swap3A_377 = vector.shape_cast %shift_right_arithmetic3A_371 : vector<16xi32> to vector<1x16xi32>
      tpu.vector_store %arg7[%swap3A_373, %swap3A_374], %swap3A_377 {strides = array<i32>} : memref<2x128xi32, #tpu.memory_space<vmem>>, vector<1x16xi32>,
      %get3A_378 = arith.index_cast %add3A_273 : i32 to index
      %get3A_379 = arith.constant 64 : index
      %get3A_380 = tpu.vector_load %arg5[%get3A_378, %get3A_379] {strides = array<i32>} : memref<108x128xi32, #tpu.memory_space<vmem>>, vector<1x16xi32>,
      %get3A_381 = vector.shape_cast %get3A_380 : vector<1x16xi32> to vector<16xi32>
      %and3A_382 = arith.constant 16383 : i32
      %and3A_383 = vector.broadcast %and3A_382 : i32 to vector<16xi32>
      %and3A_384 = arith.andi %get3A_381, %and3A_383 : vector<16xi32>
      %swap3A_385 = arith.constant 0 : i32
      %swap3A_386 = arith.index_cast %swap3A_385 : i32 to index
      %swap3A_387 = arith.constant 64 : index
      %swap3A_388 = tpu.vector_load %arg7[%swap3A_386, %swap3A_387] {strides = array<i32>} : memref<2x128xi32, #tpu.memory_space<vmem>>, vector<1x16xi32>,
      %swap3A_389 = vector.shape_cast %swap3A_388 : vector<1x16xi32> to vector<16xi32>
      %swap3A_390 = vector.shape_cast %and3A_384 : vector<16xi32> to vector<1x16xi32>
      tpu.vector_store %arg7[%swap3A_386, %swap3A_387], %swap3A_390 {strides = array<i32>} : memref<2x128xi32, #tpu.memory_space<vmem>>, vector<1x16xi32>,
      %shift_right_arithmetic3A_391 = arith.constant 14 : i32
      %shift_right_arithmetic3A_392 = vector.broadcast %shift_right_arithmetic3A_391 : i32 to vector<16xi32>
      %shift_right_arithmetic3A_393 = arith.shrsi %get3A_381, %shift_right_arithmetic3A_392 : vector<16xi32>
      %swap3A_394 = arith.constant 1 : i32
      %swap3A_395 = arith.index_cast %swap3A_394 : i32 to index
      %swap3A_396 = arith.constant 64 : index
      %swap3A_397 = tpu.vector_load %arg7[%swap3A_395, %swap3A_396] {strides = array<i32>} : memref<2x128xi32, #tpu.memory_space<vmem>>, vector<1x16xi32>,
      %swap3A_398 = vector.shape_cast %swap3A_397 : vector<1x16xi32> to vector<16xi32>
      %swap3A_399 = vector.shape_cast %shift_right_arithmetic3A_393 : vector<16xi32> to vector<1x16xi32>
      tpu.vector_store %arg7[%swap3A_395, %swap3A_396], %swap3A_399 {strides = array<i32>} : memref<2x128xi32, #tpu.memory_space<vmem>>, vector<1x16xi32>,
      %get3A_400 = arith.index_cast %add3A_273 : i32 to index
      %get3A_401 = arith.constant 80 : index
      %get3A_402 = tpu.vector_load %arg5[%get3A_400, %get3A_401] {strides = array<i32>} : memref<108x128xi32, #tpu.memory_space<vmem>>, vector<1x16xi32>,
      %get3A_403 = vector.shape_cast %get3A_402 : vector<1x16xi32> to vector<16xi32>
      %and3A_404 = arith.constant 16383 : i32
      %and3A_405 = vector.broadcast %and3A_404 : i32 to vector<16xi32>
      %and3A_406 = arith.andi %get3A_403, %and3A_405 : vector<16xi32>
      %swap3A_407 = arith.constant 0 : i32
      %swap3A_408 = arith.index_cast %swap3A_407 : i32 to index
      %swap3A_409 = arith.constant 80 : index
      %swap3A_410 = tpu.vector_load %arg7[%swap3A_408, %swap3A_409] {strides = array<i32>} : memref<2x128xi32, #tpu.memory_space<vmem>>, vector<1x16xi32>,
      %swap3A_411 = vector.shape_cast %swap3A_410 : vector<1x16xi32> to vector<16xi32>
      %swap3A_412 = vector.shape_cast %and3A_406 : vector<16xi32> to vector<1x16xi32>
      tpu.vector_store %arg7[%swap3A_408, %swap3A_409], %swap3A_412 {strides = array<i32>} : memref<2x128xi32, #tpu.memory_space<vmem>>, vector<1x16xi32>,
      %shift_right_arithmetic3A_413 = arith.constant 14 : i32
      %shift_right_arithmetic3A_414 = vector.broadcast %shift_right_arithmetic3A_413 : i32 to vector<16xi32>
      %shift_right_arithmetic3A_415 = arith.shrsi %get3A_403, %shift_right_arithmetic3A_414 : vector<16xi32>
      %swap3A_416 = arith.constant 1 : i32
      %swap3A_417 = arith.index_cast %swap3A_416 : i32 to index
      %swap3A_418 = arith.constant 80 : index
      %swap3A_419 = tpu.vector_load %arg7[%swap3A_417, %swap3A_418] {strides = array<i32>} : memref<2x128xi32, #tpu.memory_space<vmem>>, vector<1x16xi32>,
      %swap3A_420 = vector.shape_cast %swap3A_419 : vector<1x16xi32> to vector<16xi32>
      %swap3A_421 = vector.shape_cast %shift_right_arithmetic3A_415 : vector<16xi32> to vector<1x16xi32>
      tpu.vector_store %arg7[%swap3A_417, %swap3A_418], %swap3A_421 {strides = array<i32>} : memref<2x128xi32, #tpu.memory_space<vmem>>, vector<1x16xi32>,
      %get3A_422 = arith.index_cast %add3A_273 : i32 to index
      %get3A_423 = arith.constant 96 : index
      %get3A_424 = tpu.vector_load %arg5[%get3A_422, %get3A_423] {strides = array<i32>} : memref<108x128xi32, #tpu.memory_space<vmem>>, vector<1x16xi32>,
      %get3A_425 = vector.shape_cast %get3A_424 : vector<1x16xi32> to vector<16xi32>
      %and3A_426 = arith.constant 16383 : i32
      %and3A_427 = vector.broadcast %and3A_426 : i32 to vector<16xi32>
      %and3A_428 = arith.andi %get3A_425, %and3A_427 : vector<16xi32>
      %swap3A_429 = arith.constant 0 : i32
      %swap3A_430 = arith.index_cast %swap3A_429 : i32 to index
      %swap3A_431 = arith.constant 96 : index
      %swap3A_432 = tpu.vector_load %arg7[%swap3A_430, %swap3A_431] {strides = array<i32>} : memref<2x128xi32, #tpu.memory_space<vmem>>, vector<1x16xi32>,
      %swap3A_433 = vector.shape_cast %swap3A_432 : vector<1x16xi32> to vector<16xi32>
      %swap3A_434 = vector.shape_cast %and3A_428 : vector<16xi32> to vector<1x16xi32>
      tpu.vector_store %arg7[%swap3A_430, %swap3A_431], %swap3A_434 {strides = array<i32>} : memref<2x128xi32, #tpu.memory_space<vmem>>, vector<1x16xi32>,
      %shift_right_arithmetic3A_435 = arith.constant 14 : i32
      %shift_right_arithmetic3A_436 = vector.broadcast %shift_right_arithmetic3A_435 : i32 to vector<16xi32>
      %shift_right_arithmetic3A_437 = arith.shrsi %get3A_425, %shift_right_arithmetic3A_436 : vector<16xi32>
      %swap3A_438 = arith.constant 1 : i32
      %swap3A_439 = arith.index_cast %swap3A_438 : i32 to index
      %swap3A_440 = arith.constant 96 : index
      %swap3A_441 = tpu.vector_load %arg7[%swap3A_439, %swap3A_440] {strides = array<i32>} : memref<2x128xi32, #tpu.memory_space<vmem>>, vector<1x16xi32>,
      %swap3A_442 = vector.shape_cast %swap3A_441 : vector<1x16xi32> to vector<16xi32>
      %swap3A_443 = vector.shape_cast %shift_right_arithmetic3A_437 : vector<16xi32> to vector<1x16xi32>
      tpu.vector_store %arg7[%swap3A_439, %swap3A_440], %swap3A_443 {strides = array<i32>} : memref<2x128xi32, #tpu.memory_space<vmem>>, vector<1x16xi32>,
      %get3A_444 = arith.index_cast %add3A_273 : i32 to index
      %get3A_445 = arith.constant 112 : index
      %get3A_446 = tpu.vector_load %arg5[%get3A_444, %get3A_445] {strides = array<i32>} : memref<108x128xi32, #tpu.memory_space<vmem>>, vector<1x16xi32>,
      %get3A_447 = vector.shape_cast %get3A_446 : vector<1x16xi32> to vector<16xi32>
      %and3A_448 = arith.constant 16383 : i32
      %and3A_449 = vector.broadcast %and3A_448 : i32 to vector<16xi32>
      %and3A_450 = arith.andi %get3A_447, %and3A_449 : vector<16xi32>
      %swap3A_451 = arith.constant 0 : i32
      %swap3A_452 = arith.index_cast %swap3A_451 : i32 to index
      %swap3A_453 = arith.constant 112 : index
      %swap3A_454 = tpu.vector_load %arg7[%swap3A_452, %swap3A_453] {strides = array<i32>} : memref<2x128xi32, #tpu.memory_space<vmem>>, vector<1x16xi32>,
      %swap3A_455 = vector.shape_cast %swap3A_454 : vector<1x16xi32> to vector<16xi32>
      %swap3A_456 = vector.shape_cast %and3A_450 : vector<16xi32> to vector<1x16xi32>
      tpu.vector_store %arg7[%swap3A_452, %swap3A_453], %swap3A_456 {strides = array<i32>} : memref<2x128xi32, #tpu.memory_space<vmem>>, vector<1x16xi32>,
      %shift_right_arithmetic3A_457 = arith.constant 14 : i32
      %shift_right_arithmetic3A_458 = vector.broadcast %shift_right_arithmetic3A_457 : i32 to vector<16xi32>
      %shift_right_arithmetic3A_459 = arith.shrsi %get3A_447, %shift_right_arithmetic3A_458 : vector<16xi32>
      %swap3A_460 = arith.constant 1 : i32
      %swap3A_461 = arith.index_cast %swap3A_460 : i32 to index
      %swap3A_462 = arith.constant 112 : index
      %swap3A_463 = tpu.vector_load %arg7[%swap3A_461, %swap3A_462] {strides = array<i32>} : memref<2x128xi32, #tpu.memory_space<vmem>>, vector<1x16xi32>,
      %swap3A_464 = vector.shape_cast %swap3A_463 : vector<1x16xi32> to vector<16xi32>
      %swap3A_465 = vector.shape_cast %shift_right_arithmetic3A_459 : vector<16xi32> to vector<1x16xi32>
      tpu.vector_store %arg7[%swap3A_461, %swap3A_462], %swap3A_465 {strides = array<i32>} : memref<2x128xi32, #tpu.memory_space<vmem>>, vector<1x16xi32>,
      %dma_start3A_466 = arith.constant 0 : i32
      %dma_start3A_467 = arith.constant 0 : i32
      %dma_start3A_468 = tpu.memref_slice %arg7[%dma_start3A_466, %dma_start3A_467] : memref<2x128xi32, #tpu.memory_space<vmem>> -> memref<1x128xi32, #tpu.memory_space<vmem>>
      %dma_start3A_469 = tpu.memref_squeeze %dma_start3A_468 : memref<1x128xi32, #tpu.memory_space<vmem>> -> memref<128xi32, #tpu.memory_space<vmem>>
      %dma_start3A_470 = arith.constant 0 : i32
      %dma_start3A_471 = arith.constant 0 : i32
      %dma_start3A_472 = tpu.memref_slice %arg2[%dma_start3A_470, %dma_start3A_471] : memref<10240x128xf32, #tpu.memory_space<hbm>> -> memref<10240x128xf32, #tpu.memory_space<hbm>>
      tpu.enqueue_indirect_dma source(%dma_start3A_472 : memref<10240x128xf32, #tpu.memory_space<hbm>>) target(%arg9 : memref<128x128xf32, #tpu.memory_space<vmem>>) offsets(%dma_start3A_469 : memref<128xi32, #tpu.memory_space<vmem>>) semaphore(%arg12 : memref<!tpu.dma_semaphore, #tpu.memory_space<semaphore_mem>>)
      %dma_wait3A_473 = arith.constant 0 : i32
      %dma_wait3A_474 = arith.constant 0 : i32
      %dma_wait3A_475 = tpu.memref_slice %arg7[%dma_wait3A_473, %dma_wait3A_474] : memref<2x128xi32, #tpu.memory_space<vmem>> -> memref<1x128xi32, #tpu.memory_space<vmem>>
      %dma_wait3A_476 = tpu.memref_squeeze %dma_wait3A_475 : memref<1x128xi32, #tpu.memory_space<vmem>> -> memref<128xi32, #tpu.memory_space<vmem>>
      %dma_wait3A_477 = arith.constant 0 : i32
      %dma_wait3A_478 = arith.constant 0 : i32
      %dma_wait3A_479 = tpu.memref_slice %arg2[%dma_wait3A_477, %dma_wait3A_478] : memref<10240x128xf32, #tpu.memory_space<hbm>> -> memref<10240x128xf32, #tpu.memory_space<hbm>>
      tpu.wait_indirect_dma semaphore(%arg12 : memref<!tpu.dma_semaphore, #tpu.memory_space<semaphore_mem>>) src(%dma_wait3A_479 : memref<10240x128xf32, #tpu.memory_space<hbm>>) dst(%arg9 : memref<128x128xf32, #tpu.memory_space<vmem>>)
      %dma_start3A_480 = arith.constant 1 : i32
      %dma_start3A_481 = arith.constant 0 : i32
      %dma_start3A_482 = tpu.memref_slice %arg7[%dma_start3A_480, %dma_start3A_481] : memref<2x128xi32, #tpu.memory_space<vmem>> -> memref<1x128xi32, #tpu.memory_space<vmem>>
      %dma_start3A_483 = tpu.memref_squeeze %dma_start3A_482 : memref<1x128xi32, #tpu.memory_space<vmem>> -> memref<128xi32, #tpu.memory_space<vmem>>
      %dma_start3A_484 = arith.constant 0 : i32
      %dma_start3A_485 = arith.constant 0 : i32
      %dma_start3A_486 = tpu.memref_slice %arg10[%dma_start3A_484, %dma_start3A_485] : memref<10240x128xf32, #tpu.memory_space<vmem_shared>> -> memref<10240x128xf32, #tpu.memory_space<vmem_shared>>
      tpu.enqueue_indirect_dma source(%arg9 : memref<128x128xf32, #tpu.memory_space<vmem>>) target(%dma_start3A_486 : memref<10240x128xf32, #tpu.memory_space<vmem_shared>>) offsets(%dma_start3A_483 : memref<128xi32, #tpu.memory_space<vmem>>) semaphore(%arg14 : memref<!tpu.dma_semaphore, #tpu.memory_space<semaphore_mem>>) {add = true}
      %dma_wait3A_487 = arith.constant 1 : i32
      %dma_wait3A_488 = arith.constant 0 : i32
      %dma_wait3A_489 = tpu.memref_slice %arg6[%dma_wait3A_487, %dma_wait3A_488] : memref<2x128xi32, #tpu.memory_space<vmem>> -> memref<1x128xi32, #tpu.memory_space<vmem>>
      %dma_wait3A_490 = tpu.memref_squeeze %dma_wait3A_489 : memref<1x128xi32, #tpu.memory_space<vmem>> -> memref<128xi32, #tpu.memory_space<vmem>>
      %dma_wait3A_491 = arith.constant 0 : i32
      %dma_wait3A_492 = arith.constant 0 : i32
      %dma_wait3A_493 = tpu.memref_slice %arg10[%dma_wait3A_491, %dma_wait3A_492] : memref<10240x128xf32, #tpu.memory_space<vmem_shared>> -> memref<10240x128xf32, #tpu.memory_space<vmem_shared>>
      tpu.wait_indirect_dma semaphore(%arg13 : memref<!tpu.dma_semaphore, #tpu.memory_space<semaphore_mem>>) src(%arg8 : memref<128x128xf32, #tpu.memory_space<vmem>>) dst(%dma_wait3A_493 : memref<10240x128xf32, #tpu.memory_space<vmem_shared>>)
      %add3A_494 = arith.constant 2 : i32
      %add3A_495 = arith.addi %mul3A_271, %add3A_494 : i32
      %lt3A = arith.cmpi slt, %add3A_495, %select_n3A : i32
      %convert_element_type3A_496 = arith.extui %lt3A : i1 to i32
      %cond3A_497 = arith.constant 0 : i32
      %cond3A_498 = arith.cmpi ne, %convert_element_type3A_496, %cond3A_497 : i32
      scf.if %cond3A_498 {
        %add3A_499 = arith.constant 2 : i32
        %add3A_500 = arith.addi %mul3A_271, %add3A_499 : i32
        %get3A_501 = arith.index_cast %add3A_500 : i32 to index
        %get3A_502 = arith.constant 0 : index
        %get3A_503 = tpu.vector_load %arg5[%get3A_501, %get3A_502] {strides = array<i32>} : memref<108x128xi32, #tpu.memory_space<vmem>>, vector<1x16xi32>,
        %get3A_504 = vector.shape_cast %get3A_503 : vector<1x16xi32> to vector<16xi32>
        %and3A_505 = arith.constant 16383 : i32
        %and3A_506 = vector.broadcast %and3A_505 : i32 to vector<16xi32>
        %and3A_507 = arith.andi %get3A_504, %and3A_506 : vector<16xi32>
        %swap3A_508 = arith.constant 0 : i32
        %swap3A_509 = arith.index_cast %swap3A_508 : i32 to index
        %swap3A_510 = arith.constant 0 : index
        %swap3A_511 = tpu.vector_load %arg6[%swap3A_509, %swap3A_510] {strides = array<i32>} : memref<2x128xi32, #tpu.memory_space<vmem>>, vector<1x16xi32>,
        %swap3A_512 = vector.shape_cast %swap3A_511 : vector<1x16xi32> to vector<16xi32>
        %swap3A_513 = vector.shape_cast %and3A_507 : vector<16xi32> to vector<1x16xi32>
        tpu.vector_store %arg6[%swap3A_509, %swap3A_510], %swap3A_513 {strides = array<i32>} : memref<2x128xi32, #tpu.memory_space<vmem>>, vector<1x16xi32>,
        %shift_right_arithmetic3A_514 = arith.constant 14 : i32
        %shift_right_arithmetic3A_515 = vector.broadcast %shift_right_arithmetic3A_514 : i32 to vector<16xi32>
        %shift_right_arithmetic3A_516 = arith.shrsi %get3A_504, %shift_right_arithmetic3A_515 : vector<16xi32>
        %swap3A_517 = arith.constant 1 : i32
        %swap3A_518 = arith.index_cast %swap3A_517 : i32 to index
        %swap3A_519 = arith.constant 0 : index
        %swap3A_520 = tpu.vector_load %arg6[%swap3A_518, %swap3A_519] {strides = array<i32>} : memref<2x128xi32, #tpu.memory_space<vmem>>, vector<1x16xi32>,
        %swap3A_521 = vector.shape_cast %swap3A_520 : vector<1x16xi32> to vector<16xi32>
        %swap3A_522 = vector.shape_cast %shift_right_arithmetic3A_516 : vector<16xi32> to vector<1x16xi32>
        tpu.vector_store %arg6[%swap3A_518, %swap3A_519], %swap3A_522 {strides = array<i32>} : memref<2x128xi32, #tpu.memory_space<vmem>>, vector<1x16xi32>,
        %get3A_523 = arith.index_cast %add3A_500 : i32 to index
        %get3A_524 = arith.constant 16 : index
        %get3A_525 = tpu.vector_load %arg5[%get3A_523, %get3A_524] {strides = array<i32>} : memref<108x128xi32, #tpu.memory_space<vmem>>, vector<1x16xi32>,
        %get3A_526 = vector.shape_cast %get3A_525 : vector<1x16xi32> to vector<16xi32>
        %and3A_527 = arith.constant 16383 : i32
        %and3A_528 = vector.broadcast %and3A_527 : i32 to vector<16xi32>
        %and3A_529 = arith.andi %get3A_526, %and3A_528 : vector<16xi32>
        %swap3A_530 = arith.constant 0 : i32
        %swap3A_531 = arith.index_cast %swap3A_530 : i32 to index
        %swap3A_532 = arith.constant 16 : index
        %swap3A_533 = tpu.vector_load %arg6[%swap3A_531, %swap3A_532] {strides = array<i32>} : memref<2x128xi32, #tpu.memory_space<vmem>>, vector<1x16xi32>,
        %swap3A_534 = vector.shape_cast %swap3A_533 : vector<1x16xi32> to vector<16xi32>
        %swap3A_535 = vector.shape_cast %and3A_529 : vector<16xi32> to vector<1x16xi32>
        tpu.vector_store %arg6[%swap3A_531, %swap3A_532], %swap3A_535 {strides = array<i32>} : memref<2x128xi32, #tpu.memory_space<vmem>>, vector<1x16xi32>,
        %shift_right_arithmetic3A_536 = arith.constant 14 : i32
        %shift_right_arithmetic3A_537 = vector.broadcast %shift_right_arithmetic3A_536 : i32 to vector<16xi32>
        %shift_right_arithmetic3A_538 = arith.shrsi %get3A_526, %shift_right_arithmetic3A_537 : vector<16xi32>
        %swap3A_539 = arith.constant 1 : i32
        %swap3A_540 = arith.index_cast %swap3A_539 : i32 to index
        %swap3A_541 = arith.constant 16 : index
        %swap3A_542 = tpu.vector_load %arg6[%swap3A_540, %swap3A_541] {strides = array<i32>} : memref<2x128xi32, #tpu.memory_space<vmem>>, vector<1x16xi32>,
        %swap3A_543 = vector.shape_cast %swap3A_542 : vector<1x16xi32> to vector<16xi32>
        %swap3A_544 = vector.shape_cast %shift_right_arithmetic3A_538 : vector<16xi32> to vector<1x16xi32>
        tpu.vector_store %arg6[%swap3A_540, %swap3A_541], %swap3A_544 {strides = array<i32>} : memref<2x128xi32, #tpu.memory_space<vmem>>, vector<1x16xi32>,
        %get3A_545 = arith.index_cast %add3A_500 : i32 to index
        %get3A_546 = arith.constant 32 : index
        %get3A_547 = tpu.vector_load %arg5[%get3A_545, %get3A_546] {strides = array<i32>} : memref<108x128xi32, #tpu.memory_space<vmem>>, vector<1x16xi32>,
        %get3A_548 = vector.shape_cast %get3A_547 : vector<1x16xi32> to vector<16xi32>
        %and3A_549 = arith.constant 16383 : i32
        %and3A_550 = vector.broadcast %and3A_549 : i32 to vector<16xi32>
        %and3A_551 = arith.andi %get3A_548, %and3A_550 : vector<16xi32>
        %swap3A_552 = arith.constant 0 : i32
        %swap3A_553 = arith.index_cast %swap3A_552 : i32 to index
        %swap3A_554 = arith.constant 32 : index
        %swap3A_555 = tpu.vector_load %arg6[%swap3A_553, %swap3A_554] {strides = array<i32>} : memref<2x128xi32, #tpu.memory_space<vmem>>, vector<1x16xi32>,
        %swap3A_556 = vector.shape_cast %swap3A_555 : vector<1x16xi32> to vector<16xi32>
        %swap3A_557 = vector.shape_cast %and3A_551 : vector<16xi32> to vector<1x16xi32>
        tpu.vector_store %arg6[%swap3A_553, %swap3A_554], %swap3A_557 {strides = array<i32>} : memref<2x128xi32, #tpu.memory_space<vmem>>, vector<1x16xi32>,
        %shift_right_arithmetic3A_558 = arith.constant 14 : i32
        %shift_right_arithmetic3A_559 = vector.broadcast %shift_right_arithmetic3A_558 : i32 to vector<16xi32>
        %shift_right_arithmetic3A_560 = arith.shrsi %get3A_548, %shift_right_arithmetic3A_559 : vector<16xi32>
        %swap3A_561 = arith.constant 1 : i32
        %swap3A_562 = arith.index_cast %swap3A_561 : i32 to index
        %swap3A_563 = arith.constant 32 : index
        %swap3A_564 = tpu.vector_load %arg6[%swap3A_562, %swap3A_563] {strides = array<i32>} : memref<2x128xi32, #tpu.memory_space<vmem>>, vector<1x16xi32>,
        %swap3A_565 = vector.shape_cast %swap3A_564 : vector<1x16xi32> to vector<16xi32>
        %swap3A_566 = vector.shape_cast %shift_right_arithmetic3A_560 : vector<16xi32> to vector<1x16xi32>
        tpu.vector_store %arg6[%swap3A_562, %swap3A_563], %swap3A_566 {strides = array<i32>} : memref<2x128xi32, #tpu.memory_space<vmem>>, vector<1x16xi32>,
        %get3A_567 = arith.index_cast %add3A_500 : i32 to index
        %get3A_568 = arith.constant 48 : index
        %get3A_569 = tpu.vector_load %arg5[%get3A_567, %get3A_568] {strides = array<i32>} : memref<108x128xi32, #tpu.memory_space<vmem>>, vector<1x16xi32>,
        %get3A_570 = vector.shape_cast %get3A_569 : vector<1x16xi32> to vector<16xi32>
        %and3A_571 = arith.constant 16383 : i32
        %and3A_572 = vector.broadcast %and3A_571 : i32 to vector<16xi32>
        %and3A_573 = arith.andi %get3A_570, %and3A_572 : vector<16xi32>
        %swap3A_574 = arith.constant 0 : i32
        %swap3A_575 = arith.index_cast %swap3A_574 : i32 to index
        %swap3A_576 = arith.constant 48 : index
        %swap3A_577 = tpu.vector_load %arg6[%swap3A_575, %swap3A_576] {strides = array<i32>} : memref<2x128xi32, #tpu.memory_space<vmem>>, vector<1x16xi32>,
        %swap3A_578 = vector.shape_cast %swap3A_577 : vector<1x16xi32> to vector<16xi32>
        %swap3A_579 = vector.shape_cast %and3A_573 : vector<16xi32> to vector<1x16xi32>
        tpu.vector_store %arg6[%swap3A_575, %swap3A_576], %swap3A_579 {strides = array<i32>} : memref<2x128xi32, #tpu.memory_space<vmem>>, vector<1x16xi32>,
        %shift_right_arithmetic3A_580 = arith.constant 14 : i32
        %shift_right_arithmetic3A_581 = vector.broadcast %shift_right_arithmetic3A_580 : i32 to vector<16xi32>
        %shift_right_arithmetic3A_582 = arith.shrsi %get3A_570, %shift_right_arithmetic3A_581 : vector<16xi32>
        %swap3A_583 = arith.constant 1 : i32
        %swap3A_584 = arith.index_cast %swap3A_583 : i32 to index
        %swap3A_585 = arith.constant 48 : index
        %swap3A_586 = tpu.vector_load %arg6[%swap3A_584, %swap3A_585] {strides = array<i32>} : memref<2x128xi32, #tpu.memory_space<vmem>>, vector<1x16xi32>,
        %swap3A_587 = vector.shape_cast %swap3A_586 : vector<1x16xi32> to vector<16xi32>
        %swap3A_588 = vector.shape_cast %shift_right_arithmetic3A_582 : vector<16xi32> to vector<1x16xi32>
        tpu.vector_store %arg6[%swap3A_584, %swap3A_585], %swap3A_588 {strides = array<i32>} : memref<2x128xi32, #tpu.memory_space<vmem>>, vector<1x16xi32>,
        %get3A_589 = arith.index_cast %add3A_500 : i32 to index
        %get3A_590 = arith.constant 64 : index
        %get3A_591 = tpu.vector_load %arg5[%get3A_589, %get3A_590] {strides = array<i32>} : memref<108x128xi32, #tpu.memory_space<vmem>>, vector<1x16xi32>,
        %get3A_592 = vector.shape_cast %get3A_591 : vector<1x16xi32> to vector<16xi32>
        %and3A_593 = arith.constant 16383 : i32
        %and3A_594 = vector.broadcast %and3A_593 : i32 to vector<16xi32>
        %and3A_595 = arith.andi %get3A_592, %and3A_594 : vector<16xi32>
        %swap3A_596 = arith.constant 0 : i32
        %swap3A_597 = arith.index_cast %swap3A_596 : i32 to index
        %swap3A_598 = arith.constant 64 : index
        %swap3A_599 = tpu.vector_load %arg6[%swap3A_597, %swap3A_598] {strides = array<i32>} : memref<2x128xi32, #tpu.memory_space<vmem>>, vector<1x16xi32>,
        %swap3A_600 = vector.shape_cast %swap3A_599 : vector<1x16xi32> to vector<16xi32>
        %swap3A_601 = vector.shape_cast %and3A_595 : vector<16xi32> to vector<1x16xi32>
        tpu.vector_store %arg6[%swap3A_597, %swap3A_598], %swap3A_601 {strides = array<i32>} : memref<2x128xi32, #tpu.memory_space<vmem>>, vector<1x16xi32>,
        %shift_right_arithmetic3A_602 = arith.constant 14 : i32
        %shift_right_arithmetic3A_603 = vector.broadcast %shift_right_arithmetic3A_602 : i32 to vector<16xi32>
        %shift_right_arithmetic3A_604 = arith.shrsi %get3A_592, %shift_right_arithmetic3A_603 : vector<16xi32>
        %swap3A_605 = arith.constant 1 : i32
        %swap3A_606 = arith.index_cast %swap3A_605 : i32 to index
        %swap3A_607 = arith.constant 64 : index
        %swap3A_608 = tpu.vector_load %arg6[%swap3A_606, %swap3A_607] {strides = array<i32>} : memref<2x128xi32, #tpu.memory_space<vmem>>, vector<1x16xi32>,
        %swap3A_609 = vector.shape_cast %swap3A_608 : vector<1x16xi32> to vector<16xi32>
        %swap3A_610 = vector.shape_cast %shift_right_arithmetic3A_604 : vector<16xi32> to vector<1x16xi32>
        tpu.vector_store %arg6[%swap3A_606, %swap3A_607], %swap3A_610 {strides = array<i32>} : memref<2x128xi32, #tpu.memory_space<vmem>>, vector<1x16xi32>,
        %get3A_611 = arith.index_cast %add3A_500 : i32 to index
        %get3A_612 = arith.constant 80 : index
        %get3A_613 = tpu.vector_load %arg5[%get3A_611, %get3A_612] {strides = array<i32>} : memref<108x128xi32, #tpu.memory_space<vmem>>, vector<1x16xi32>,
        %get3A_614 = vector.shape_cast %get3A_613 : vector<1x16xi32> to vector<16xi32>
        %and3A_615 = arith.constant 16383 : i32
        %and3A_616 = vector.broadcast %and3A_615 : i32 to vector<16xi32>
        %and3A_617 = arith.andi %get3A_614, %and3A_616 : vector<16xi32>
        %swap3A_618 = arith.constant 0 : i32
        %swap3A_619 = arith.index_cast %swap3A_618 : i32 to index
        %swap3A_620 = arith.constant 80 : index
        %swap3A_621 = tpu.vector_load %arg6[%swap3A_619, %swap3A_620] {strides = array<i32>} : memref<2x128xi32, #tpu.memory_space<vmem>>, vector<1x16xi32>,
        %swap3A_622 = vector.shape_cast %swap3A_621 : vector<1x16xi32> to vector<16xi32>
        %swap3A_623 = vector.shape_cast %and3A_617 : vector<16xi32> to vector<1x16xi32>
        tpu.vector_store %arg6[%swap3A_619, %swap3A_620], %swap3A_623 {strides = array<i32>} : memref<2x128xi32, #tpu.memory_space<vmem>>, vector<1x16xi32>,
        %shift_right_arithmetic3A_624 = arith.constant 14 : i32
        %shift_right_arithmetic3A_625 = vector.broadcast %shift_right_arithmetic3A_624 : i32 to vector<16xi32>
        %shift_right_arithmetic3A_626 = arith.shrsi %get3A_614, %shift_right_arithmetic3A_625 : vector<16xi32>
        %swap3A_627 = arith.constant 1 : i32
        %swap3A_628 = arith.index_cast %swap3A_627 : i32 to index
        %swap3A_629 = arith.constant 80 : index
        %swap3A_630 = tpu.vector_load %arg6[%swap3A_628, %swap3A_629] {strides = array<i32>} : memref<2x128xi32, #tpu.memory_space<vmem>>, vector<1x16xi32>,
        %swap3A_631 = vector.shape_cast %swap3A_630 : vector<1x16xi32> to vector<16xi32>
        %swap3A_632 = vector.shape_cast %shift_right_arithmetic3A_626 : vector<16xi32> to vector<1x16xi32>
        tpu.vector_store %arg6[%swap3A_628, %swap3A_629], %swap3A_632 {strides = array<i32>} : memref<2x128xi32, #tpu.memory_space<vmem>>, vector<1x16xi32>,
        %get3A_633 = arith.index_cast %add3A_500 : i32 to index
        %get3A_634 = arith.constant 96 : index
        %get3A_635 = tpu.vector_load %arg5[%get3A_633, %get3A_634] {strides = array<i32>} : memref<108x128xi32, #tpu.memory_space<vmem>>, vector<1x16xi32>,
        %get3A_636 = vector.shape_cast %get3A_635 : vector<1x16xi32> to vector<16xi32>
        %and3A_637 = arith.constant 16383 : i32
        %and3A_638 = vector.broadcast %and3A_637 : i32 to vector<16xi32>
        %and3A_639 = arith.andi %get3A_636, %and3A_638 : vector<16xi32>
        %swap3A_640 = arith.constant 0 : i32
        %swap3A_641 = arith.index_cast %swap3A_640 : i32 to index
        %swap3A_642 = arith.constant 96 : index
        %swap3A_643 = tpu.vector_load %arg6[%swap3A_641, %swap3A_642] {strides = array<i32>} : memref<2x128xi32, #tpu.memory_space<vmem>>, vector<1x16xi32>,
        %swap3A_644 = vector.shape_cast %swap3A_643 : vector<1x16xi32> to vector<16xi32>
        %swap3A_645 = vector.shape_cast %and3A_639 : vector<16xi32> to vector<1x16xi32>
        tpu.vector_store %arg6[%swap3A_641, %swap3A_642], %swap3A_645 {strides = array<i32>} : memref<2x128xi32, #tpu.memory_space<vmem>>, vector<1x16xi32>,
        %shift_right_arithmetic3A_646 = arith.constant 14 : i32
        %shift_right_arithmetic3A_647 = vector.broadcast %shift_right_arithmetic3A_646 : i32 to vector<16xi32>
        %shift_right_arithmetic3A_648 = arith.shrsi %get3A_636, %shift_right_arithmetic3A_647 : vector<16xi32>
        %swap3A_649 = arith.constant 1 : i32
        %swap3A_650 = arith.index_cast %swap3A_649 : i32 to index
        %swap3A_651 = arith.constant 96 : index
        %swap3A_652 = tpu.vector_load %arg6[%swap3A_650, %swap3A_651] {strides = array<i32>} : memref<2x128xi32, #tpu.memory_space<vmem>>, vector<1x16xi32>,
        %swap3A_653 = vector.shape_cast %swap3A_652 : vector<1x16xi32> to vector<16xi32>
        %swap3A_654 = vector.shape_cast %shift_right_arithmetic3A_648 : vector<16xi32> to vector<1x16xi32>
        tpu.vector_store %arg6[%swap3A_650, %swap3A_651], %swap3A_654 {strides = array<i32>} : memref<2x128xi32, #tpu.memory_space<vmem>>, vector<1x16xi32>,
        %get3A_655 = arith.index_cast %add3A_500 : i32 to index
        %get3A_656 = arith.constant 112 : index
        %get3A_657 = tpu.vector_load %arg5[%get3A_655, %get3A_656] {strides = array<i32>} : memref<108x128xi32, #tpu.memory_space<vmem>>, vector<1x16xi32>,
        %get3A_658 = vector.shape_cast %get3A_657 : vector<1x16xi32> to vector<16xi32>
        %and3A_659 = arith.constant 16383 : i32
        %and3A_660 = vector.broadcast %and3A_659 : i32 to vector<16xi32>
        %and3A_661 = arith.andi %get3A_658, %and3A_660 : vector<16xi32>
        %swap3A_662 = arith.constant 0 : i32
        %swap3A_663 = arith.index_cast %swap3A_662 : i32 to index
        %swap3A_664 = arith.constant 112 : index
        %swap3A_665 = tpu.vector_load %arg6[%swap3A_663, %swap3A_664] {strides = array<i32>} : memref<2x128xi32, #tpu.memory_space<vmem>>, vector<1x16xi32>,
        %swap3A_666 = vector.shape_cast %swap3A_665 : vector<1x16xi32> to vector<16xi32>
        %swap3A_667 = vector.shape_cast %and3A_661 : vector<16xi32> to vector<1x16xi32>
        tpu.vector_store %arg6[%swap3A_663, %swap3A_664], %swap3A_667 {strides = array<i32>} : memref<2x128xi32, #tpu.memory_space<vmem>>, vector<1x16xi32>,
        %shift_right_arithmetic3A_668 = arith.constant 14 : i32
        %shift_right_arithmetic3A_669 = vector.broadcast %shift_right_arithmetic3A_668 : i32 to vector<16xi32>
        %shift_right_arithmetic3A_670 = arith.shrsi %get3A_658, %shift_right_arithmetic3A_669 : vector<16xi32>
        %swap3A_671 = arith.constant 1 : i32
        %swap3A_672 = arith.index_cast %swap3A_671 : i32 to index
        %swap3A_673 = arith.constant 112 : index
        %swap3A_674 = tpu.vector_load %arg6[%swap3A_672, %swap3A_673] {strides = array<i32>} : memref<2x128xi32, #tpu.memory_space<vmem>>, vector<1x16xi32>,
        %swap3A_675 = vector.shape_cast %swap3A_674 : vector<1x16xi32> to vector<16xi32>
        %swap3A_676 = vector.shape_cast %shift_right_arithmetic3A_670 : vector<16xi32> to vector<1x16xi32>
        tpu.vector_store %arg6[%swap3A_672, %swap3A_673], %swap3A_676 {strides = array<i32>} : memref<2x128xi32, #tpu.memory_space<vmem>>, vector<1x16xi32>,
        %dma_start3A_677 = arith.constant 0 : i32
        %dma_start3A_678 = arith.constant 0 : i32
        %dma_start3A_679 = tpu.memref_slice %arg6[%dma_start3A_677, %dma_start3A_678] : memref<2x128xi32, #tpu.memory_space<vmem>> -> memref<1x128xi32, #tpu.memory_space<vmem>>
        %dma_start3A_680 = tpu.memref_squeeze %dma_start3A_679 : memref<1x128xi32, #tpu.memory_space<vmem>> -> memref<128xi32, #tpu.memory_space<vmem>>
        %dma_start3A_681 = arith.constant 0 : i32
        %dma_start3A_682 = arith.constant 0 : i32
        %dma_start3A_683 = tpu.memref_slice %arg2[%dma_start3A_681, %dma_start3A_682] : memref<10240x128xf32, #tpu.memory_space<hbm>> -> memref<10240x128xf32, #tpu.memory_space<hbm>>
        tpu.enqueue_indirect_dma source(%dma_start3A_683 : memref<10240x128xf32, #tpu.memory_space<hbm>>) target(%arg8 : memref<128x128xf32, #tpu.memory_space<vmem>>) offsets(%dma_start3A_680 : memref<128xi32, #tpu.memory_space<vmem>>) semaphore(%arg11 : memref<!tpu.dma_semaphore, #tpu.memory_space<semaphore_mem>>)
      } else {
      }
    }
    %while3A_241 = arith.constant 1 : i32
    scf.for %while3A_269 = %while3A_239 to %while3A_235 step %while3A_241  : i32 {
      %mul3A_270 = arith.constant 2 : i32
      %mul3A_271 = arith.muli %mul3A_270, %while3A_269 : i32
      %add3A_272 = arith.constant 1 : i32
      %add3A_273 = arith.addi %mul3A_271, %add3A_272 : i32
      %dma_wait3A_274 = arith.constant 0 : i32
      %dma_wait3A_275 = arith.constant 0 : i32
      %dma_wait3A_276 = tpu.memref_slice %arg6[%dma_wait3A_274, %dma_wait3A_275] : memref<2x128xi32, #tpu.memory_space<vmem>> -> memref<1x128xi32, #tpu.memory_space<vmem>>
      %dma_wait3A_277 = tpu.memref_squeeze %dma_wait3A_276 : memref<1x128xi32, #tpu.memory_space<vmem>> -> memref<128xi32, #tpu.memory_space<vmem>>
      %dma_wait3A_278 = arith.constant 0 : i32
      %dma_wait3A_279 = arith.constant 0 : i32
      %dma_wait3A_280 = tpu.memref_slice %arg2[%dma_wait3A_278, %dma_wait3A_279] : memref<10240x128xf32, #tpu.memory_space<hbm>> -> memref<10240x128xf32, #tpu.memory_space<hbm>>
      tpu.wait_indirect_dma semaphore(%arg11 : memref<!tpu.dma_semaphore, #tpu.memory_space<semaphore_mem>>) src(%dma_wait3A_280 : memref<10240x128xf32, #tpu.memory_space<hbm>>) dst(%arg8 : memref<128x128xf32, #tpu.memory_space<vmem>>)
      %dma_start3A_281 = arith.constant 1 : i32
      %dma_start3A_282 = arith.constant 0 : i32
      %dma_start3A_283 = tpu.memref_slice %arg6[%dma_start3A_281, %dma_start3A_282] : memref<2x128xi32, #tpu.memory_space<vmem>> -> memref<1x128xi32, #tpu.memory_space<vmem>>
      %dma_start3A_284 = tpu.memref_squeeze %dma_start3A_283 : memref<1x128xi32, #tpu.memory_space<vmem>> -> memref<128xi32, #tpu.memory_space<vmem>>
      %dma_start3A_285 = arith.constant 0 : i32
      %dma_start3A_286 = arith.constant 0 : i32
      %dma_start3A_287 = tpu.memref_slice %arg10[%dma_start3A_285, %dma_start3A_286] : memref<10240x128xf32, #tpu.memory_space<vmem_shared>> -> memref<10240x128xf32, #tpu.memory_space<vmem_shared>>
      tpu.enqueue_indirect_dma source(%arg8 : memref<128x128xf32, #tpu.memory_space<vmem>>) target(%dma_start3A_287 : memref<10240x128xf32, #tpu.memory_space<vmem_shared>>) offsets(%dma_start3A_284 : memref<128xi32, #tpu.memory_space<vmem>>) semaphore(%arg13 : memref<!tpu.dma_semaphore, #tpu.memory_space<semaphore_mem>>) {add = true}
      %gt3A = arith.constant 0 : i32
      %gt3A_288 = arith.cmpi sgt, %while3A_269, %gt3A : i32
      %convert_element_type3A = arith.extui %gt3A_288 : i1 to i32
      %cond3A = arith.constant 0 : i32
      %cond3A_289 = arith.cmpi ne, %convert_element_type3A, %cond3A : i32
      scf.if %cond3A_289 {
        %dma_wait3A_499 = arith.constant 1 : i32
        %dma_wait3A_500 = arith.constant 0 : i32
        %dma_wait3A_501 = tpu.memref_slice %arg7[%dma_wait3A_499, %dma_wait3A_500] : memref<2x128xi32, #tpu.memory_space<vmem>> -> memref<1x128xi32, #tpu.memory_space<vmem>>
        %dma_wait3A_502 = tpu.memref_squeeze %dma_wait3A_501 : memref<1x128xi32, #tpu.memory_space<vmem>> -> memref<128xi32, #tpu.memory_space<vmem>>
        %dma_wait3A_503 = arith.constant 0 : i32
        %dma_wait3A_504 = arith.constant 0 : i32
        %dma_wait3A_505 = tpu.memref_slice %arg10[%dma_wait3A_503, %dma_wait3A_504] : memref<10240x128xf32, #tpu.memory_space<vmem_shared>> -> memref<10240x128xf32, #tpu.memory_space<vmem_shared>>
        tpu.wait_indirect_dma semaphore(%arg14 : memref<!tpu.dma_semaphore, #tpu.memory_space<semaphore_mem>>) src(%arg9 : memref<128x128xf32, #tpu.memory_space<vmem>>) dst(%dma_wait3A_505 : memref<10240x128xf32, #tpu.memory_space<vmem_shared>>)
      } else {
      }
      %get3A_290 = arith.index_cast %add3A_273 : i32 to index
      %get3A_291 = arith.constant 0 : index
      %get3A_292 = tpu.vector_load %arg5[%get3A_290, %get3A_291] {strides = array<i32>} : memref<108x128xi32, #tpu.memory_space<vmem>>, vector<1x16xi32>,
      %get3A_293 = vector.shape_cast %get3A_292 : vector<1x16xi32> to vector<16xi32>
      %and3A_294 = arith.constant 16383 : i32
      %and3A_295 = vector.broadcast %and3A_294 : i32 to vector<16xi32>
      %and3A_296 = arith.andi %get3A_293, %and3A_295 : vector<16xi32>
      %swap3A_297 = arith.constant 0 : i32
      %swap3A_298 = arith.index_cast %swap3A_297 : i32 to index
      %swap3A_299 = arith.constant 0 : index
      %swap3A_300 = tpu.vector_load %arg7[%swap3A_298, %swap3A_299] {strides = array<i32>} : memref<2x128xi32, #tpu.memory_space<vmem>>, vector<1x16xi32>,
      %swap3A_301 = vector.shape_cast %swap3A_300 : vector<1x16xi32> to vector<16xi32>
      %swap3A_302 = vector.shape_cast %and3A_296 : vector<16xi32> to vector<1x16xi32>
      tpu.vector_store %arg7[%swap3A_298, %swap3A_299], %swap3A_302 {strides = array<i32>} : memref<2x128xi32, #tpu.memory_space<vmem>>, vector<1x16xi32>,
      %shift_right_arithmetic3A_303 = arith.constant 14 : i32
      %shift_right_arithmetic3A_304 = vector.broadcast %shift_right_arithmetic3A_303 : i32 to vector<16xi32>
      %shift_right_arithmetic3A_305 = arith.shrsi %get3A_293, %shift_right_arithmetic3A_304 : vector<16xi32>
      %swap3A_306 = arith.constant 1 : i32
      %swap3A_307 = arith.index_cast %swap3A_306 : i32 to index
      %swap3A_308 = arith.constant 0 : index
      %swap3A_309 = tpu.vector_load %arg7[%swap3A_307, %swap3A_308] {strides = array<i32>} : memref<2x128xi32, #tpu.memory_space<vmem>>, vector<1x16xi32>,
      %swap3A_310 = vector.shape_cast %swap3A_309 : vector<1x16xi32> to vector<16xi32>
      %swap3A_311 = vector.shape_cast %shift_right_arithmetic3A_305 : vector<16xi32> to vector<1x16xi32>
      tpu.vector_store %arg7[%swap3A_307, %swap3A_308], %swap3A_311 {strides = array<i32>} : memref<2x128xi32, #tpu.memory_space<vmem>>, vector<1x16xi32>,
      %get3A_312 = arith.index_cast %add3A_273 : i32 to index
      %get3A_313 = arith.constant 16 : index
      %get3A_314 = tpu.vector_load %arg5[%get3A_312, %get3A_313] {strides = array<i32>} : memref<108x128xi32, #tpu.memory_space<vmem>>, vector<1x16xi32>,
      %get3A_315 = vector.shape_cast %get3A_314 : vector<1x16xi32> to vector<16xi32>
      %and3A_316 = arith.constant 16383 : i32
      %and3A_317 = vector.broadcast %and3A_316 : i32 to vector<16xi32>
      %and3A_318 = arith.andi %get3A_315, %and3A_317 : vector<16xi32>
      %swap3A_319 = arith.constant 0 : i32
      %swap3A_320 = arith.index_cast %swap3A_319 : i32 to index
      %swap3A_321 = arith.constant 16 : index
      %swap3A_322 = tpu.vector_load %arg7[%swap3A_320, %swap3A_321] {strides = array<i32>} : memref<2x128xi32, #tpu.memory_space<vmem>>, vector<1x16xi32>,
      %swap3A_323 = vector.shape_cast %swap3A_322 : vector<1x16xi32> to vector<16xi32>
      %swap3A_324 = vector.shape_cast %and3A_318 : vector<16xi32> to vector<1x16xi32>
      tpu.vector_store %arg7[%swap3A_320, %swap3A_321], %swap3A_324 {strides = array<i32>} : memref<2x128xi32, #tpu.memory_space<vmem>>, vector<1x16xi32>,
      %shift_right_arithmetic3A_325 = arith.constant 14 : i32
      %shift_right_arithmetic3A_326 = vector.broadcast %shift_right_arithmetic3A_325 : i32 to vector<16xi32>
      %shift_right_arithmetic3A_327 = arith.shrsi %get3A_315, %shift_right_arithmetic3A_326 : vector<16xi32>
      %swap3A_328 = arith.constant 1 : i32
      %swap3A_329 = arith.index_cast %swap3A_328 : i32 to index
      %swap3A_330 = arith.constant 16 : index
      %swap3A_331 = tpu.vector_load %arg7[%swap3A_329, %swap3A_330] {strides = array<i32>} : memref<2x128xi32, #tpu.memory_space<vmem>>, vector<1x16xi32>,
      %swap3A_332 = vector.shape_cast %swap3A_331 : vector<1x16xi32> to vector<16xi32>
      %swap3A_333 = vector.shape_cast %shift_right_arithmetic3A_327 : vector<16xi32> to vector<1x16xi32>
      tpu.vector_store %arg7[%swap3A_329, %swap3A_330], %swap3A_333 {strides = array<i32>} : memref<2x128xi32, #tpu.memory_space<vmem>>, vector<1x16xi32>,
      %get3A_334 = arith.index_cast %add3A_273 : i32 to index
      %get3A_335 = arith.constant 32 : index
      %get3A_336 = tpu.vector_load %arg5[%get3A_334, %get3A_335] {strides = array<i32>} : memref<108x128xi32, #tpu.memory_space<vmem>>, vector<1x16xi32>,
      %get3A_337 = vector.shape_cast %get3A_336 : vector<1x16xi32> to vector<16xi32>
      %and3A_338 = arith.constant 16383 : i32
      %and3A_339 = vector.broadcast %and3A_338 : i32 to vector<16xi32>
      %and3A_340 = arith.andi %get3A_337, %and3A_339 : vector<16xi32>
      %swap3A_341 = arith.constant 0 : i32
      %swap3A_342 = arith.index_cast %swap3A_341 : i32 to index
      %swap3A_343 = arith.constant 32 : index
      %swap3A_344 = tpu.vector_load %arg7[%swap3A_342, %swap3A_343] {strides = array<i32>} : memref<2x128xi32, #tpu.memory_space<vmem>>, vector<1x16xi32>,
      %swap3A_345 = vector.shape_cast %swap3A_344 : vector<1x16xi32> to vector<16xi32>
      %swap3A_346 = vector.shape_cast %and3A_340 : vector<16xi32> to vector<1x16xi32>
      tpu.vector_store %arg7[%swap3A_342, %swap3A_343], %swap3A_346 {strides = array<i32>} : memref<2x128xi32, #tpu.memory_space<vmem>>, vector<1x16xi32>,
      %shift_right_arithmetic3A_347 = arith.constant 14 : i32
      %shift_right_arithmetic3A_348 = vector.broadcast %shift_right_arithmetic3A_347 : i32 to vector<16xi32>
      %shift_right_arithmetic3A_349 = arith.shrsi %get3A_337, %shift_right_arithmetic3A_348 : vector<16xi32>
      %swap3A_350 = arith.constant 1 : i32
      %swap3A_351 = arith.index_cast %swap3A_350 : i32 to index
      %swap3A_352 = arith.constant 32 : index
      %swap3A_353 = tpu.vector_load %arg7[%swap3A_351, %swap3A_352] {strides = array<i32>} : memref<2x128xi32, #tpu.memory_space<vmem>>, vector<1x16xi32>,
      %swap3A_354 = vector.shape_cast %swap3A_353 : vector<1x16xi32> to vector<16xi32>
      %swap3A_355 = vector.shape_cast %shift_right_arithmetic3A_349 : vector<16xi32> to vector<1x16xi32>
      tpu.vector_store %arg7[%swap3A_351, %swap3A_352], %swap3A_355 {strides = array<i32>} : memref<2x128xi32, #tpu.memory_space<vmem>>, vector<1x16xi32>,
      %get3A_356 = arith.index_cast %add3A_273 : i32 to index
      %get3A_357 = arith.constant 48 : index
      %get3A_358 = tpu.vector_load %arg5[%get3A_356, %get3A_357] {strides = array<i32>} : memref<108x128xi32, #tpu.memory_space<vmem>>, vector<1x16xi32>,
      %get3A_359 = vector.shape_cast %get3A_358 : vector<1x16xi32> to vector<16xi32>
      %and3A_360 = arith.constant 16383 : i32
      %and3A_361 = vector.broadcast %and3A_360 : i32 to vector<16xi32>
      %and3A_362 = arith.andi %get3A_359, %and3A_361 : vector<16xi32>
      %swap3A_363 = arith.constant 0 : i32
      %swap3A_364 = arith.index_cast %swap3A_363 : i32 to index
      %swap3A_365 = arith.constant 48 : index
      %swap3A_366 = tpu.vector_load %arg7[%swap3A_364, %swap3A_365] {strides = array<i32>} : memref<2x128xi32, #tpu.memory_space<vmem>>, vector<1x16xi32>,
      %swap3A_367 = vector.shape_cast %swap3A_366 : vector<1x16xi32> to vector<16xi32>
      %swap3A_368 = vector.shape_cast %and3A_362 : vector<16xi32> to vector<1x16xi32>
      tpu.vector_store %arg7[%swap3A_364, %swap3A_365], %swap3A_368 {strides = array<i32>} : memref<2x128xi32, #tpu.memory_space<vmem>>, vector<1x16xi32>,
      %shift_right_arithmetic3A_369 = arith.constant 14 : i32
      %shift_right_arithmetic3A_370 = vector.broadcast %shift_right_arithmetic3A_369 : i32 to vector<16xi32>
      %shift_right_arithmetic3A_371 = arith.shrsi %get3A_359, %shift_right_arithmetic3A_370 : vector<16xi32>
      %swap3A_372 = arith.constant 1 : i32
      %swap3A_373 = arith.index_cast %swap3A_372 : i32 to index
      %swap3A_374 = arith.constant 48 : index
      %swap3A_375 = tpu.vector_load %arg7[%swap3A_373, %swap3A_374] {strides = array<i32>} : memref<2x128xi32, #tpu.memory_space<vmem>>, vector<1x16xi32>,
      %swap3A_376 = vector.shape_cast %swap3A_375 : vector<1x16xi32> to vector<16xi32>
      %swap3A_377 = vector.shape_cast %shift_right_arithmetic3A_371 : vector<16xi32> to vector<1x16xi32>
      tpu.vector_store %arg7[%swap3A_373, %swap3A_374], %swap3A_377 {strides = array<i32>} : memref<2x128xi32, #tpu.memory_space<vmem>>, vector<1x16xi32>,
      %get3A_378 = arith.index_cast %add3A_273 : i32 to index
      %get3A_379 = arith.constant 64 : index
      %get3A_380 = tpu.vector_load %arg5[%get3A_378, %get3A_379] {strides = array<i32>} : memref<108x128xi32, #tpu.memory_space<vmem>>, vector<1x16xi32>,
      %get3A_381 = vector.shape_cast %get3A_380 : vector<1x16xi32> to vector<16xi32>
      %and3A_382 = arith.constant 16383 : i32
      %and3A_383 = vector.broadcast %and3A_382 : i32 to vector<16xi32>
      %and3A_384 = arith.andi %get3A_381, %and3A_383 : vector<16xi32>
      %swap3A_385 = arith.constant 0 : i32
      %swap3A_386 = arith.index_cast %swap3A_385 : i32 to index
      %swap3A_387 = arith.constant 64 : index
      %swap3A_388 = tpu.vector_load %arg7[%swap3A_386, %swap3A_387] {strides = array<i32>} : memref<2x128xi32, #tpu.memory_space<vmem>>, vector<1x16xi32>,
      %swap3A_389 = vector.shape_cast %swap3A_388 : vector<1x16xi32> to vector<16xi32>
      %swap3A_390 = vector.shape_cast %and3A_384 : vector<16xi32> to vector<1x16xi32>
      tpu.vector_store %arg7[%swap3A_386, %swap3A_387], %swap3A_390 {strides = array<i32>} : memref<2x128xi32, #tpu.memory_space<vmem>>, vector<1x16xi32>,
      %shift_right_arithmetic3A_391 = arith.constant 14 : i32
      %shift_right_arithmetic3A_392 = vector.broadcast %shift_right_arithmetic3A_391 : i32 to vector<16xi32>
      %shift_right_arithmetic3A_393 = arith.shrsi %get3A_381, %shift_right_arithmetic3A_392 : vector<16xi32>
      %swap3A_394 = arith.constant 1 : i32
      %swap3A_395 = arith.index_cast %swap3A_394 : i32 to index
      %swap3A_396 = arith.constant 64 : index
      %swap3A_397 = tpu.vector_load %arg7[%swap3A_395, %swap3A_396] {strides = array<i32>} : memref<2x128xi32, #tpu.memory_space<vmem>>, vector<1x16xi32>,
      %swap3A_398 = vector.shape_cast %swap3A_397 : vector<1x16xi32> to vector<16xi32>
      %swap3A_399 = vector.shape_cast %shift_right_arithmetic3A_393 : vector<16xi32> to vector<1x16xi32>
      tpu.vector_store %arg7[%swap3A_395, %swap3A_396], %swap3A_399 {strides = array<i32>} : memref<2x128xi32, #tpu.memory_space<vmem>>, vector<1x16xi32>,
      %get3A_400 = arith.index_cast %add3A_273 : i32 to index
      %get3A_401 = arith.constant 80 : index
      %get3A_402 = tpu.vector_load %arg5[%get3A_400, %get3A_401] {strides = array<i32>} : memref<108x128xi32, #tpu.memory_space<vmem>>, vector<1x16xi32>,
      %get3A_403 = vector.shape_cast %get3A_402 : vector<1x16xi32> to vector<16xi32>
      %and3A_404 = arith.constant 16383 : i32
      %and3A_405 = vector.broadcast %and3A_404 : i32 to vector<16xi32>
      %and3A_406 = arith.andi %get3A_403, %and3A_405 : vector<16xi32>
      %swap3A_407 = arith.constant 0 : i32
      %swap3A_408 = arith.index_cast %swap3A_407 : i32 to index
      %swap3A_409 = arith.constant 80 : index
      %swap3A_410 = tpu.vector_load %arg7[%swap3A_408, %swap3A_409] {strides = array<i32>} : memref<2x128xi32, #tpu.memory_space<vmem>>, vector<1x16xi32>,
      %swap3A_411 = vector.shape_cast %swap3A_410 : vector<1x16xi32> to vector<16xi32>
      %swap3A_412 = vector.shape_cast %and3A_406 : vector<16xi32> to vector<1x16xi32>
      tpu.vector_store %arg7[%swap3A_408, %swap3A_409], %swap3A_412 {strides = array<i32>} : memref<2x128xi32, #tpu.memory_space<vmem>>, vector<1x16xi32>,
      %shift_right_arithmetic3A_413 = arith.constant 14 : i32
      %shift_right_arithmetic3A_414 = vector.broadcast %shift_right_arithmetic3A_413 : i32 to vector<16xi32>
      %shift_right_arithmetic3A_415 = arith.shrsi %get3A_403, %shift_right_arithmetic3A_414 : vector<16xi32>
      %swap3A_416 = arith.constant 1 : i32
      %swap3A_417 = arith.index_cast %swap3A_416 : i32 to index
      %swap3A_418 = arith.constant 80 : index
      %swap3A_419 = tpu.vector_load %arg7[%swap3A_417, %swap3A_418] {strides = array<i32>} : memref<2x128xi32, #tpu.memory_space<vmem>>, vector<1x16xi32>,
      %swap3A_420 = vector.shape_cast %swap3A_419 : vector<1x16xi32> to vector<16xi32>
      %swap3A_421 = vector.shape_cast %shift_right_arithmetic3A_415 : vector<16xi32> to vector<1x16xi32>
      tpu.vector_store %arg7[%swap3A_417, %swap3A_418], %swap3A_421 {strides = array<i32>} : memref<2x128xi32, #tpu.memory_space<vmem>>, vector<1x16xi32>,
      %get3A_422 = arith.index_cast %add3A_273 : i32 to index
      %get3A_423 = arith.constant 96 : index
      %get3A_424 = tpu.vector_load %arg5[%get3A_422, %get3A_423] {strides = array<i32>} : memref<108x128xi32, #tpu.memory_space<vmem>>, vector<1x16xi32>,
      %get3A_425 = vector.shape_cast %get3A_424 : vector<1x16xi32> to vector<16xi32>
      %and3A_426 = arith.constant 16383 : i32
      %and3A_427 = vector.broadcast %and3A_426 : i32 to vector<16xi32>
      %and3A_428 = arith.andi %get3A_425, %and3A_427 : vector<16xi32>
      %swap3A_429 = arith.constant 0 : i32
      %swap3A_430 = arith.index_cast %swap3A_429 : i32 to index
      %swap3A_431 = arith.constant 96 : index
      %swap3A_432 = tpu.vector_load %arg7[%swap3A_430, %swap3A_431] {strides = array<i32>} : memref<2x128xi32, #tpu.memory_space<vmem>>, vector<1x16xi32>,
      %swap3A_433 = vector.shape_cast %swap3A_432 : vector<1x16xi32> to vector<16xi32>
      %swap3A_434 = vector.shape_cast %and3A_428 : vector<16xi32> to vector<1x16xi32>
      tpu.vector_store %arg7[%swap3A_430, %swap3A_431], %swap3A_434 {strides = array<i32>} : memref<2x128xi32, #tpu.memory_space<vmem>>, vector<1x16xi32>,
      %shift_right_arithmetic3A_435 = arith.constant 14 : i32
      %shift_right_arithmetic3A_436 = vector.broadcast %shift_right_arithmetic3A_435 : i32 to vector<16xi32>
      %shift_right_arithmetic3A_437 = arith.shrsi %get3A_425, %shift_right_arithmetic3A_436 : vector<16xi32>
      %swap3A_438 = arith.constant 1 : i32
      %swap3A_439 = arith.index_cast %swap3A_438 : i32 to index
      %swap3A_440 = arith.constant 96 : index
      %swap3A_441 = tpu.vector_load %arg7[%swap3A_439, %swap3A_440] {strides = array<i32>} : memref<2x128xi32, #tpu.memory_space<vmem>>, vector<1x16xi32>,
      %swap3A_442 = vector.shape_cast %swap3A_441 : vector<1x16xi32> to vector<16xi32>
      %swap3A_443 = vector.shape_cast %shift_right_arithmetic3A_437 : vector<16xi32> to vector<1x16xi32>
      tpu.vector_store %arg7[%swap3A_439, %swap3A_440], %swap3A_443 {strides = array<i32>} : memref<2x128xi32, #tpu.memory_space<vmem>>, vector<1x16xi32>,
      %get3A_444 = arith.index_cast %add3A_273 : i32 to index
      %get3A_445 = arith.constant 112 : index
      %get3A_446 = tpu.vector_load %arg5[%get3A_444, %get3A_445] {strides = array<i32>} : memref<108x128xi32, #tpu.memory_space<vmem>>, vector<1x16xi32>,
      %get3A_447 = vector.shape_cast %get3A_446 : vector<1x16xi32> to vector<16xi32>
      %and3A_448 = arith.constant 16383 : i32
      %and3A_449 = vector.broadcast %and3A_448 : i32 to vector<16xi32>
      %and3A_450 = arith.andi %get3A_447, %and3A_449 : vector<16xi32>
      %swap3A_451 = arith.constant 0 : i32
      %swap3A_452 = arith.index_cast %swap3A_451 : i32 to index
      %swap3A_453 = arith.constant 112 : index
      %swap3A_454 = tpu.vector_load %arg7[%swap3A_452, %swap3A_453] {strides = array<i32>} : memref<2x128xi32, #tpu.memory_space<vmem>>, vector<1x16xi32>,
      %swap3A_455 = vector.shape_cast %swap3A_454 : vector<1x16xi32> to vector<16xi32>
      %swap3A_456 = vector.shape_cast %and3A_450 : vector<16xi32> to vector<1x16xi32>
      tpu.vector_store %arg7[%swap3A_452, %swap3A_453], %swap3A_456 {strides = array<i32>} : memref<2x128xi32, #tpu.memory_space<vmem>>, vector<1x16xi32>,
      %shift_right_arithmetic3A_457 = arith.constant 14 : i32
      %shift_right_arithmetic3A_458 = vector.broadcast %shift_right_arithmetic3A_457 : i32 to vector<16xi32>
      %shift_right_arithmetic3A_459 = arith.shrsi %get3A_447, %shift_right_arithmetic3A_458 : vector<16xi32>
      %swap3A_460 = arith.constant 1 : i32
      %swap3A_461 = arith.index_cast %swap3A_460 : i32 to index
      %swap3A_462 = arith.constant 112 : index
      %swap3A_463 = tpu.vector_load %arg7[%swap3A_461, %swap3A_462] {strides = array<i32>} : memref<2x128xi32, #tpu.memory_space<vmem>>, vector<1x16xi32>,
      %swap3A_464 = vector.shape_cast %swap3A_463 : vector<1x16xi32> to vector<16xi32>
      %swap3A_465 = vector.shape_cast %shift_right_arithmetic3A_459 : vector<16xi32> to vector<1x16xi32>
      tpu.vector_store %arg7[%swap3A_461, %swap3A_462], %swap3A_465 {strides = array<i32>} : memref<2x128xi32, #tpu.memory_space<vmem>>, vector<1x16xi32>,
      %dma_start3A_466 = arith.constant 0 : i32
      %dma_start3A_467 = arith.constant 0 : i32
      %dma_start3A_468 = tpu.memref_slice %arg7[%dma_start3A_466, %dma_start3A_467] : memref<2x128xi32, #tpu.memory_space<vmem>> -> memref<1x128xi32, #tpu.memory_space<vmem>>
      %dma_start3A_469 = tpu.memref_squeeze %dma_start3A_468 : memref<1x128xi32, #tpu.memory_space<vmem>> -> memref<128xi32, #tpu.memory_space<vmem>>
      %dma_start3A_470 = arith.constant 0 : i32
      %dma_start3A_471 = arith.constant 0 : i32
      %dma_start3A_472 = tpu.memref_slice %arg2[%dma_start3A_470, %dma_start3A_471] : memref<10240x128xf32, #tpu.memory_space<hbm>> -> memref<10240x128xf32, #tpu.memory_space<hbm>>
      tpu.enqueue_indirect_dma source(%dma_start3A_472 : memref<10240x128xf32, #tpu.memory_space<hbm>>) target(%arg9 : memref<128x128xf32, #tpu.memory_space<vmem>>) offsets(%dma_start3A_469 : memref<128xi32, #tpu.memory_space<vmem>>) semaphore(%arg12 : memref<!tpu.dma_semaphore, #tpu.memory_space<semaphore_mem>>)
      %dma_wait3A_473 = arith.constant 0 : i32
      %dma_wait3A_474 = arith.constant 0 : i32
      %dma_wait3A_475 = tpu.memref_slice %arg7[%dma_wait3A_473, %dma_wait3A_474] : memref<2x128xi32, #tpu.memory_space<vmem>> -> memref<1x128xi32, #tpu.memory_space<vmem>>
      %dma_wait3A_476 = tpu.memref_squeeze %dma_wait3A_475 : memref<1x128xi32, #tpu.memory_space<vmem>> -> memref<128xi32, #tpu.memory_space<vmem>>
      %dma_wait3A_477 = arith.constant 0 : i32
      %dma_wait3A_478 = arith.constant 0 : i32
      %dma_wait3A_479 = tpu.memref_slice %arg2[%dma_wait3A_477, %dma_wait3A_478] : memref<10240x128xf32, #tpu.memory_space<hbm>> -> memref<10240x128xf32, #tpu.memory_space<hbm>>
      tpu.wait_indirect_dma semaphore(%arg12 : memref<!tpu.dma_semaphore, #tpu.memory_space<semaphore_mem>>) src(%dma_wait3A_479 : memref<10240x128xf32, #tpu.memory_space<hbm>>) dst(%arg9 : memref<128x128xf32, #tpu.memory_space<vmem>>)
      %dma_start3A_480 = arith.constant 1 : i32
      %dma_start3A_481 = arith.constant 0 : i32
      %dma_start3A_482 = tpu.memref_slice %arg7[%dma_start3A_480, %dma_start3A_481] : memref<2x128xi32, #tpu.memory_space<vmem>> -> memref<1x128xi32, #tpu.memory_space<vmem>>
      %dma_start3A_483 = tpu.memref_squeeze %dma_start3A_482 : memref<1x128xi32, #tpu.memory_space<vmem>> -> memref<128xi32, #tpu.memory_space<vmem>>
      %dma_start3A_484 = arith.constant 0 : i32
      %dma_start3A_485 = arith.constant 0 : i32
      %dma_start3A_486 = tpu.memref_slice %arg10[%dma_start3A_484, %dma_start3A_485] : memref<10240x128xf32, #tpu.memory_space<vmem_shared>> -> memref<10240x128xf32, #tpu.memory_space<vmem_shared>>
      tpu.enqueue_indirect_dma source(%arg9 : memref<128x128xf32, #tpu.memory_space<vmem>>) target(%dma_start3A_486 : memref<10240x128xf32, #tpu.memory_space<vmem_shared>>) offsets(%dma_start3A_483 : memref<128xi32, #tpu.memory_space<vmem>>) semaphore(%arg14 : memref<!tpu.dma_semaphore, #tpu.memory_space<semaphore_mem>>) {add = true}
      %dma_wait3A_487 = arith.constant 1 : i32
      %dma_wait3A_488 = arith.constant 0 : i32
      %dma_wait3A_489 = tpu.memref_slice %arg6[%dma_wait3A_487, %dma_wait3A_488] : memref<2x128xi32, #tpu.memory_space<vmem>> -> memref<1x128xi32, #tpu.memory_space<vmem>>
      %dma_wait3A_490 = tpu.memref_squeeze %dma_wait3A_489 : memref<1x128xi32, #tpu.memory_space<vmem>> -> memref<128xi32, #tpu.memory_space<vmem>>
      %dma_wait3A_491 = arith.constant 0 : i32
      %dma_wait3A_492 = arith.constant 0 : i32
      %dma_wait3A_493 = tpu.memref_slice %arg10[%dma_wait3A_491, %dma_wait3A_492] : memref<10240x128xf32, #tpu.memory_space<vmem_shared>> -> memref<10240x128xf32, #tpu.memory_space<vmem_shared>>
      tpu.wait_indirect_dma semaphore(%arg13 : memref<!tpu.dma_semaphore, #tpu.memory_space<semaphore_mem>>) src(%arg8 : memref<128x128xf32, #tpu.memory_space<vmem>>) dst(%dma_wait3A_493 : memref<10240x128xf32, #tpu.memory_space<vmem_shared>>)
      %add3A_494 = arith.constant 2 : i32
      %add3A_495 = arith.addi %mul3A_271, %add3A_494 : i32
      %lt3A = arith.cmpi slt, %add3A_495, %select_n3A : i32
      %convert_element_type3A_496 = arith.extui %lt3A : i1 to i32
      %cond3A_497 = arith.constant 0 : i32
      %cond3A_498 = arith.cmpi ne, %convert_element_type3A_496, %cond3A_497 : i32
      scf.if %cond3A_498 {
        %add3A_499 = arith.constant 2 : i32
        %add3A_500 = arith.addi %mul3A_271, %add3A_499 : i32
        %get3A_501 = arith.index_cast %add3A_500 : i32 to index
        %get3A_502 = arith.constant 0 : index
        %get3A_503 = tpu.vector_load %arg5[%get3A_501, %get3A_502] {strides = array<i32>} : memref<108x128xi32, #tpu.memory_space<vmem>>, vector<1x16xi32>,
        %get3A_504 = vector.shape_cast %get3A_503 : vector<1x16xi32> to vector<16xi32>
        %and3A_505 = arith.constant 16383 : i32
        %and3A_506 = vector.broadcast %and3A_505 : i32 to vector<16xi32>
        %and3A_507 = arith.andi %get3A_504, %and3A_506 : vector<16xi32>
        %swap3A_508 = arith.constant 0 : i32
        %swap3A_509 = arith.index_cast %swap3A_508 : i32 to index
        %swap3A_510 = arith.constant 0 : index
        %swap3A_511 = tpu.vector_load %arg6[%swap3A_509, %swap3A_510] {strides = array<i32>} : memref<2x128xi32, #tpu.memory_space<vmem>>, vector<1x16xi32>,
        %swap3A_512 = vector.shape_cast %swap3A_511 : vector<1x16xi32> to vector<16xi32>
        %swap3A_513 = vector.shape_cast %and3A_507 : vector<16xi32> to vector<1x16xi32>
        tpu.vector_store %arg6[%swap3A_509, %swap3A_510], %swap3A_513 {strides = array<i32>} : memref<2x128xi32, #tpu.memory_space<vmem>>, vector<1x16xi32>,
        %shift_right_arithmetic3A_514 = arith.constant 14 : i32
        %shift_right_arithmetic3A_515 = vector.broadcast %shift_right_arithmetic3A_514 : i32 to vector<16xi32>
        %shift_right_arithmetic3A_516 = arith.shrsi %get3A_504, %shift_right_arithmetic3A_515 : vector<16xi32>
        %swap3A_517 = arith.constant 1 : i32
        %swap3A_518 = arith.index_cast %swap3A_517 : i32 to index
        %swap3A_519 = arith.constant 0 : index
        %swap3A_520 = tpu.vector_load %arg6[%swap3A_518, %swap3A_519] {strides = array<i32>} : memref<2x128xi32, #tpu.memory_space<vmem>>, vector<1x16xi32>,
        %swap3A_521 = vector.shape_cast %swap3A_520 : vector<1x16xi32> to vector<16xi32>
        %swap3A_522 = vector.shape_cast %shift_right_arithmetic3A_516 : vector<16xi32> to vector<1x16xi32>
        tpu.vector_store %arg6[%swap3A_518, %swap3A_519], %swap3A_522 {strides = array<i32>} : memref<2x128xi32, #tpu.memory_space<vmem>>, vector<1x16xi32>,
        %get3A_523 = arith.index_cast %add3A_500 : i32 to index
        %get3A_524 = arith.constant 16 : index
        %get3A_525 = tpu.vector_load %arg5[%get3A_523, %get3A_524] {strides = array<i32>} : memref<108x128xi32, #tpu.memory_space<vmem>>, vector<1x16xi32>,
        %get3A_526 = vector.shape_cast %get3A_525 : vector<1x16xi32> to vector<16xi32>
        %and3A_527 = arith.constant 16383 : i32
        %and3A_528 = vector.broadcast %and3A_527 : i32 to vector<16xi32>
        %and3A_529 = arith.andi %get3A_526, %and3A_528 : vector<16xi32>
        %swap3A_530 = arith.constant 0 : i32
        %swap3A_531 = arith.index_cast %swap3A_530 : i32 to index
        %swap3A_532 = arith.constant 16 : index
        %swap3A_533 = tpu.vector_load %arg6[%swap3A_531, %swap3A_532] {strides = array<i32>} : memref<2x128xi32, #tpu.memory_space<vmem>>, vector<1x16xi32>,
        %swap3A_534 = vector.shape_cast %swap3A_533 : vector<1x16xi32> to vector<16xi32>
        %swap3A_535 = vector.shape_cast %and3A_529 : vector<16xi32> to vector<1x16xi32>
        tpu.vector_store %arg6[%swap3A_531, %swap3A_532], %swap3A_535 {strides = array<i32>} : memref<2x128xi32, #tpu.memory_space<vmem>>, vector<1x16xi32>,
        %shift_right_arithmetic3A_536 = arith.constant 14 : i32
        %shift_right_arithmetic3A_537 = vector.broadcast %shift_right_arithmetic3A_536 : i32 to vector<16xi32>
        %shift_right_arithmetic3A_538 = arith.shrsi %get3A_526, %shift_right_arithmetic3A_537 : vector<16xi32>
        %swap3A_539 = arith.constant 1 : i32
        %swap3A_540 = arith.index_cast %swap3A_539 : i32 to index
        %swap3A_541 = arith.constant 16 : index
        %swap3A_542 = tpu.vector_load %arg6[%swap3A_540, %swap3A_541] {strides = array<i32>} : memref<2x128xi32, #tpu.memory_space<vmem>>, vector<1x16xi32>,
        %swap3A_543 = vector.shape_cast %swap3A_542 : vector<1x16xi32> to vector<16xi32>
        %swap3A_544 = vector.shape_cast %shift_right_arithmetic3A_538 : vector<16xi32> to vector<1x16xi32>
        tpu.vector_store %arg6[%swap3A_540, %swap3A_541], %swap3A_544 {strides = array<i32>} : memref<2x128xi32, #tpu.memory_space<vmem>>, vector<1x16xi32>,
        %get3A_545 = arith.index_cast %add3A_500 : i32 to index
        %get3A_546 = arith.constant 32 : index
        %get3A_547 = tpu.vector_load %arg5[%get3A_545, %get3A_546] {strides = array<i32>} : memref<108x128xi32, #tpu.memory_space<vmem>>, vector<1x16xi32>,
        %get3A_548 = vector.shape_cast %get3A_547 : vector<1x16xi32> to vector<16xi32>
        %and3A_549 = arith.constant 16383 : i32
        %and3A_550 = vector.broadcast %and3A_549 : i32 to vector<16xi32>
        %and3A_551 = arith.andi %get3A_548, %and3A_550 : vector<16xi32>
        %swap3A_552 = arith.constant 0 : i32
        %swap3A_553 = arith.index_cast %swap3A_552 : i32 to index
        %swap3A_554 = arith.constant 32 : index
        %swap3A_555 = tpu.vector_load %arg6[%swap3A_553, %swap3A_554] {strides = array<i32>} : memref<2x128xi32, #tpu.memory_space<vmem>>, vector<1x16xi32>,
        %swap3A_556 = vector.shape_cast %swap3A_555 : vector<1x16xi32> to vector<16xi32>
        %swap3A_557 = vector.shape_cast %and3A_551 : vector<16xi32> to vector<1x16xi32>
        tpu.vector_store %arg6[%swap3A_553, %swap3A_554], %swap3A_557 {strides = array<i32>} : memref<2x128xi32, #tpu.memory_space<vmem>>, vector<1x16xi32>,
        %shift_right_arithmetic3A_558 = arith.constant 14 : i32
        %shift_right_arithmetic3A_559 = vector.broadcast %shift_right_arithmetic3A_558 : i32 to vector<16xi32>
        %shift_right_arithmetic3A_560 = arith.shrsi %get3A_548, %shift_right_arithmetic3A_559 : vector<16xi32>
        %swap3A_561 = arith.constant 1 : i32
        %swap3A_562 = arith.index_cast %swap3A_561 : i32 to index
        %swap3A_563 = arith.constant 32 : index
        %swap3A_564 = tpu.vector_load %arg6[%swap3A_562, %swap3A_563] {strides = array<i32>} : memref<2x128xi32, #tpu.memory_space<vmem>>, vector<1x16xi32>,
        %swap3A_565 = vector.shape_cast %swap3A_564 : vector<1x16xi32> to vector<16xi32>
        %swap3A_566 = vector.shape_cast %shift_right_arithmetic3A_560 : vector<16xi32> to vector<1x16xi32>
        tpu.vector_store %arg6[%swap3A_562, %swap3A_563], %swap3A_566 {strides = array<i32>} : memref<2x128xi32, #tpu.memory_space<vmem>>, vector<1x16xi32>,
        %get3A_567 = arith.index_cast %add3A_500 : i32 to index
        %get3A_568 = arith.constant 48 : index
        %get3A_569 = tpu.vector_load %arg5[%get3A_567, %get3A_568] {strides = array<i32>} : memref<108x128xi32, #tpu.memory_space<vmem>>, vector<1x16xi32>,
        %get3A_570 = vector.shape_cast %get3A_569 : vector<1x16xi32> to vector<16xi32>
        %and3A_571 = arith.constant 16383 : i32
        %and3A_572 = vector.broadcast %and3A_571 : i32 to vector<16xi32>
        %and3A_573 = arith.andi %get3A_570, %and3A_572 : vector<16xi32>
        %swap3A_574 = arith.constant 0 : i32
        %swap3A_575 = arith.index_cast %swap3A_574 : i32 to index
        %swap3A_576 = arith.constant 48 : index
        %swap3A_577 = tpu.vector_load %arg6[%swap3A_575, %swap3A_576] {strides = array<i32>} : memref<2x128xi32, #tpu.memory_space<vmem>>, vector<1x16xi32>,
        %swap3A_578 = vector.shape_cast %swap3A_577 : vector<1x16xi32> to vector<16xi32>
        %swap3A_579 = vector.shape_cast %and3A_573 : vector<16xi32> to vector<1x16xi32>
        tpu.vector_store %arg6[%swap3A_575, %swap3A_576], %swap3A_579 {strides = array<i32>} : memref<2x128xi32, #tpu.memory_space<vmem>>, vector<1x16xi32>,
        %shift_right_arithmetic3A_580 = arith.constant 14 : i32
        %shift_right_arithmetic3A_581 = vector.broadcast %shift_right_arithmetic3A_580 : i32 to vector<16xi32>
        %shift_right_arithmetic3A_582 = arith.shrsi %get3A_570, %shift_right_arithmetic3A_581 : vector<16xi32>
        %swap3A_583 = arith.constant 1 : i32
        %swap3A_584 = arith.index_cast %swap3A_583 : i32 to index
        %swap3A_585 = arith.constant 48 : index
        %swap3A_586 = tpu.vector_load %arg6[%swap3A_584, %swap3A_585] {strides = array<i32>} : memref<2x128xi32, #tpu.memory_space<vmem>>, vector<1x16xi32>,
        %swap3A_587 = vector.shape_cast %swap3A_586 : vector<1x16xi32> to vector<16xi32>
        %swap3A_588 = vector.shape_cast %shift_right_arithmetic3A_582 : vector<16xi32> to vector<1x16xi32>
        tpu.vector_store %arg6[%swap3A_584, %swap3A_585], %swap3A_588 {strides = array<i32>} : memref<2x128xi32, #tpu.memory_space<vmem>>, vector<1x16xi32>,
        %get3A_589 = arith.index_cast %add3A_500 : i32 to index
        %get3A_590 = arith.constant 64 : index
        %get3A_591 = tpu.vector_load %arg5[%get3A_589, %get3A_590] {strides = array<i32>} : memref<108x128xi32, #tpu.memory_space<vmem>>, vector<1x16xi32>,
        %get3A_592 = vector.shape_cast %get3A_591 : vector<1x16xi32> to vector<16xi32>
        %and3A_593 = arith.constant 16383 : i32
        %and3A_594 = vector.broadcast %and3A_593 : i32 to vector<16xi32>
        %and3A_595 = arith.andi %get3A_592, %and3A_594 : vector<16xi32>
        %swap3A_596 = arith.constant 0 : i32
        %swap3A_597 = arith.index_cast %swap3A_596 : i32 to index
        %swap3A_598 = arith.constant 64 : index
        %swap3A_599 = tpu.vector_load %arg6[%swap3A_597, %swap3A_598] {strides = array<i32>} : memref<2x128xi32, #tpu.memory_space<vmem>>, vector<1x16xi32>,
        %swap3A_600 = vector.shape_cast %swap3A_599 : vector<1x16xi32> to vector<16xi32>
        %swap3A_601 = vector.shape_cast %and3A_595 : vector<16xi32> to vector<1x16xi32>
        tpu.vector_store %arg6[%swap3A_597, %swap3A_598], %swap3A_601 {strides = array<i32>} : memref<2x128xi32, #tpu.memory_space<vmem>>, vector<1x16xi32>,
        %shift_right_arithmetic3A_602 = arith.constant 14 : i32
        %shift_right_arithmetic3A_603 = vector.broadcast %shift_right_arithmetic3A_602 : i32 to vector<16xi32>
        %shift_right_arithmetic3A_604 = arith.shrsi %get3A_592, %shift_right_arithmetic3A_603 : vector<16xi32>
        %swap3A_605 = arith.constant 1 : i32
        %swap3A_606 = arith.index_cast %swap3A_605 : i32 to index
        %swap3A_607 = arith.constant 64 : index
        %swap3A_608 = tpu.vector_load %arg6[%swap3A_606, %swap3A_607] {strides = array<i32>} : memref<2x128xi32, #tpu.memory_space<vmem>>, vector<1x16xi32>,
        %swap3A_609 = vector.shape_cast %swap3A_608 : vector<1x16xi32> to vector<16xi32>
        %swap3A_610 = vector.shape_cast %shift_right_arithmetic3A_604 : vector<16xi32> to vector<1x16xi32>
        tpu.vector_store %arg6[%swap3A_606, %swap3A_607], %swap3A_610 {strides = array<i32>} : memref<2x128xi32, #tpu.memory_space<vmem>>, vector<1x16xi32>,
        %get3A_611 = arith.index_cast %add3A_500 : i32 to index
        %get3A_612 = arith.constant 80 : index
        %get3A_613 = tpu.vector_load %arg5[%get3A_611, %get3A_612] {strides = array<i32>} : memref<108x128xi32, #tpu.memory_space<vmem>>, vector<1x16xi32>,
        %get3A_614 = vector.shape_cast %get3A_613 : vector<1x16xi32> to vector<16xi32>
        %and3A_615 = arith.constant 16383 : i32
        %and3A_616 = vector.broadcast %and3A_615 : i32 to vector<16xi32>
        %and3A_617 = arith.andi %get3A_614, %and3A_616 : vector<16xi32>
        %swap3A_618 = arith.constant 0 : i32
        %swap3A_619 = arith.index_cast %swap3A_618 : i32 to index
        %swap3A_620 = arith.constant 80 : index
        %swap3A_621 = tpu.vector_load %arg6[%swap3A_619, %swap3A_620] {strides = array<i32>} : memref<2x128xi32, #tpu.memory_space<vmem>>, vector<1x16xi32>,
        %swap3A_622 = vector.shape_cast %swap3A_621 : vector<1x16xi32> to vector<16xi32>
        %swap3A_623 = vector.shape_cast %and3A_617 : vector<16xi32> to vector<1x16xi32>
        tpu.vector_store %arg6[%swap3A_619, %swap3A_620], %swap3A_623 {strides = array<i32>} : memref<2x128xi32, #tpu.memory_space<vmem>>, vector<1x16xi32>,
        %shift_right_arithmetic3A_624 = arith.constant 14 : i32
        %shift_right_arithmetic3A_625 = vector.broadcast %shift_right_arithmetic3A_624 : i32 to vector<16xi32>
        %shift_right_arithmetic3A_626 = arith.shrsi %get3A_614, %shift_right_arithmetic3A_625 : vector<16xi32>
        %swap3A_627 = arith.constant 1 : i32
        %swap3A_628 = arith.index_cast %swap3A_627 : i32 to index
        %swap3A_629 = arith.constant 80 : index
        %swap3A_630 = tpu.vector_load %arg6[%swap3A_628, %swap3A_629] {strides = array<i32>} : memref<2x128xi32, #tpu.memory_space<vmem>>, vector<1x16xi32>,
        %swap3A_631 = vector.shape_cast %swap3A_630 : vector<1x16xi32> to vector<16xi32>
        %swap3A_632 = vector.shape_cast %shift_right_arithmetic3A_626 : vector<16xi32> to vector<1x16xi32>
        tpu.vector_store %arg6[%swap3A_628, %swap3A_629], %swap3A_632 {strides = array<i32>} : memref<2x128xi32, #tpu.memory_space<vmem>>, vector<1x16xi32>,
        %get3A_633 = arith.index_cast %add3A_500 : i32 to index
        %get3A_634 = arith.constant 96 : index
        %get3A_635 = tpu.vector_load %arg5[%get3A_633, %get3A_634] {strides = array<i32>} : memref<108x128xi32, #tpu.memory_space<vmem>>, vector<1x16xi32>,
        %get3A_636 = vector.shape_cast %get3A_635 : vector<1x16xi32> to vector<16xi32>
        %and3A_637 = arith.constant 16383 : i32
        %and3A_638 = vector.broadcast %and3A_637 : i32 to vector<16xi32>
        %and3A_639 = arith.andi %get3A_636, %and3A_638 : vector<16xi32>
        %swap3A_640 = arith.constant 0 : i32
        %swap3A_641 = arith.index_cast %swap3A_640 : i32 to index
        %swap3A_642 = arith.constant 96 : index
        %swap3A_643 = tpu.vector_load %arg6[%swap3A_641, %swap3A_642] {strides = array<i32>} : memref<2x128xi32, #tpu.memory_space<vmem>>, vector<1x16xi32>,
        %swap3A_644 = vector.shape_cast %swap3A_643 : vector<1x16xi32> to vector<16xi32>
        %swap3A_645 = vector.shape_cast %and3A_639 : vector<16xi32> to vector<1x16xi32>
        tpu.vector_store %arg6[%swap3A_641, %swap3A_642], %swap3A_645 {strides = array<i32>} : memref<2x128xi32, #tpu.memory_space<vmem>>, vector<1x16xi32>,
        %shift_right_arithmetic3A_646 = arith.constant 14 : i32
        %shift_right_arithmetic3A_647 = vector.broadcast %shift_right_arithmetic3A_646 : i32 to vector<16xi32>
        %shift_right_arithmetic3A_648 = arith.shrsi %get3A_636, %shift_right_arithmetic3A_647 : vector<16xi32>
        %swap3A_649 = arith.constant 1 : i32
        %swap3A_650 = arith.index_cast %swap3A_649 : i32 to index
        %swap3A_651 = arith.constant 96 : index
        %swap3A_652 = tpu.vector_load %arg6[%swap3A_650, %swap3A_651] {strides = array<i32>} : memref<2x128xi32, #tpu.memory_space<vmem>>, vector<1x16xi32>,
        %swap3A_653 = vector.shape_cast %swap3A_652 : vector<1x16xi32> to vector<16xi32>
        %swap3A_654 = vector.shape_cast %shift_right_arithmetic3A_648 : vector<16xi32> to vector<1x16xi32>
        tpu.vector_store %arg6[%swap3A_650, %swap3A_651], %swap3A_654 {strides = array<i32>} : memref<2x128xi32, #tpu.memory_space<vmem>>, vector<1x16xi32>,
        %get3A_655 = arith.index_cast %add3A_500 : i32 to index
        %get3A_656 = arith.constant 112 : index
        %get3A_657 = tpu.vector_load %arg5[%get3A_655, %get3A_656] {strides = array<i32>} : memref<108x128xi32, #tpu.memory_space<vmem>>, vector<1x16xi32>,
        %get3A_658 = vector.shape_cast %get3A_657 : vector<1x16xi32> to vector<16xi32>
        %and3A_659 = arith.constant 16383 : i32
        %and3A_660 = vector.broadcast %and3A_659 : i32 to vector<16xi32>
        %and3A_661 = arith.andi %get3A_658, %and3A_660 : vector<16xi32>
        %swap3A_662 = arith.constant 0 : i32
        %swap3A_663 = arith.index_cast %swap3A_662 : i32 to index
        %swap3A_664 = arith.constant 112 : index
        %swap3A_665 = tpu.vector_load %arg6[%swap3A_663, %swap3A_664] {strides = array<i32>} : memref<2x128xi32, #tpu.memory_space<vmem>>, vector<1x16xi32>,
        %swap3A_666 = vector.shape_cast %swap3A_665 : vector<1x16xi32> to vector<16xi32>
        %swap3A_667 = vector.shape_cast %and3A_661 : vector<16xi32> to vector<1x16xi32>
        tpu.vector_store %arg6[%swap3A_663, %swap3A_664], %swap3A_667 {strides = array<i32>} : memref<2x128xi32, #tpu.memory_space<vmem>>, vector<1x16xi32>,
        %shift_right_arithmetic3A_668 = arith.constant 14 : i32
        %shift_right_arithmetic3A_669 = vector.broadcast %shift_right_arithmetic3A_668 : i32 to vector<16xi32>
        %shift_right_arithmetic3A_670 = arith.shrsi %get3A_658, %shift_right_arithmetic3A_669 : vector<16xi32>
        %swap3A_671 = arith.constant 1 : i32
        %swap3A_672 = arith.index_cast %swap3A_671 : i32 to index
        %swap3A_673 = arith.constant 112 : index
        %swap3A_674 = tpu.vector_load %arg6[%swap3A_672, %swap3A_673] {strides = array<i32>} : memref<2x128xi32, #tpu.memory_space<vmem>>, vector<1x16xi32>,
        %swap3A_675 = vector.shape_cast %swap3A_674 : vector<1x16xi32> to vector<16xi32>
        %swap3A_676 = vector.shape_cast %shift_right_arithmetic3A_670 : vector<16xi32> to vector<1x16xi32>
        tpu.vector_store %arg6[%swap3A_672, %swap3A_673], %swap3A_676 {strides = array<i32>} : memref<2x128xi32, #tpu.memory_space<vmem>>, vector<1x16xi32>,
        %dma_start3A_677 = arith.constant 0 : i32
        %dma_start3A_678 = arith.constant 0 : i32
        %dma_start3A_679 = tpu.memref_slice %arg6[%dma_start3A_677, %dma_start3A_678] : memref<2x128xi32, #tpu.memory_space<vmem>> -> memref<1x128xi32, #tpu.memory_space<vmem>>
        %dma_start3A_680 = tpu.memref_squeeze %dma_start3A_679 : memref<1x128xi32, #tpu.memory_space<vmem>> -> memref<128xi32, #tpu.memory_space<vmem>>
        %dma_start3A_681 = arith.constant 0 : i32
        %dma_start3A_682 = arith.constant 0 : i32
        %dma_start3A_683 = tpu.memref_slice %arg2[%dma_start3A_681, %dma_start3A_682] : memref<10240x128xf32, #tpu.memory_space<hbm>> -> memref<10240x128xf32, #tpu.memory_space<hbm>>
        tpu.enqueue_indirect_dma source(%dma_start3A_683 : memref<10240x128xf32, #tpu.memory_space<hbm>>) target(%arg8 : memref<128x128xf32, #tpu.memory_space<vmem>>) offsets(%dma_start3A_680 : memref<128xi32, #tpu.memory_space<vmem>>) semaphore(%arg11 : memref<!tpu.dma_semaphore, #tpu.memory_space<semaphore_mem>>)
      } else {
      }
    }
    %dma_wait3A = arith.constant 1 : i32
    %dma_wait3A_242 = arith.constant 0 : i32
    %dma_wait3A_243 = tpu.memref_slice %arg7[%dma_wait3A, %dma_wait3A_242] : memref<2x128xi32, #tpu.memory_space<vmem>> -> memref<1x128xi32, #tpu.memory_space<vmem>>
    %dma_wait3A_244 = tpu.memref_squeeze %dma_wait3A_243 : memref<1x128xi32, #tpu.memory_space<vmem>> -> memref<128xi32, #tpu.memory_space<vmem>>
    %dma_wait3A_245 = arith.constant 0 : i32
    %dma_wait3A_246 = arith.constant 0 : i32
    %dma_wait3A_247 = tpu.memref_slice %arg10[%dma_wait3A_245, %dma_wait3A_246] : memref<10240x128xf32, #tpu.memory_space<vmem_shared>> -> memref<10240x128xf32, #tpu.memory_space<vmem_shared>>
    tpu.wait_indirect_dma semaphore(%arg14 : memref<!tpu.dma_semaphore, #tpu.memory_space<semaphore_mem>>) src(%arg9 : memref<128x128xf32, #tpu.memory_space<vmem>>) dst(%dma_wait3A_247 : memref<10240x128xf32, #tpu.memory_space<vmem_shared>>)
    %barrier3A_248 = arith.constant 0 : index
    tpu.barrier barrier_id(%barrier3A_248)
    %mul3A_249 = arith.constant 640 : i32
    %mul3A_250 = arith.muli %arg1, %mul3A_249 : i32
    %add3A_251 = arith.constant 0 : i32
    %add3A_252 = arith.addi %mul3A_250, %add3A_251 : i32
    "tpu.region"() ({
      %run_scoped3A = tpu.sem_alloc : memref<!tpu.dma_semaphore, #tpu.memory_space<semaphore_mem>>
      %dma_start3A_269 = arith.constant 0 : i32
      %dma_start3A_270 = tpu.memref_slice %arg4[%arg0, %add3A_252, %dma_start3A_269] : memref<2x10240x128xf32, #tpu.memory_space<hbm>> -> memref<1x128x128xf32, #tpu.memory_space<hbm>>
      %dma_start3A_271 = tpu.memref_squeeze %dma_start3A_270 : memref<1x128x128xf32, #tpu.memory_space<hbm>> -> memref<128x128xf32, #tpu.memory_space<hbm>>
      %dma_start3A_272 = arith.constant 0 : i32
      %dma_start3A_273 = tpu.memref_slice %arg10[%add3A_252, %dma_start3A_272] : memref<10240x128xf32, #tpu.memory_space<vmem_shared>> -> memref<128x128xf32, #tpu.memory_space<vmem_shared>>
      tpu.enqueue_dma source(%dma_start3A_273 : memref<128x128xf32, #tpu.memory_space<vmem_shared>>) target(%dma_start3A_271 : memref<128x128xf32, #tpu.memory_space<hbm>>) target_semaphore(%run_scoped3A : memref<!tpu.dma_semaphore, #tpu.memory_space<semaphore_mem>>)
      %dma_wait3A_274 = arith.constant 0 : i32
      %dma_wait3A_275 = tpu.memref_slice %arg4[%arg0, %add3A_252, %dma_wait3A_274] : memref<2x10240x128xf32, #tpu.memory_space<hbm>> -> memref<1x128x128xf32, #tpu.memory_space<hbm>>
      %dma_wait3A_276 = tpu.memref_squeeze %dma_wait3A_275 : memref<1x128x128xf32, #tpu.memory_space<hbm>> -> memref<128x128xf32, #tpu.memory_space<hbm>>
      %dma_wait3A_277 = arith.constant 0 : i32
      %dma_wait3A_278 = tpu.memref_slice %arg10[%add3A_252, %dma_wait3A_277] : memref<10240x128xf32, #tpu.memory_space<vmem_shared>> -> memref<128x128xf32, #tpu.memory_space<vmem_shared>>
      tpu.wait_dma2 semaphore(%run_scoped3A : memref<!tpu.dma_semaphore, #tpu.memory_space<semaphore_mem>>) src(%dma_wait3A_278 : memref<128x128xf32, #tpu.memory_space<vmem_shared>>) dst(%dma_wait3A_276 : memref<128x128xf32, #tpu.memory_space<hbm>>)
      tpu.yield
    }) : () -> ()
    %mul3A_253 = arith.constant 640 : i32
    %mul3A_254 = arith.muli %arg1, %mul3A_253 : i32
    %add3A_255 = arith.constant 128 : i32
    %add3A_256 = arith.addi %mul3A_254, %add3A_255 : i32
    "tpu.region"() ({
      %run_scoped3A = tpu.sem_alloc : memref<!tpu.dma_semaphore, #tpu.memory_space<semaphore_mem>>
      %dma_start3A_269 = arith.constant 0 : i32
      %dma_start3A_270 = tpu.memref_slice %arg4[%arg0, %add3A_256, %dma_start3A_269] : memref<2x10240x128xf32, #tpu.memory_space<hbm>> -> memref<1x128x128xf32, #tpu.memory_space<hbm>>
      %dma_start3A_271 = tpu.memref_squeeze %dma_start3A_270 : memref<1x128x128xf32, #tpu.memory_space<hbm>> -> memref<128x128xf32, #tpu.memory_space<hbm>>
      %dma_start3A_272 = arith.constant 0 : i32
      %dma_start3A_273 = tpu.memref_slice %arg10[%add3A_256, %dma_start3A_272] : memref<10240x128xf32, #tpu.memory_space<vmem_shared>> -> memref<128x128xf32, #tpu.memory_space<vmem_shared>>
      tpu.enqueue_dma source(%dma_start3A_273 : memref<128x128xf32, #tpu.memory_space<vmem_shared>>) target(%dma_start3A_271 : memref<128x128xf32, #tpu.memory_space<hbm>>) target_semaphore(%run_scoped3A : memref<!tpu.dma_semaphore, #tpu.memory_space<semaphore_mem>>)
      %dma_wait3A_274 = arith.constant 0 : i32
      %dma_wait3A_275 = tpu.memref_slice %arg4[%arg0, %add3A_256, %dma_wait3A_274] : memref<2x10240x128xf32, #tpu.memory_space<hbm>> -> memref<1x128x128xf32, #tpu.memory_space<hbm>>
      %dma_wait3A_276 = tpu.memref_squeeze %dma_wait3A_275 : memref<1x128x128xf32, #tpu.memory_space<hbm>> -> memref<128x128xf32, #tpu.memory_space<hbm>>
      %dma_wait3A_277 = arith.constant 0 : i32
      %dma_wait3A_278 = tpu.memref_slice %arg10[%add3A_256, %dma_wait3A_277] : memref<10240x128xf32, #tpu.memory_space<vmem_shared>> -> memref<128x128xf32, #tpu.memory_space<vmem_shared>>
      tpu.wait_dma2 semaphore(%run_scoped3A : memref<!tpu.dma_semaphore, #tpu.memory_space<semaphore_mem>>) src(%dma_wait3A_278 : memref<128x128xf32, #tpu.memory_space<vmem_shared>>) dst(%dma_wait3A_276 : memref<128x128xf32, #tpu.memory_space<hbm>>)
      tpu.yield
    }) : () -> ()
    %mul3A_257 = arith.constant 640 : i32
    %mul3A_258 = arith.muli %arg1, %mul3A_257 : i32
    %add3A_259 = arith.constant 256 : i32
    %add3A_260 = arith.addi %mul3A_258, %add3A_259 : i32
    "tpu.region"() ({
      %run_scoped3A = tpu.sem_alloc : memref<!tpu.dma_semaphore, #tpu.memory_space<semaphore_mem>>
      %dma_start3A_269 = arith.constant 0 : i32
      %dma_start3A_270 = tpu.memref_slice %arg4[%arg0, %add3A_260, %dma_start3A_269] : memref<2x10240x128xf32, #tpu.memory_space<hbm>> -> memref<1x128x128xf32, #tpu.memory_space<hbm>>
      %dma_start3A_271 = tpu.memref_squeeze %dma_start3A_270 : memref<1x128x128xf32, #tpu.memory_space<hbm>> -> memref<128x128xf32, #tpu.memory_space<hbm>>
      %dma_start3A_272 = arith.constant 0 : i32
      %dma_start3A_273 = tpu.memref_slice %arg10[%add3A_260, %dma_start3A_272] : memref<10240x128xf32, #tpu.memory_space<vmem_shared>> -> memref<128x128xf32, #tpu.memory_space<vmem_shared>>
      tpu.enqueue_dma source(%dma_start3A_273 : memref<128x128xf32, #tpu.memory_space<vmem_shared>>) target(%dma_start3A_271 : memref<128x128xf32, #tpu.memory_space<hbm>>) target_semaphore(%run_scoped3A : memref<!tpu.dma_semaphore, #tpu.memory_space<semaphore_mem>>)
      %dma_wait3A_274 = arith.constant 0 : i32
      %dma_wait3A_275 = tpu.memref_slice %arg4[%arg0, %add3A_260, %dma_wait3A_274] : memref<2x10240x128xf32, #tpu.memory_space<hbm>> -> memref<1x128x128xf32, #tpu.memory_space<hbm>>
      %dma_wait3A_276 = tpu.memref_squeeze %dma_wait3A_275 : memref<1x128x128xf32, #tpu.memory_space<hbm>> -> memref<128x128xf32, #tpu.memory_space<hbm>>
      %dma_wait3A_277 = arith.constant 0 : i32
      %dma_wait3A_278 = tpu.memref_slice %arg10[%add3A_260, %dma_wait3A_277] : memref<10240x128xf32, #tpu.memory_space<vmem_shared>> -> memref<128x128xf32, #tpu.memory_space<vmem_shared>>
      tpu.wait_dma2 semaphore(%run_scoped3A : memref<!tpu.dma_semaphore, #tpu.memory_space<semaphore_mem>>) src(%dma_wait3A_278 : memref<128x128xf32, #tpu.memory_space<vmem_shared>>) dst(%dma_wait3A_276 : memref<128x128xf32, #tpu.memory_space<hbm>>)
      tpu.yield
    }) : () -> ()
    %mul3A_261 = arith.constant 640 : i32
    %mul3A_262 = arith.muli %arg1, %mul3A_261 : i32
    %add3A_263 = arith.constant 384 : i32
    %add3A_264 = arith.addi %mul3A_262, %add3A_263 : i32
    "tpu.region"() ({
      %run_scoped3A = tpu.sem_alloc : memref<!tpu.dma_semaphore, #tpu.memory_space<semaphore_mem>>
      %dma_start3A_269 = arith.constant 0 : i32
      %dma_start3A_270 = tpu.memref_slice %arg4[%arg0, %add3A_264, %dma_start3A_269] : memref<2x10240x128xf32, #tpu.memory_space<hbm>> -> memref<1x128x128xf32, #tpu.memory_space<hbm>>
      %dma_start3A_271 = tpu.memref_squeeze %dma_start3A_270 : memref<1x128x128xf32, #tpu.memory_space<hbm>> -> memref<128x128xf32, #tpu.memory_space<hbm>>
      %dma_start3A_272 = arith.constant 0 : i32
      %dma_start3A_273 = tpu.memref_slice %arg10[%add3A_264, %dma_start3A_272] : memref<10240x128xf32, #tpu.memory_space<vmem_shared>> -> memref<128x128xf32, #tpu.memory_space<vmem_shared>>
      tpu.enqueue_dma source(%dma_start3A_273 : memref<128x128xf32, #tpu.memory_space<vmem_shared>>) target(%dma_start3A_271 : memref<128x128xf32, #tpu.memory_space<hbm>>) target_semaphore(%run_scoped3A : memref<!tpu.dma_semaphore, #tpu.memory_space<semaphore_mem>>)
      %dma_wait3A_274 = arith.constant 0 : i32
      %dma_wait3A_275 = tpu.memref_slice %arg4[%arg0, %add3A_264, %dma_wait3A_274] : memref<2x10240x128xf32, #tpu.memory_space<hbm>> -> memref<1x128x128xf32, #tpu.memory_space<hbm>>
      %dma_wait3A_276 = tpu.memref_squeeze %dma_wait3A_275 : memref<1x128x128xf32, #tpu.memory_space<hbm>> -> memref<128x128xf32, #tpu.memory_space<hbm>>
      %dma_wait3A_277 = arith.constant 0 : i32
      %dma_wait3A_278 = tpu.memref_slice %arg10[%add3A_264, %dma_wait3A_277] : memref<10240x128xf32, #tpu.memory_space<vmem_shared>> -> memref<128x128xf32, #tpu.memory_space<vmem_shared>>
      tpu.wait_dma2 semaphore(%run_scoped3A : memref<!tpu.dma_semaphore, #tpu.memory_space<semaphore_mem>>) src(%dma_wait3A_278 : memref<128x128xf32, #tpu.memory_space<vmem_shared>>) dst(%dma_wait3A_276 : memref<128x128xf32, #tpu.memory_space<hbm>>)
      tpu.yield
    }) : () -> ()
    %mul3A_265 = arith.constant 640 : i32
    %mul3A_266 = arith.muli %arg1, %mul3A_265 : i32
    %add3A_267 = arith.constant 512 : i32
    %add3A_268 = arith.addi %mul3A_266, %add3A_267 : i32
    "tpu.region"() ({
      %run_scoped3A = tpu.sem_alloc : memref<!tpu.dma_semaphore, #tpu.memory_space<semaphore_mem>>
      %dma_start3A_269 = arith.constant 0 : i32
      %dma_start3A_270 = tpu.memref_slice %arg4[%arg0, %add3A_268, %dma_start3A_269] : memref<2x10240x128xf32, #tpu.memory_space<hbm>> -> memref<1x128x128xf32, #tpu.memory_space<hbm>>
      %dma_start3A_271 = tpu.memref_squeeze %dma_start3A_270 : memref<1x128x128xf32, #tpu.memory_space<hbm>> -> memref<128x128xf32, #tpu.memory_space<hbm>>
      %dma_start3A_272 = arith.constant 0 : i32
      %dma_start3A_273 = tpu.memref_slice %arg10[%add3A_268, %dma_start3A_272] : memref<10240x128xf32, #tpu.memory_space<vmem_shared>> -> memref<128x128xf32, #tpu.memory_space<vmem_shared>>
      tpu.enqueue_dma source(%dma_start3A_273 : memref<128x128xf32, #tpu.memory_space<vmem_shared>>) target(%dma_start3A_271 : memref<128x128xf32, #tpu.memory_space<hbm>>) target_semaphore(%run_scoped3A : memref<!tpu.dma_semaphore, #tpu.memory_space<semaphore_mem>>)
      %dma_wait3A_274 = arith.constant 0 : i32
      %dma_wait3A_275 = tpu.memref_slice %arg4[%arg0, %add3A_268, %dma_wait3A_274] : memref<2x10240x128xf32, #tpu.memory_space<hbm>> -> memref<1x128x128xf32, #tpu.memory_space<hbm>>
      %dma_wait3A_276 = tpu.memref_squeeze %dma_wait3A_275 : memref<1x128x128xf32, #tpu.memory_space<hbm>> -> memref<128x128xf32, #tpu.memory_space<hbm>>
      %dma_wait3A_277 = arith.constant 0 : i32
      %dma_wait3A_278 = tpu.memref_slice %arg10[%add3A_268, %dma_wait3A_277] : memref<10240x128xf32, #tpu.memory_space<vmem_shared>> -> memref<128x128xf32, #tpu.memory_space<vmem_shared>>
      tpu.wait_dma2 semaphore(%run_scoped3A : memref<!tpu.dma_semaphore, #tpu.memory_space<semaphore_mem>>) src(%dma_wait3A_278 : memref<128x128xf32, #tpu.memory_space<vmem_shared>>) dst(%dma_wait3A_276 : memref<128x128xf32, #tpu.memory_space<hbm>>)
      tpu.yield
    }) : () -> ()
    return
  }
}

module attributes {stable_mosaic.version = 14 : i64} {
  func.func @_scale_body(%arg0: i32, %arg1: memref<2x512x1xf32, #tpu.memory_space<vmem>>, %arg2: memref<512x128xf32, #tpu.memory_space<vmem>>, %arg3: memref<512x128xf32, #tpu.memory_space<vmem>>) attributes {dimension_semantics = [#tpu.dimension_semantics<arbitrary>], iteration_bounds = array<i64: 20>, scalar_prefetch = 0 : i64, scratch_operands = 0 : i64, tpu.core_type = #tpu.core_type<tc>, window_params = [{transform_indices = @transform_0, window_bounds = array<i64: 2, 512, 1>}, {transform_indices = @transform_1, window_bounds = array<i64: 512, 128>}, {transform_indices = @transform_2, window_bounds = array<i64: 512, 128>}]} {
    %get3A = arith.constant 0 : index
    %get3A_0 = arith.constant 0 : index
    %get3A_1 = arith.constant 0 : index
    %get3A_2 = vector.load %arg1[%get3A, %get3A_0, %get3A_1] : memref<2x512x1xf32, #tpu.memory_space<vmem>>, vector<1x512x1xf32>
    %get3A_3 = vector.shape_cast %get3A_2 : vector<1x512x1xf32> to vector<512x1xf32>
    %get3A_4 = arith.constant 1 : index
    %get3A_5 = arith.constant 0 : index
    %get3A_6 = arith.constant 0 : index
    %get3A_7 = vector.load %arg1[%get3A_4, %get3A_5, %get3A_6] : memref<2x512x1xf32, #tpu.memory_space<vmem>>, vector<1x512x1xf32>
    %get3A_8 = vector.shape_cast %get3A_7 : vector<1x512x1xf32> to vector<512x1xf32>
    %add3A = arith.addf %get3A_3, %get3A_8 : vector<512x1xf32>
    %add3A_9 = arith.constant 1.000000e+00 : f32
    %add3A_10 = vector.broadcast %add3A_9 : f32 to vector<512x1xf32>
    %add3A_11 = arith.addf %add3A, %add3A_10 : vector<512x1xf32>
    %rsqrt3A = math.rsqrt %add3A_11 : vector<512x1xf32>
    %get3A_12 = arith.constant 0 : index
    %get3A_13 = arith.constant 0 : index
    %get3A_14 = vector.load %arg2[%get3A_12, %get3A_13] : memref<512x128xf32, #tpu.memory_space<vmem>>, vector<512x128xf32>
    %mul3A = vector.broadcast %rsqrt3A : vector<512x1xf32> to vector<512x128xf32>
    %mul3A_15 = arith.mulf %get3A_14, %mul3A : vector<512x128xf32>
    %swap3A = arith.constant 0 : index
    %swap3A_16 = arith.constant 0 : index
    %swap3A_17 = vector.load %arg3[%swap3A, %swap3A_16] : memref<512x128xf32, #tpu.memory_space<vmem>>, vector<512x128xf32>
    tpu.vector_store %arg3[%swap3A, %swap3A_16], %mul3A_15 {strides = array<i32>} : memref<512x128xf32, #tpu.memory_space<vmem>>, vector<512x128xf32>,
    return
  }
  func.func @transform_0(%arg0: i32) -> (i32, i32, i32) {
    %c0_i32 = arith.constant 0 : i32
    %c0_i32_0 = arith.constant 0 : i32
    %c0_i32_1 = arith.constant 0 : i32
    return %c0_i32, %arg0, %c0_i32_0 : i32, i32, i32
  }
  func.func @transform_1(%arg0: i32) -> (i32, i32) {
    %c0_i32 = arith.constant 0 : i32
    %c0_i32_0 = arith.constant 0 : i32
    return %arg0, %c0_i32 : i32, i32
  }
  func.func @transform_2(%arg0: i32) -> (i32, i32) {
    %c0_i32 = arith.constant 0 : i32
    %c0_i32_0 = arith.constant 0 : i32
    return %arg0, %c0_i32 : i32, i32
  }
}

module attributes {stable_mosaic.version = 14 : i64} {
  func.func @_out_body(%arg0: i32, %arg1: memref<2x512x1xf32, #tpu.memory_space<vmem>>, %arg2: memref<2x512x128xf32, #tpu.memory_space<vmem>>, %arg3: memref<512x128xf32, #tpu.memory_space<vmem>>, %arg4: memref<128x256xf32, #tpu.memory_space<vmem>>, %arg5: memref<1x256xf32, #tpu.memory_space<vmem>>, %arg6: memref<128x256xf32, #tpu.memory_space<vmem>>, %arg7: memref<1x256xf32, #tpu.memory_space<vmem>>, %arg8: memref<512x256xf32, #tpu.memory_space<vmem>>, %arg9: memref<512x256xf32, #tpu.memory_space<vmem>>) attributes {dimension_semantics = [#tpu.dimension_semantics<arbitrary>], iteration_bounds = array<i64: 20>, scalar_prefetch = 0 : i64, scratch_operands = 0 : i64, tpu.core_type = #tpu.core_type<tc>, window_params = [{transform_indices = @transform_0, window_bounds = array<i64: 2, 512, 1>}, {transform_indices = @transform_1, window_bounds = array<i64: 2, 512, 128>}, {transform_indices = @transform_2, window_bounds = array<i64: 512, 128>}, {pipeline_mode = #tpu.pipeline_mode<synchronous>, transform_indices = @transform_3, window_bounds = array<i64: 128, 256>}, {pipeline_mode = #tpu.pipeline_mode<synchronous>, transform_indices = @transform_4, window_bounds = array<i64: 1, 256>}, {pipeline_mode = #tpu.pipeline_mode<synchronous>, transform_indices = @transform_5, window_bounds = array<i64: 128, 256>}, {pipeline_mode = #tpu.pipeline_mode<synchronous>, transform_indices = @transform_6, window_bounds = array<i64: 1, 256>}, {transform_indices = @transform_7, window_bounds = array<i64: 512, 256>}, {transform_indices = @transform_8, window_bounds = array<i64: 512, 256>}]} {
    %get3A = arith.constant 0 : index
    %get3A_0 = arith.constant 0 : index
    %get3A_1 = arith.constant 0 : index
    %get3A_2 = vector.load %arg1[%get3A, %get3A_0, %get3A_1] : memref<2x512x1xf32, #tpu.memory_space<vmem>>, vector<1x512x1xf32>
    %get3A_3 = vector.shape_cast %get3A_2 : vector<1x512x1xf32> to vector<512x1xf32>
    %get3A_4 = arith.constant 1 : index
    %get3A_5 = arith.constant 0 : index
    %get3A_6 = arith.constant 0 : index
    %get3A_7 = vector.load %arg1[%get3A_4, %get3A_5, %get3A_6] : memref<2x512x1xf32, #tpu.memory_space<vmem>>, vector<1x512x1xf32>
    %get3A_8 = vector.shape_cast %get3A_7 : vector<1x512x1xf32> to vector<512x1xf32>
    %add3A = arith.addf %get3A_3, %get3A_8 : vector<512x1xf32>
    %add3A_9 = arith.constant 1.000000e+00 : f32
    %add3A_10 = vector.broadcast %add3A_9 : f32 to vector<512x1xf32>
    %add3A_11 = arith.addf %add3A, %add3A_10 : vector<512x1xf32>
    %rsqrt3A = math.rsqrt %add3A_11 : vector<512x1xf32>
    %get3A_12 = arith.constant 0 : index
    %get3A_13 = arith.constant 0 : index
    %get3A_14 = arith.constant 0 : index
    %get3A_15 = vector.load %arg2[%get3A_12, %get3A_13, %get3A_14] : memref<2x512x128xf32, #tpu.memory_space<vmem>>, vector<1x512x128xf32>
    %get3A_16 = vector.shape_cast %get3A_15 : vector<1x512x128xf32> to vector<512x128xf32>
    %get3A_17 = arith.constant 1 : index
    %get3A_18 = arith.constant 0 : index
    %get3A_19 = arith.constant 0 : index
    %get3A_20 = vector.load %arg2[%get3A_17, %get3A_18, %get3A_19] : memref<2x512x128xf32, #tpu.memory_space<vmem>>, vector<1x512x128xf32>
    %get3A_21 = vector.shape_cast %get3A_20 : vector<1x512x128xf32> to vector<512x128xf32>
    %add3A_22 = arith.addf %get3A_16, %get3A_21 : vector<512x128xf32>
    %mul3A = vector.broadcast %rsqrt3A : vector<512x1xf32> to vector<512x128xf32>
    %mul3A_23 = arith.mulf %mul3A, %add3A_22 : vector<512x128xf32>
    %mul3A_24 = arith.mulf %rsqrt3A, %rsqrt3A : vector<512x1xf32>
    %get3A_25 = arith.constant 0 : index
    %get3A_26 = arith.constant 0 : index
    %get3A_27 = vector.load %arg3[%get3A_25, %get3A_26] : memref<512x128xf32, #tpu.memory_space<vmem>>, vector<512x128xf32>
    %mul3A_28 = vector.broadcast %mul3A_24 : vector<512x1xf32> to vector<512x128xf32>
    %mul3A_29 = arith.mulf %mul3A_28, %get3A_27 : vector<512x128xf32>
    %add3A_30 = arith.addf %mul3A_23, %mul3A_29 : vector<512x128xf32>
    %get3A_31 = arith.constant 0 : index
    %get3A_32 = arith.constant 0 : index
    %get3A_33 = vector.load %arg4[%get3A_31, %get3A_32] : memref<128x256xf32, #tpu.memory_space<vmem>>, vector<128x256xf32>
    %dot_general3A = arith.constant dense<0.000000e+00> : vector<512x256xf32>
    %dot_general3A_34 = tpu.matmul %add3A_30, %get3A_33, %dot_general3A {dimension_numbers = #tpu.dot_dimension_numbers<[1], [0], [0], [1], [0, 0, 1, 1], [], []>, transpose_lhs_hint = false} : vector<512x128xf32>, vector<128x256xf32>, vector<512x256xf32> -> vector<512x256xf32>
    %get3A_35 = arith.constant 0 : index
    %get3A_36 = arith.constant 0 : index
    %get3A_37 = vector.load %arg5[%get3A_35, %get3A_36] : memref<1x256xf32, #tpu.memory_space<vmem>>, vector<1x256xf32>
    %add3A_38 = vector.broadcast %get3A_37 : vector<1x256xf32> to vector<512x256xf32>
    %add3A_39 = arith.addf %dot_general3A_34, %add3A_38 : vector<512x256xf32>
    %swap3A = arith.constant 0 : index
    %swap3A_40 = arith.constant 0 : index
    %swap3A_41 = vector.load %arg8[%swap3A, %swap3A_40] : memref<512x256xf32, #tpu.memory_space<vmem>>, vector<512x256xf32>
    tpu.vector_store %arg8[%swap3A, %swap3A_40], %add3A_39 {strides = array<i32>} : memref<512x256xf32, #tpu.memory_space<vmem>>, vector<512x256xf32>,
    %get3A_42 = arith.constant 0 : index
    %get3A_43 = arith.constant 0 : index
    %get3A_44 = vector.load %arg6[%get3A_42, %get3A_43] : memref<128x256xf32, #tpu.memory_space<vmem>>, vector<128x256xf32>
    %dot_general3A_45 = arith.constant dense<0.000000e+00> : vector<512x256xf32>
    %dot_general3A_46 = tpu.matmul %add3A_30, %get3A_44, %dot_general3A_45 {dimension_numbers = #tpu.dot_dimension_numbers<[1], [0], [0], [1], [0, 0, 1, 1], [], []>, transpose_lhs_hint = false} : vector<512x128xf32>, vector<128x256xf32>, vector<512x256xf32> -> vector<512x256xf32>
    %get3A_47 = arith.constant 0 : index
    %get3A_48 = arith.constant 0 : index
    %get3A_49 = vector.load %arg7[%get3A_47, %get3A_48] : memref<1x256xf32, #tpu.memory_space<vmem>>, vector<1x256xf32>
    %add3A_50 = vector.broadcast %get3A_49 : vector<1x256xf32> to vector<512x256xf32>
    %add3A_51 = arith.addf %dot_general3A_46, %add3A_50 : vector<512x256xf32>
    %swap3A_52 = arith.constant 0 : index
    %swap3A_53 = arith.constant 0 : index
    %swap3A_54 = vector.load %arg9[%swap3A_52, %swap3A_53] : memref<512x256xf32, #tpu.memory_space<vmem>>, vector<512x256xf32>
    tpu.vector_store %arg9[%swap3A_52, %swap3A_53], %add3A_51 {strides = array<i32>} : memref<512x256xf32, #tpu.memory_space<vmem>>, vector<512x256xf32>,
    return
  }
  func.func @transform_0(%arg0: i32) -> (i32, i32, i32) {
    %c0_i32 = arith.constant 0 : i32
    %c0_i32_0 = arith.constant 0 : i32
    %c0_i32_1 = arith.constant 0 : i32
    return %c0_i32, %arg0, %c0_i32_0 : i32, i32, i32
  }
  func.func @transform_1(%arg0: i32) -> (i32, i32, i32) {
    %c0_i32 = arith.constant 0 : i32
    %c0_i32_0 = arith.constant 0 : i32
    %c0_i32_1 = arith.constant 0 : i32
    return %c0_i32, %arg0, %c0_i32_0 : i32, i32, i32
  }
  func.func @transform_2(%arg0: i32) -> (i32, i32) {
    %c0_i32 = arith.constant 0 : i32
    %c0_i32_0 = arith.constant 0 : i32
    return %arg0, %c0_i32 : i32, i32
  }
  func.func @transform_3(%arg0: i32) -> (i32, i32) {
    %c0_i32 = arith.constant 0 : i32
    %c0_i32_0 = arith.constant 0 : i32
    %c0_i32_1 = arith.constant 0 : i32
    return %c0_i32, %c0_i32_0 : i32, i32
  }
  func.func @transform_4(%arg0: i32) -> (i32, i32) {
    %c0_i32 = arith.constant 0 : i32
    %c0_i32_0 = arith.constant 0 : i32
    %c0_i32_1 = arith.constant 0 : i32
    return %c0_i32, %c0_i32_0 : i32, i32
  }
  func.func @transform_5(%arg0: i32) -> (i32, i32) {
    %c0_i32 = arith.constant 0 : i32
    %c0_i32_0 = arith.constant 0 : i32
    %c0_i32_1 = arith.constant 0 : i32
    return %c0_i32, %c0_i32_0 : i32, i32
  }
  func.func @transform_6(%arg0: i32) -> (i32, i32) {
    %c0_i32 = arith.constant 0 : i32
    %c0_i32_0 = arith.constant 0 : i32
    %c0_i32_1 = arith.constant 0 : i32
    return %c0_i32, %c0_i32_0 : i32, i32
  }
  func.func @transform_7(%arg0: i32) -> (i32, i32) {
    %c0_i32 = arith.constant 0 : i32
    %c0_i32_0 = arith.constant 0 : i32
    return %arg0, %c0_i32 : i32, i32
  }
  func.func @transform_8(%arg0: i32) -> (i32, i32) {
    %c0_i32 = arith.constant 0 : i32
    %c0_i32_0 = arith.constant 0 : i32
    return %arg0, %c0_i32 : i32, i32
  }
}

</mosaic_0001>

<sc_bundles>
// kernel: kernel.6.cloned.1.call-start
scs
__scs_entry_jumppad:
0x0: {  	(pc) =	sbr.rel $0x88, $3  }
0x1: {  	(tag) =	ssettag $0x0;
	lr =	simm.s32 $0x1  }
0x2: {  	[smem:$0x3F9B] =	sst lr;
	_ =	strace $0xD0000000  }
0x3: {  	_ = 	snop  }
0x4: {  	_ = 	snop  }
0x5: {  	_ = 	snop  }
0x6: {  	_ = 	snop  }
0x7: {  	_ = 	snop  }
__scs_overlays_trampoline_lowered:
0x8: {  	[smem:$0x3FAA] =	sst s0  }
0x9: {  	[smem:$0x3FAB] =	sst s1  }
0xa: {  	[smem:$0x3FAC] =	sst s2  }
0xb: {  	[smem:$0x3FAD] =	sst s3  }
0xc: {  	[smem:$0x3FAE] =	sst s4  }
0xd: {  	[smem:$0x3FAF] =	sst s5  }
0xe: {  	[smem:$0x3FB0] =	sst s6  }
0xf: {  	[smem:$0x3FB1] =	sst s7  }
0x10: {  	[smem:$0x3FB2] =	sst s8  }
0x11: {  	[smem:$0x3FB3] =	sst s9;
	s0 =	simm.s32 @!p0 $0x0  }
0x12: {  	s1 =	sld [smem:$0x3F99];
	s0 =	simm.s32 @p0 $0x1  }
0x13: {  	[smem:$0x3FB4] =	sst s0;
	s0 =	simm.s32 @!p1 $0x0  }
0x14: {  	s2 =	sld [smem:$0x3F98];
	s0 =	simm.s32 @p1 $0x1  }
0x15: {  	[smem:$0x3FB5] =	sst s0;
	s0 =	simm.s32 @!p2 $0x0  }
0x16: {  	s3 =	sld [smem:$0x3FDB];
	s0 =	simm.s32 @p2 $0x1  }
0x17: {  	s4 =	simm.s32 $0x1BF5;
	[smem:$0x3FB7] =	sst s0  }
0x18: {  	s0 =	sld [smem:$0x3F9A];
	_ =	swait.ge [sflag:s4], $0x0  }
0x19: {  	s7 =	sld [smem:$0x3F9B]  }
0x1a: {  	s8 =	sadd.s32 $0xFFFFE003, lr  }
0x1b: {  	s9 =	sadd.s32 $0xFFFFFEF7, lr;
	s5 =	simm.s32 $0xFFFFFFFF;
	p2 =	slt.u32 s8, $0xFFFFF086  }
0x1c: {  	p1 =	slt.u32 s9, $0xF7A;
	s5 =	simm.s32 @!p2 $0x0  }
0x1d: {  	s5 =	simm.s32 @p1 $0x1;
	p0 =	seq.s32 s7, s2  }
0x1e: {  	s7 =	smul.u32 @!p0 $0xF7A, s2;
	p2 =	seq.s32 @!p0 s5, $0x0  }
0x1f: {  	s9 =	smul.u32 $0xF7A, s1;
	s8 =	simm.s32 @!p0 $0x1BF5;
	p2 =	por !p2, p0  }
0x20: {  	[sflag:s8] =	ssyncset.s32 @!p0 $0xFFFFF086;
	s6 =	sadd.s32 @!p0 s3, s7;
	s7 =	simm.s32 @!p0 $0x108  }
0x21: {  	s3 =	sadd.s32 s3, s9;
	s6 =	sadd.s32 @!p0 $0x88, s6;
	s7 =	simm.s32 @p2 $0x1082  }
0x22: {  	[simem:s7], [sflag:s8] =	dma.local @!p0 [hbm:s6], $0xF7A  }
0x23: {  	s9 =	sor.u32 $0xD0000000, s2;
	s6 =	simm.s32 $0x108;
	_ =	swait.ge @!p0 [sflag:s8], $0x0  }
0x24: {  	s3 =	sadd.s32 $0x88, s3;
	s6 =	simm.s32 @!p1 $0x1082;
	[sflag:s4] =	ssyncset.s32 $0xFFFFF086  }
0x25: {  	[simem:s6], [sflag:s4] =	dma.local [hbm:s3], $0xF7A  }
0x26: {  	[smem:$0x3F9B] =	sst s1;
	(tag) =	ssettag s2;
	_ =	strace s9  }
0x27: {  	s1 =	sld [smem:$0x3FAB]  }
0x28: {  	s2 =	sld [smem:$0x3FAC]  }
0x29: {  	s4 =	sld [smem:$0x3FAE]  }
0x2a: {  	p0 =	seq.s32 s5, $0x0;
	s5 =	sld [smem:$0x3FAF]  }
0x2b: {  	s6 =	sld [smem:$0x3FB0]  }
0x2c: {  	s7 =	sld [smem:$0x3FB1]  }
0x2d: {  	s3 =	simm.s32 $0x108;
	s8 =	sld [smem:$0x3FB2]  }
0x2e: {  	s3 =	simm.s32 @!p0 $0x1082;
	s9 =	sld [smem:$0x3FB3]  }
0x2f: {  	lr =	sadd.s32 s0, s3;
	s0 =	sld [smem:$0x3FAA]  }
0x30: {  	s3 =	sld [smem:$0x3FAD]  }
0x31: {  	[smem:$0x3FB6] =	sst s10  }
0x32: {  	s10 =	sld [smem:$0x3FB4];
	_ =	sdelay $0x3  }
0x33: {  	p0 =	seq.s32 s10, $0x1;
	s10 =	sld [smem:$0x3FB6];
	_ =	sdelay $0x3  }
0x34: {  	[smem:$0x3FB6] =	sst s10  }
0x35: {  	s10 =	sld [smem:$0x3FB5];
	_ =	sdelay $0x3  }
0x36: {  	p1 =	seq.s32 s10, $0x1;
	s10 =	sld [smem:$0x3FB6];
	_ =	sdelay $0x3  }
0x37: {  	[smem:$0x3FB6] =	sst s10  }
0x38: {  	s10 =	sld [smem:$0x3FB7]  }
0x39: {  	_ = 	snop;
	(pc) =	sbr.ind lr, $3  }
0x3a: {  	_ = 	snop  }
0x3b: {  	_ = 	snop  }
0x3c: {  	p2 =	seq.s32 s10, $0x1;
	s10 =	sld [smem:$0x3FB6]  }
0x3d: {  	_ =	shalt  }
0x3e: {  	_ =	shalt  }
0x3f: {  	_ =	shalt  }
0x40: {  	_ =	shalt  }
0x41: {  	_ =	shalt  }
0x42: {  	_ =	shalt  }
0x43: {  	_ =	shalt  }
0x44: {  	_ =	shalt  }
0x45: {  	_ =	shalt  }
0x46: {  	_ =	shalt  }
0x47: {  	_ =	shalt  }
0x48: {  	_ =	shalt  }
0x49: {  	_ =	shalt  }
0x4a: {  	_ =	shalt  }
0x4b: {  	_ =	shalt  }
0x4c: {  	_ =	shalt  }
0x4d: {  	_ =	shalt  }
0x4e: {  	_ =	shalt  }
0x4f: {  	_ =	shalt  }
0x50: {  	_ =	shalt  }
0x51: {  	_ =	shalt  }
0x52: {  	_ =	shalt  }
0x53: {  	_ =	shalt  }
0x54: {  	_ =	shalt  }
0x55: {  	_ =	shalt  }
0x56: {  	_ =	shalt  }
0x57: {  	_ =	shalt  }
0x58: {  	_ =	shalt  }
0x59: {  	_ =	shalt  }
0x5a: {  	_ =	shalt  }
0x5b: {  	_ =	shalt  }
0x5c: {  	_ =	shalt  }
0x5d: {  	_ =	shalt  }
0x5e: {  	_ =	shalt  }
0x5f: {  	_ =	shalt  }
0x60: {  	_ =	shalt  }
0x61: {  	_ =	shalt  }
0x62: {  	_ =	shalt  }
0x63: {  	_ =	shalt  }
0x64: {  	_ =	shalt  }
0x65: {  	_ =	shalt  }
0x66: {  	_ =	shalt  }
0x67: {  	_ =	shalt  }
0x68: {  	_ =	shalt  }
0x69: {  	_ =	shalt  }
0x6a: {  	_ =	shalt  }
0x6b: {  	_ =	shalt  }
0x6c: {  	_ =	shalt  }
0x6d: {  	_ =	shalt  }
0x6e: {  	_ =	shalt  }
0x6f: {  	_ =	shalt  }
0x70: {  	_ =	shalt  }
0x71: {  	_ =	shalt  }
0x72: {  	_ =	shalt  }
0x73: {  	_ =	shalt  }
0x74: {  	_ =	shalt  }
0x75: {  	_ =	shalt  }
0x76: {  	_ =	shalt  }
0x77: {  	_ =	shalt  }
0x78: {  	_ =	shalt  }
0x79: {  	_ =	shalt  }
0x7a: {  	_ =	shalt  }
0x7b: {  	_ =	shalt  }
0x7c: {  	_ =	shalt  }
0x7d: {  	_ =	shalt  }
0x7e: {  	_ =	shalt  }
0x7f: {  	_ =	shalt  }
0x80: {  	_ =	shalt  }
0x81: {  	_ =	shalt  }
0x82: {  	_ =	shalt  }
0x83: {  	_ =	shalt  }
0x84: {  	_ =	shalt  }
0x85: {  	_ =	shalt  }
0x86: {  	_ =	shalt  }
0x87: {  	_ =	shalt  }
.Lfunc_end0:
.L_simem_size_0:
called_computation_lowered:
.L_overlay_start_0:
0x88: {  	s2 =	sld [smem:$0x3FD9]  }
0x89: {  	s3 =	sld [smem:$0x3FFE];
	_ =	sdelay $0x1  }
0x8a: {  	s1 =	srdreg.scid  }
0x8b: {  	s0 =	sand.u32 $0x1, s1  }
0x8c: {  	s14 =	sshll.u32 s0, $0xA;
	s2 =	sadd.s32 s3, s2  }
0x8d: {  	s2 =	sadd.s32 s2, s14  }
0x8e: {  	[smem:$0x3FC2] =	sst s2  }
0x8f: {  	_ = 	snop  }
0x90: {  	s2 =	sld [smem:$0x3FD0];
	_ =	sdelay $0x2  }
0x91: {  	s15 =	simm.s32 $0xA;
	s4 =	simm.s32 $0x10  }
0x92: {  	[smem:s4], [sflag:s15] =	dma.local [hbm:s2], $0x1  }
0x93: {  	_ =	swait.eq [sflag:s15], $0x1  }
0x94: {  	[sflag:s15] =	ssyncset.done $0x0  }
0x95: {  	[sflag:s15] =	ssyncadd.s32 $0xFFFFFFFF  }
0x96: {  	s16 =	sld [smem:$0x11];
	(tm) =	ssettm $0x1  }
0x97: {  	s17 =	sld [smem:$0x3FFB];
	_ =	sdelay $0x3  }
0x98: {  	_ =	strace s17  }
0x99: {  	s3 =	sld [smem:$0x3FFC];
	_ =	sdelay $0x3  }
0x9a: {  	_ =	strace s3  }
0x9b: {  	s3 =	sld [smem:$0x3FFD];
	_ =	sdelay $0x3  }
0x9c: {  	_ =	strace s3  }
0x9d: {  	_ =	strace $0x8FFFFFFF  }
0x9e: {  	s18 =	sld [smem:$0x3FDB];
	_ =	sdelay $0x1  }
0x9f: {  	s19 =	simm.s32 $_scs_section_size  }
0xa0: {  	s5 =	simm.s32 $_size__tile_overlayer_lowered;
	s6 =	simm.s32 $_tile_overlayer_lowered  }
0xa1: {  	s22 =	simm.s32 $0x1BFF;
	s21 =	sshll.u32 s6, $0x1;
	s3 =	sadd.s32 s19, s18  }
0xa2: {  	s7 =	simm.s32 $0x0;
	s20 =	sshll.u32 s5, $0x1;
	s5 =	sadd.s32 s21, s3  }
0xa3: {  	[timem:s7], [sflag:s22] =	dma.local [hbm:s5], s20  }
0xa4: {  	_ =	swait.ge [sflag:s22], s20  }
0xa5: {  	s4 =	ssub.s32 $0x0, s20;
	[sflag:s22] =	ssyncset.done $0x0  }
0xa6: {  	[sflag:s22] =	ssyncadd.s32 s4;
	_ =	sdelay $0x1  }
0xa7: {  	s23 =	simm.s32 $0x1B8B  }
0xa8: {  	_ =	swait.ge [sflag:s23], $0x1  }
0xa9: {  	[sflag:s23] =	ssyncset.done $0x0  }
0xaa: {  	s25 =	simm.s32 $0x1B8E;
	s24 =	sld [smem:$0x3FFE];
	[sflag:s23] =	ssyncadd.s32 $0xFFFFFFFF  }
0xab: {  	s26 =	simm.s32 $execute0_lowered;
	[smem:$0x3FD2] =	sst s25  }
0xac: {  	s5 =	sshll.u32 s26, $0x1;
	_ =	strace $0x80000046;
	[dreg:$0x1] =	wrdreg $0xFFFFFFFF  }
0xad: {  	s28 =	simm.s32 $_size_execute0_lowered;
	s3 =	sadd.s32 s3, s5;
	[dreg:$0x0] =	wrdreg $0x0  }
0xae: {  	s5 =	sshll.u32 s28, $0x1;
	[dreg:$0x2] =	wrdreg s3  }
0xaf: {  	[dreg:$0x3] =	wrdreg s5  }
0xb0: {  	[dreg:$0x4] =	wrdreg $0xC0  }
0xb1: {  	_ =	task [dreg:s7], $0x5FFFF  }
0xb2: {  	[dreg:$0x1] =	wrdreg $0xFFFFFFFF  }
0xb3: {  	[dreg:$0x0] =	wrdreg $0x60  }
0xb4: {  	[dreg:$0x2] =	wrdreg s16  }
0xb5: {  	[dreg:$0x3] =	wrdreg s24  }
0xb6: {  	[dreg:$0x4] =	wrdreg $0x3B000  }
0xb7: {  	[dreg:$0x5] =	wrdreg $0x9  }
0xb8: {  	_ =	task.clear_ibuf [dreg:s7], $0x6FFFF;
	_ =	strace $0x90000046  }
0xb9: {  	s29 =	simm.s32 $0x9;
	_ =	strace $0x80000048  }
0xba: {  	_ =	swait.ge [sflag:s29], $0x1  }
0xbb: {  	[sflag:s29] =	ssyncadd.s32 $0xFFFFFFFF  }
0xbc: {  	_ =	strace $0x90000048  }
0xbd: {  	_ =	sfence  }
0xbe: {  	s30 =	sld [smem:$0x0];
	_ =	sdelay $0x2  }
0xbf: {  	s31 =	sshll.u32 s1, $0xD;
	s1 =	sshrl.u32 s1, $0x2  }
0xc0: {  	s3 =	sand.u32 $0x4000, s31;
	s1 =	sadd.s32 s1, s30  }
0xc1: {  	s0 =	sor.u32 s3, s0;
	s1 =	sshll.u32 s1, $0x11  }
0xc2: {  	s0 =	sor.u32 s1, s0  }
0xc3: {  	s0 =	sadd.s32 $0x8F2B, s0  }
0xc4: {  	[sflag:s0] =	ssyncadd.remote.s32 $0x1  }
0xc5: {  	_ =	sfence.sel $0xFFFF  }
0xc6: {  	[dreg:$0x0] =	wrdreg $0xFFFFFFFF;
	(pc) =	sbr.abs _section_cstart, $3  }
0xc7: {  	[dreg:$0x1] =	wrdreg $0xFFFFFFFF  }
0xc8: {  	_ =	task.clear_ibuf [dreg:s7], $0x2FFFF;
	_ =	strace $0x9FFFFFFF  }
0xc9: {  	(tm) =	ssettm $0x7FFFFFFF  }
tec
execute0_lowered:
.L_overlay_start_1:
0x0: {  	(tag) =	ssettag $0x1  }
0x1: {  	s6 =	rddreg [dreg:$0x0]  }
0x2: {  	s4 =	rddreg [dreg:$0x1]  }
0x3: {  	s2 =	rddreg [dreg:$0x2]  }
0x4: {  	s0 =	rddreg [dreg:$0x3]  }
0x5: {  	s5 =	srdreg.scid;
	s1 =	stileid.u32;
	s3 =	simm.s32 $0x0  }
0x6: {  	s12 =	simm.s32 $0x3800;
	s15 =	simm.s32 $0x20;
	s16 =	simm.s32 $0x10  }
0x7: {  	s17 =	simm.s32 $0x0;
	s5 =	sand.u32 $0x1, s5;
	s7 =	smul.u32 $0x500, s1  }
0x8: {  	[smem:$0x7FF] =	sst s3;
	s11 =	smul.u32 $0xA00, s1;
	s13 =	sshll.u32 s1, $0x6  }
0x9: {  	s8 =	sshll.u32 s5, $0x7;
	_ =	strace $0x80000047;
	s30 =	ssub.s32 $0x2, s5  }
0xa: {  	s9 =	sshll.u32 s5, $0x4;
	p0 =	seq.s32 s5, $0x0;
	s13 =	sor.u32 $0x1C01, s13  }
0xb: {  	s7 =	sor.u32 s8, s7;
	s10 =	sshrl.u32 s30, $0x1;
	s9 =	sor.u32 s1, s9  }
0xc: {  	s31 =	sshrl.u32 s11, $0x2;
	s11 =	simm.s32 $0x80;
	s7 =	sshrl.u32 s7, $0x3  }
0xd: {  	s8 =	ssub.s32 s30, s10;
	s9 =	smul.u32 $0x700, s9;
	s5 =	sadd.s32 s31, s2  }
0xe: {  	s10 =	simm.s32 $0x1;
	s7 =	sadd.s32 s7, s4;
	s4 =	simm.s32 $0x6C  }
0xf: {  	s8 =	smax.u32 s8, $0x1;
	s14 =	sshrl.u32 s5, $0x3;
	s4 =	simm.s32 @!p0 $0x32  }
0x10: {  	v0 =	vimm.f32 $1.000000000e+00;
	v1 =	vimm.f32 $0.0e+00;
	s6 =	sadd.s32 s6, s9;
	s7 =	sadd.s32 $0xFE00, s7;
	s9 =	simm.s32 $0x3880  }
.LBB2_1:
0x11: {  	[tilespmem:$0x3800] =	vst v0  }
0x12: {  	[tilespmem:$0x3810] =	vst v0  }
0x13: {  	[tilespmem:$0x3820] =	vst v0  }
0x14: {  	[tilespmem:$0x3830] =	vst v0  }
0x15: {  	[tilespmem:$0x3840] =	vst v0  }
0x16: {  	[tilespmem:$0x3850] =	vst v0  }
0x17: {  	[tilespmem:$0x3860] =	vst v0  }
0x18: {  	[tilespmem:$0x3870] =	vst v0  }
0x19: {  	[tilespmem:$0x3880] =	vst v1  }
0x1a: {  	[tilespmem:$0x3890] =	vst v1  }
0x1b: {  	[tilespmem:$0x38A0] =	vst v1  }
0x1c: {  	[tilespmem:$0x38B0] =	vst v1  }
0x1d: {  	[tilespmem:$0x38C0] =	vst v1  }
0x1e: {  	[tilespmem:$0x38D0] =	vst v1  }
0x1f: {  	[tilespmem:$0x38E0] =	vst v1  }
0x20: {  	[tilespmem:$0x38F0] =	vst v1  }
0x21: {  	[tilespmem:$0x3900] =	vst v1  }
0x22: {  	[tilespmem:$0x3910] =	vst v1  }
0x23: {  	[tilespmem:$0x3920] =	vst v1  }
0x24: {  	[tilespmem:$0x3930] =	vst v1  }
0x25: {  	[tilespmem:$0x3940] =	vst v1  }
0x26: {  	[tilespmem:$0x3950] =	vst v1  }
0x27: {  	[tilespmem:$0x3960] =	vst v1  }
0x28: {  	[tilespmem:$0x3970] =	vst v1  }
0x29: {  	[tilespmem:$0x3980] =	vst v1  }
0x2a: {  	[tilespmem:$0x3990] =	vst v1  }
0x2b: {  	[tilespmem:$0x39A0] =	vst v1  }
0x2c: {  	[tilespmem:$0x39B0] =	vst v1  }
0x2d: {  	[tilespmem:$0x39C0] =	vst v1  }
0x2e: {  	[tilespmem:$0x39D0] =	vst v1  }
0x2f: {  	[tilespmem:$0x39E0] =	vst v1  }
0x30: {  	[tilespmem:$0x39F0] =	vst v1  }
0x31: {  	[tilespmem:$0x3A00] =	vst v1  }
0x32: {  	[tilespmem:$0x3A10] =	vst v1  }
0x33: {  	[tilespmem:$0x3A20] =	vst v1  }
0x34: {  	[tilespmem:$0x3A30] =	vst v1  }
0x35: {  	[tilespmem:$0x3A40] =	vst v1  }
0x36: {  	[tilespmem:$0x3A50] =	vst v1  }
0x37: {  	[tilespmem:$0x3A60] =	vst v1  }
0x38: {  	[tilespmem:$0x3A70] =	vst v1  }
0x39: {  	[tilespmem:$0x3A80] =	vst v1  }
0x3a: {  	[tilespmem:$0x3A90] =	vst v1  }
0x3b: {  	[tilespmem:$0x3AA0] =	vst v1  }
0x3c: {  	[tilespmem:$0x3AB0] =	vst v1  }
0x3d: {  	[tilespmem:$0x3AC0] =	vst v1  }
0x3e: {  	[tilespmem:$0x3AD0] =	vst v1  }
0x3f: {  	[tilespmem:$0x3AE0] =	vst v1  }
0x40: {  	[tilespmem:$0x3AF0] =	vst v1  }
0x41: {  	[spmem:s5] =	stream.linear.scatter [tilespmem:s9], [sflag:$0x1], $0x280, $0x38;
	[tilespmem:$0x3D80] =	vst v63  }
0x42: {  	_ =	swait.ge [sflag:s10], $0x280  }
0x43: {  	[sflag:s10] =	ssyncset.done $0x0  }
0x44: {  	[sflag:s10] =	ssyncadd.s32 $0xFFFFFD80  }
0x45: {  	[tilespmem:s3], [sflag:$0x1] =	stream.linear.gather [hbm4b:s6+s3], $0x3600, $0x38;
	[tilespmem:$0x3D80] =	vst v63  }
0x46: {  	_ =	swait.ge [sflag:s10], $0x3600  }
0x47: {  	p0 =	sne.s32 s4, $0x1;
	[sflag:s10] =	ssyncset.done $0x0  }
.Ltmp0:
0x48: {  	[sflag:s10] =	ssyncadd.s32 $0xFFFFCA00;
	(pc) =	sbr.rel @!p0 .LBB2_3-.Ltmp0, $4  }
0x49: {  	[bflag:$0x0] =	sbarrier.arrive $0xFFFF  }
0x4a: {  	[spmem:s2] =	stream.indirect.scatter.add.f32 [tilespmem:s12], [sflag:$0x1], $0x1, s3, s11, $0xb8;
	[tilespmem:$0x3D80] =	vst v63  }
0x4b: {  	_ =	swait.ge [sflag:s10], $0x80  }
0x4c: {  	s18 =	sadd.s32 $0xFFFFFFFF, s4;
	s19 =	simm.s32 $0x0;
	[sflag:s10] =	ssyncset.done $0x0  }
.LBB2_2:
0x4d: {  	p0 =	sne.s32 s18, $0x1;
	[sflag:s10] =	ssyncadd.s32 $0xFFFFFF80;
	s19 =	sadd.s32 $0x80, s19  }
.Ltmp1:
0x4e: {  	s18 =	sadd.s32 $0xFFFFFFFF, s18;
	(pc) =	sbr.rel @p0 .LBB2_2-.Ltmp1, $4  }
0x4f: {  	_ = 	snop  }
0x50: {  	[spmem:s2] =	stream.indirect.scatter.add.f32 [tilespmem:s12], [sflag:$0x1], $0x1, s19, s11, $0xb8;
	[tilespmem:$0x3D80] =	vst v63  }
0x51: {  	_ =	swait.ge [sflag:s10], $0x80  }
0x52: {  	[sflag:s10] =	ssyncset.done $0x0  }
.LBB2_3:
0x53: {  	s17 =	sadd.s32 $0x1, s17  }
0x54: {  	[sflag:s10] =	ssyncadd.s32 $0xFFFFFF80;
	p0 =	sne.s32 s17, s8  }
.Ltmp2:
0x55: {  	[bflag:$0x0] =	sbarrier.arrive $0xFFFF;
	(pc) =	sbr.rel @p0 .LBB2_1-.Ltmp2, $4  }
0x56: {  	[hbm:s7@s15], [sflag:s13] =	dma.strided [spmem:s14@s16], $0x50, s10, $0x10   }
0x57: {  	_ =	swait.ge [sflag:s10], $0x50  }
0x58: {  	[sflag:s10] =	ssyncset.done $0x0  }
0x59: {  	[sflag:s10] =	ssyncadd.s32 $0xFFFFFFB0  }
0x5a: {  	_ =	sfence.sel $0x180000  }
0x5b: {  	[bflag:$0x0] =	sbarrier.arrive $0xFFFF  }
0x5c: {  	p0 =	sne.s32 s1, $0x0;
	_ =	strace $0x90000047  }
0x5d: {  	s0 =	sadd.s32 @!p0 $0x100000, s0;
	[bflag:$0x2] =	sbarrier.arrive $0xFFFF  }
0x5e: {  	[sflag:s0] =	ssyncadd.tile.s32 @!p0 $0x1;
	_ =	shalt  }
.Lfunc_end2:
_tile_overlayer_lowered:
.L_overlay_start_2:
0x5f: {  	(tag) =	ssettag $0x2  }
0x60: {  	s0 =	rddreg [dreg:$0x0];
	s2 =	stileid.u32  }
0x61: {  	s1 =	rddreg [dreg:$0x1];
	p0 =	sne.s32 s2, $0x0  }
0x62: {  	s3 =	rddreg [dreg:$0x2];
	[bflag:$0x3] =	sbarrier.arrive $0xFFFF;
	s2 =	simm.s32 @!p0 $0x1C01  }
0x63: {  	[timem:s3], [sflag:s2] =	dma.local @!p0 [hbm:s0], s1  }
0x64: {  	s0 =	simm.s32 @!p0 $0x1  }
0x65: {  	_ =	swait.ge @!p0 [sflag:s0], s1  }
0x66: {  	s1 =	ssub.s32 @!p0 $0x0, s1;
	[sflag:s0] =	ssyncset.done @!p0 $0x0  }
0x67: {  	[sflag:s0] =	ssyncadd.s32 @!p0 s1  }
0x68: {  	[bflag:$0x3] =	sbarrier.arrive $0xFFFF  }
0x69: {  	_ =	shalt  }

// kernel: kernel.9.cloned.1.call-start
scs
__scs_entry_jumppad:
0x0: {  	(pc) =	sbr.rel $0x88, $3  }
0x1: {  	(tag) =	ssettag $0x0;
	lr =	simm.s32 $0x1  }
0x2: {  	[smem:$0x3F9B] =	sst lr;
	_ =	strace $0xD0000000  }
0x3: {  	_ = 	snop  }
0x4: {  	_ = 	snop  }
0x5: {  	_ = 	snop  }
0x6: {  	_ = 	snop  }
0x7: {  	_ = 	snop  }
__scs_overlays_trampoline_lowered:
0x8: {  	[smem:$0x3FAA] =	sst s0  }
0x9: {  	[smem:$0x3FAB] =	sst s1  }
0xa: {  	[smem:$0x3FAC] =	sst s2  }
0xb: {  	[smem:$0x3FAD] =	sst s3  }
0xc: {  	[smem:$0x3FAE] =	sst s4  }
0xd: {  	[smem:$0x3FAF] =	sst s5  }
0xe: {  	[smem:$0x3FB0] =	sst s6  }
0xf: {  	[smem:$0x3FB1] =	sst s7  }
0x10: {  	[smem:$0x3FB2] =	sst s8  }
0x11: {  	[smem:$0x3FB3] =	sst s9;
	s0 =	simm.s32 @!p0 $0x0  }
0x12: {  	s1 =	sld [smem:$0x3F99];
	s0 =	simm.s32 @p0 $0x1  }
0x13: {  	[smem:$0x3FB4] =	sst s0;
	s0 =	simm.s32 @!p1 $0x0  }
0x14: {  	s2 =	sld [smem:$0x3F98];
	s0 =	simm.s32 @p1 $0x1  }
0x15: {  	[smem:$0x3FB5] =	sst s0;
	s0 =	simm.s32 @!p2 $0x0  }
0x16: {  	s3 =	sld [smem:$0x3FDB];
	s0 =	simm.s32 @p2 $0x1  }
0x17: {  	s4 =	simm.s32 $0x1BF5;
	[smem:$0x3FB7] =	sst s0  }
0x18: {  	s0 =	sld [smem:$0x3F9A];
	_ =	swait.ge [sflag:s4], $0x0  }
0x19: {  	s7 =	sld [smem:$0x3F9B]  }
0x1a: {  	s8 =	sadd.s32 $0xFFFFE003, lr  }
0x1b: {  	s9 =	sadd.s32 $0xFFFFFEF7, lr;
	s5 =	simm.s32 $0xFFFFFFFF;
	p2 =	slt.u32 s8, $0xFFFFF086  }
0x1c: {  	p1 =	slt.u32 s9, $0xF7A;
	s5 =	simm.s32 @!p2 $0x0  }
0x1d: {  	s5 =	simm.s32 @p1 $0x1;
	p0 =	seq.s32 s7, s2  }
0x1e: {  	s7 =	smul.u32 @!p0 $0xF7A, s2;
	p2 =	seq.s32 @!p0 s5, $0x0  }
0x1f: {  	s9 =	smul.u32 $0xF7A, s1;
	s8 =	simm.s32 @!p0 $0x1BF5;
	p2 =	por !p2, p0  }
0x20: {  	[sflag:s8] =	ssyncset.s32 @!p0 $0xFFFFF086;
	s6 =	sadd.s32 @!p0 s3, s7;
	s7 =	simm.s32 @!p0 $0x108  }
0x21: {  	s3 =	sadd.s32 s3, s9;
	s6 =	sadd.s32 @!p0 $0x88, s6;
	s7 =	simm.s32 @p2 $0x1082  }
0x22: {  	[simem:s7], [sflag:s8] =	dma.local @!p0 [hbm:s6], $0xF7A  }
0x23: {  	s9 =	sor.u32 $0xD0000000, s2;
	s6 =	simm.s32 $0x108;
	_ =	swait.ge @!p0 [sflag:s8], $0x0  }
0x24: {  	s3 =	sadd.s32 $0x88, s3;
	s6 =	simm.s32 @!p1 $0x1082;
	[sflag:s4] =	ssyncset.s32 $0xFFFFF086  }
0x25: {  	[simem:s6], [sflag:s4] =	dma.local [hbm:s3], $0xF7A  }
0x26: {  	[smem:$0x3F9B] =	sst s1;
	(tag) =	ssettag s2;
	_ =	strace s9  }
0x27: {  	s1 =	sld [smem:$0x3FAB]  }
0x28: {  	s2 =	sld [smem:$0x3FAC]  }
0x29: {  	s4 =	sld [smem:$0x3FAE]  }
0x2a: {  	p0 =	seq.s32 s5, $0x0;
	s5 =	sld [smem:$0x3FAF]  }
0x2b: {  	s6 =	sld [smem:$0x3FB0]  }
0x2c: {  	s7 =	sld [smem:$0x3FB1]  }
0x2d: {  	s3 =	simm.s32 $0x108;
	s8 =	sld [smem:$0x3FB2]  }
0x2e: {  	s3 =	simm.s32 @!p0 $0x1082;
	s9 =	sld [smem:$0x3FB3]  }
0x2f: {  	lr =	sadd.s32 s0, s3;
	s0 =	sld [smem:$0x3FAA]  }
0x30: {  	s3 =	sld [smem:$0x3FAD]  }
0x31: {  	[smem:$0x3FB6] =	sst s10  }
0x32: {  	s10 =	sld [smem:$0x3FB4];
	_ =	sdelay $0x3  }
0x33: {  	p0 =	seq.s32 s10, $0x1;
	s10 =	sld [smem:$0x3FB6];
	_ =	sdelay $0x3  }
0x34: {  	[smem:$0x3FB6] =	sst s10  }
0x35: {  	s10 =	sld [smem:$0x3FB5];
	_ =	sdelay $0x3  }
0x36: {  	p1 =	seq.s32 s10, $0x1;
	s10 =	sld [smem:$0x3FB6];
	_ =	sdelay $0x3  }
0x37: {  	[smem:$0x3FB6] =	sst s10  }
0x38: {  	s10 =	sld [smem:$0x3FB7]  }
0x39: {  	_ = 	snop;
	(pc) =	sbr.ind lr, $3  }
0x3a: {  	_ = 	snop  }
0x3b: {  	_ = 	snop  }
0x3c: {  	p2 =	seq.s32 s10, $0x1;
	s10 =	sld [smem:$0x3FB6]  }
0x3d: {  	_ =	shalt  }
0x3e: {  	_ =	shalt  }
0x3f: {  	_ =	shalt  }
0x40: {  	_ =	shalt  }
0x41: {  	_ =	shalt  }
0x42: {  	_ =	shalt  }
0x43: {  	_ =	shalt  }
0x44: {  	_ =	shalt  }
0x45: {  	_ =	shalt  }
0x46: {  	_ =	shalt  }
0x47: {  	_ =	shalt  }
0x48: {  	_ =	shalt  }
0x49: {  	_ =	shalt  }
0x4a: {  	_ =	shalt  }
0x4b: {  	_ =	shalt  }
0x4c: {  	_ =	shalt  }
0x4d: {  	_ =	shalt  }
0x4e: {  	_ =	shalt  }
0x4f: {  	_ =	shalt  }
0x50: {  	_ =	shalt  }
0x51: {  	_ =	shalt  }
0x52: {  	_ =	shalt  }
0x53: {  	_ =	shalt  }
0x54: {  	_ =	shalt  }
0x55: {  	_ =	shalt  }
0x56: {  	_ =	shalt  }
0x57: {  	_ =	shalt  }
0x58: {  	_ =	shalt  }
0x59: {  	_ =	shalt  }
0x5a: {  	_ =	shalt  }
0x5b: {  	_ =	shalt  }
0x5c: {  	_ =	shalt  }
0x5d: {  	_ =	shalt  }
0x5e: {  	_ =	shalt  }
0x5f: {  	_ =	shalt  }
0x60: {  	_ =	shalt  }
0x61: {  	_ =	shalt  }
0x62: {  	_ =	shalt  }
0x63: {  	_ =	shalt  }
0x64: {  	_ =	shalt  }
0x65: {  	_ =	shalt  }
0x66: {  	_ =	shalt  }
0x67: {  	_ =	shalt  }
0x68: {  	_ =	shalt  }
0x69: {  	_ =	shalt  }
0x6a: {  	_ =	shalt  }
0x6b: {  	_ =	shalt  }
0x6c: {  	_ =	shalt  }
0x6d: {  	_ =	shalt  }
0x6e: {  	_ =	shalt  }
0x6f: {  	_ =	shalt  }
0x70: {  	_ =	shalt  }
0x71: {  	_ =	shalt  }
0x72: {  	_ =	shalt  }
0x73: {  	_ =	shalt  }
0x74: {  	_ =	shalt  }
0x75: {  	_ =	shalt  }
0x76: {  	_ =	shalt  }
0x77: {  	_ =	shalt  }
0x78: {  	_ =	shalt  }
0x79: {  	_ =	shalt  }
0x7a: {  	_ =	shalt  }
0x7b: {  	_ =	shalt  }
0x7c: {  	_ =	shalt  }
0x7d: {  	_ =	shalt  }
0x7e: {  	_ =	shalt  }
0x7f: {  	_ =	shalt  }
0x80: {  	_ =	shalt  }
0x81: {  	_ =	shalt  }
0x82: {  	_ =	shalt  }
0x83: {  	_ =	shalt  }
0x84: {  	_ =	shalt  }
0x85: {  	_ =	shalt  }
0x86: {  	_ =	shalt  }
0x87: {  	_ =	shalt  }
.Lfunc_end0:
.L_simem_size_0:
called_computation.1_lowered:
.L_overlay_start_0:
0x88: {  	s2 =	sld [smem:$0x3FD9]  }
0x89: {  	s3 =	sld [smem:$0x3FFE];
	_ =	sdelay $0x1  }
0x8a: {  	s1 =	srdreg.scid  }
0x8b: {  	s0 =	sand.u32 $0x1, s1  }
0x8c: {  	s14 =	sshll.u32 s0, $0xA;
	s2 =	sadd.s32 s3, s2  }
0x8d: {  	s2 =	sadd.s32 s2, s14  }
0x8e: {  	[smem:$0x3FC2] =	sst s2  }
0x8f: {  	_ = 	snop  }
0x90: {  	s2 =	sld [smem:$0x3FD0];
	_ =	sdelay $0x2  }
0x91: {  	s15 =	simm.s32 $0xA;
	s4 =	simm.s32 $0x10  }
0x92: {  	[smem:s4], [sflag:s15] =	dma.local [hbm:s2], $0x1  }
0x93: {  	_ =	swait.eq [sflag:s15], $0x1  }
0x94: {  	[sflag:s15] =	ssyncset.done $0x0  }
0x95: {  	[sflag:s15] =	ssyncadd.s32 $0xFFFFFFFF  }
0x96: {  	s16 =	sld [smem:$0x11];
	(tm) =	ssettm $0x1  }
0x97: {  	s17 =	sld [smem:$0x3FFB];
	_ =	sdelay $0x3  }
0x98: {  	_ =	strace s17  }
0x99: {  	s3 =	sld [smem:$0x3FFC];
	_ =	sdelay $0x3  }
0x9a: {  	_ =	strace s3  }
0x9b: {  	s3 =	sld [smem:$0x3FFD];
	_ =	sdelay $0x3  }
0x9c: {  	_ =	strace s3  }
0x9d: {  	_ =	strace $0x8FFFFFFF  }
0x9e: {  	s18 =	sld [smem:$0x3FDB];
	_ =	sdelay $0x1  }
0x9f: {  	s19 =	simm.s32 $_scs_section_size  }
0xa0: {  	s5 =	simm.s32 $_size__tile_overlayer_lowered;
	s6 =	simm.s32 $_tile_overlayer_lowered  }
0xa1: {  	s22 =	simm.s32 $0x1BFF;
	s21 =	sshll.u32 s6, $0x1;
	s3 =	sadd.s32 s19, s18  }
0xa2: {  	s7 =	simm.s32 $0x0;
	s20 =	sshll.u32 s5, $0x1;
	s5 =	sadd.s32 s21, s3  }
0xa3: {  	[timem:s7], [sflag:s22] =	dma.local [hbm:s5], s20  }
0xa4: {  	_ =	swait.ge [sflag:s22], s20  }
0xa5: {  	s4 =	ssub.s32 $0x0, s20;
	[sflag:s22] =	ssyncset.done $0x0  }
0xa6: {  	[sflag:s22] =	ssyncadd.s32 s4;
	_ =	sdelay $0x1  }
0xa7: {  	s23 =	simm.s32 $0x1B8B  }
0xa8: {  	_ =	swait.ge [sflag:s23], $0x1  }
0xa9: {  	[sflag:s23] =	ssyncset.done $0x0  }
0xaa: {  	s25 =	simm.s32 $0x1B8E;
	s24 =	sld [smem:$0x3FFE];
	[sflag:s23] =	ssyncadd.s32 $0xFFFFFFFF  }
0xab: {  	s26 =	simm.s32 $execute0_lowered;
	[smem:$0x3FD2] =	sst s25  }
0xac: {  	s5 =	sshll.u32 s26, $0x1;
	_ =	strace $0x80000049;
	[dreg:$0x1] =	wrdreg $0xFFFFFFFF  }
0xad: {  	s28 =	simm.s32 $_size_execute0_lowered;
	s3 =	sadd.s32 s3, s5;
	[dreg:$0x0] =	wrdreg $0x0  }
0xae: {  	s5 =	sshll.u32 s28, $0x1;
	[dreg:$0x2] =	wrdreg s3  }
0xaf: {  	[dreg:$0x3] =	wrdreg s5  }
0xb0: {  	[dreg:$0x4] =	wrdreg $0xC0  }
0xb1: {  	_ =	task [dreg:s7], $0x5FFFF  }
0xb2: {  	[dreg:$0x1] =	wrdreg $0xFFFFFFFF  }
0xb3: {  	[dreg:$0x0] =	wrdreg $0x60  }
0xb4: {  	[dreg:$0x2] =	wrdreg s16  }
0xb5: {  	[dreg:$0x3] =	wrdreg s24  }
0xb6: {  	[dreg:$0x4] =	wrdreg $0xBA000  }
0xb7: {  	[dreg:$0x5] =	wrdreg $0x9  }
0xb8: {  	_ =	task.clear_ibuf [dreg:s7], $0x6FFFF;
	_ =	strace $0x90000049  }
0xb9: {  	s29 =	simm.s32 $0x9;
	_ =	strace $0x8000004B  }
0xba: {  	_ =	swait.ge [sflag:s29], $0x1  }
0xbb: {  	[sflag:s29] =	ssyncadd.s32 $0xFFFFFFFF  }
0xbc: {  	_ =	strace $0x9000004B  }
0xbd: {  	_ =	sfence  }
0xbe: {  	s30 =	sld [smem:$0x0];
	_ =	sdelay $0x2  }
0xbf: {  	s31 =	sshll.u32 s1, $0xD;
	s1 =	sshrl.u32 s1, $0x2  }
0xc0: {  	s3 =	sand.u32 $0x4000, s31;
	s1 =	sadd.s32 s1, s30  }
0xc1: {  	s0 =	sor.u32 s3, s0;
	s1 =	sshll.u32 s1, $0x11  }
0xc2: {  	s0 =	sor.u32 s1, s0  }
0xc3: {  	s0 =	sadd.s32 $0x8F2B, s0  }
0xc4: {  	[sflag:s0] =	ssyncadd.remote.s32 $0x1  }
0xc5: {  	_ =	sfence.sel $0xFFFF  }
0xc6: {  	[dreg:$0x0] =	wrdreg $0xFFFFFFFF;
	(pc) =	sbr.abs _section_cstart, $3  }
0xc7: {  	[dreg:$0x1] =	wrdreg $0xFFFFFFFF  }
0xc8: {  	_ =	task.clear_ibuf [dreg:s7], $0x2FFFF;
	_ =	strace $0x9FFFFFFF  }
0xc9: {  	(tm) =	ssettm $0x7FFFFFFF  }
tec
execute0_lowered:
.L_overlay_start_1:
0x0: {  	(tag) =	ssettag $0x1  }
0x1: {  	s0 =	rddreg [dreg:$0x0]  }
0x2: {  	s1 =	srdreg.scid;
	s2 =	rddreg [dreg:$0x1]  }
0x3: {  	s3 =	rddreg [dreg:$0x2];
	s8 =	stileid.u32  }
0x4: {  	s4 =	simm.s32 $0x0;
	s19 =	simm.s32 $0x3A00;
	s28 =	simm.s32 $0x2  }
0x5: {  	s29 =	simm.s32 $0x3980;
	s30 =	simm.s32 $0x3;
	s31 =	simm.s32 $0x4  }
0x6: {  	s1 =	sand.u32 $0x1, s1;
	[smem:$0x7FF] =	sst s4;
	s7 =	smul.u32 $0x50000, s8  }
0x7: {  	s13 =	smul.u32 $0x14000, s8;
	s5 =	sshll.u32 s1, $0x4;
	_ =	strace $0x8000004A  }
0x8: {  	s6 =	ssub.s32 $0x2, s1;
	p0 =	seq.s32 s1, $0x0;
	s1 =	smul.u32 $0x140000, s1  }
0x9: {  	s5 =	sor.u32 s8, s5;
	s20 =	sshrl.u32 s6, $0x1;
	s21 =	sshrl.u32 s7, $0x2  }
0xa: {  	s14 =	sadd.s32 $0x4000, s13;
	s15 =	sadd.s32 $0x8000, s13;
	s16 =	sadd.s32 $0xC000, s13  }
0xb: {  	s17 =	sadd.s32 $0x10000, s13;
	s5 =	smul.u32 $0x700, s5;
	s12 =	ssub.s32 s6, s20  }
0xc: {  	s6 =	sadd.s32 s21, s3;
	s7 =	sadd.s32 s14, s3;
	s8 =	sadd.s32 s15, s3  }
0xd: {  	s9 =	sadd.s32 s16, s3;
	s10 =	sadd.s32 s17, s3;
	s13 =	sadd.s32 s13, s1  }
0xe: {  	s14 =	sadd.s32 s1, s14;
	s25 =	sadd.s32 s1, s15;
	s26 =	sadd.s32 s1, s16  }
0xf: {  	s1 =	sadd.s32 s1, s17;
	s20 =	simm.s32 $0x5;
	s21 =	simm.s32 $0x80  }
0x10: {  	s22 =	sshrl.u32 s13, $0x3;
	s24 =	sshrl.u32 s14, $0x3;
	s16 =	sshrl.u32 s26, $0x3  }
0x11: {  	s1 =	sshrl.u32 s1, $0x3;
	s18 =	smax.u32 s12, $0x1;
	s26 =	simm.s32 $0x7A00  }
0x12: {  	s11 =	sadd.s32 s5, s2;
	s2 =	sadd.s32 $0x5FE00, s2;
	s5 =	simm.s32 $0x6C  }
0x13: {  	s5 =	simm.s32 @!p0 $0x32;
	s11 =	sadd.s32 $0x1E00, s11;
	s16 =	sadd.s32 s2, s16  }
0x14: {  	s17 =	sadd.s32 s2, s1;
	[dreg:$0x4] =	wrdreg s11;
	s11 =	sadd.s32 s2, s22  }
0x15: {  	s1 =	simm.s32 $0x0;
	[dreg:$0x6] =	wrdreg s11;
	s11 =	sadd.s32 s2, s24  }
0x16: {  	s23 =	sshrl.u32 s5, $0x1;
	[dreg:$0x7] =	wrdreg s11;
	s11 =	sshrl.u32 s25, $0x3  }
0x17: {  	[dreg:$0x5] =	wrdreg s23;
	s23 =	simm.s32 $0x1;
	s11 =	sadd.s32 s2, s11  }
0x18: {  	v0 =	vimm.f32 $0.0e+00;
	s24 =	simm.s32 $0x3880;
	s25 =	simm.s32 $0x3900;
	[dreg:$0x8] =	wrdreg s11  }
.LBB2_1:
0x19: {  	s2 =	sand.u32 $0xFE00, s4  }
0x1a: {  	s11 =	sand.u32 $0x70, s4;
	s12 =	sshrl.u32 s2, $0x2  }
0x1b: {  	s2 =	simm.s32 $0x40;
	s12 =	sor.u32 s11, s12;
	s11 =	simm.s32 $0x0  }
.LBB2_2:
0x1c: {  	p0 =	sne.s32 s2, $0xFFC0  }
0x1d: {  	[tilespmem:s12+$0x3A00] =	vst v0;
	s11 =	sadd.s32 $0x10, s11;
	s12 =	smov.u32 s2;
	s2 =	sadd.s32 $0x40, s2  }
.Ltmp0:
0x1e: {  	(pc) =	sbr.rel @p0 .LBB2_2-.Ltmp0, $4  }
0x1f: {  	_ = 	snop  }
0x20: {  	s12 =	sand.u32 $0xFE00, s12  }
0x21: {  	s22 =	sand.u32 $0x70, s11;
	s12 =	sshrl.u32 s12, $0x2  }
0x22: {  	s12 =	sor.u32 s22, s12  }
0x23: {  	[tilespmem:s12+$0x3A00] =	vst v0  }
0x24: {  	[spmem:s6] =	stream.linear.scatter [tilespmem:s19], [sflag:$0x5], $0x4000, $0x38;
	[tilespmem:$0x1FA00] =	vst v63  }
0x25: {  	_ =	swait.ge [sflag:s20], $0x4000  }
0x26: {  	[sflag:s20] =	ssyncset.done $0x0  }
0x27: {  	[sflag:s20] =	ssyncadd.s32 $0xFFFFC000  }
0x28: {  	[spmem:s7] =	stream.linear.scatter [tilespmem:s19], [sflag:$0x5], $0x4000, $0x38;
	[tilespmem:$0x1FA00] =	vst v63  }
0x29: {  	_ =	swait.ge [sflag:s20], $0x4000  }
0x2a: {  	[sflag:s20] =	ssyncset.done $0x0  }
0x2b: {  	[sflag:s20] =	ssyncadd.s32 $0xFFFFC000  }
0x2c: {  	[spmem:s8] =	stream.linear.scatter [tilespmem:s19], [sflag:$0x5], $0x4000, $0x38;
	[tilespmem:$0x1FA00] =	vst v63  }
0x2d: {  	_ =	swait.ge [sflag:s20], $0x4000  }
0x2e: {  	[sflag:s20] =	ssyncset.done $0x0  }
0x2f: {  	[sflag:s20] =	ssyncadd.s32 $0xFFFFC000  }
0x30: {  	[spmem:s9] =	stream.linear.scatter [tilespmem:s19], [sflag:$0x5], $0x4000, $0x38;
	[tilespmem:$0x1FA00] =	vst v63  }
0x31: {  	_ =	swait.ge [sflag:s20], $0x4000  }
0x32: {  	[sflag:s20] =	ssyncset.done $0x0  }
0x33: {  	[sflag:s20] =	ssyncadd.s32 $0xFFFFC000  }
0x34: {  	[spmem:s10] =	stream.linear.scatter [tilespmem:s19], [sflag:$0x5], $0x4000, $0x38;
	[tilespmem:$0x1FA00] =	vst v63  }
0x35: {  	_ =	swait.ge [sflag:s20], $0x4000  }
0x36: {  	[sflag:s20] =	ssyncset.done $0x0  }
0x37: {  	s2 =	rddreg [dreg:$0x4];
	[sflag:s20] =	ssyncadd.s32 $0xFFFFC000  }
0x38: {  	[tilespmem:s4], [sflag:$0x5] =	stream.linear.gather [hbm4b:s2+s4], $0x3600, $0x38;
	[tilespmem:$0x1FA00] =	vst v63  }
0x39: {  	_ =	swait.ge [sflag:s20], $0x3600  }
0x3a: {  	[sflag:s20] =	ssyncset.done $0x0  }
0x3b: {  	[sflag:s20] =	ssyncadd.s32 $0xFFFFCA00  }
0x3c: {  	[bflag:$0x0] =	sbarrier.arrive $0xFFFF  }
0x3d: {  	v1 =	vld [tilespmem:$0x0];
	_ =	sdelay $0x1  }
0x3e: {  	v2 =	vld [tilespmem:$0x10];
	_ =	sdelay $0x1  }
0x3f: {  	v3 =	vld [tilespmem:$0x20]  }
0x40: {  	v4 =	vand.u32 $0x3FFF, v1  }
0x41: {  	v62 =	vld [tilespmem:$0x30];
	v1 =	vshra.s32 v1, $0xE;
	[tilespmem:$0x3800] =	vst v4  }
0x42: {  	[tilespmem:$0x3880] =	vst v1;
	v1 =	vand.u32 $0x3FFF, v2  }
0x43: {  	[tilespmem:$0x3810] =	vst v1;
	v1 =	vshra.s32 v2, $0xE;
	v2 =	vld [tilespmem:$0x40]  }
0x44: {  	[tilespmem:$0x3890] =	vst v1;
	v1 =	vand.u32 $0x3FFF, v3  }
0x45: {  	[tilespmem:$0x3820] =	vst v1;
	v1 =	vshra.s32 v3, $0xE;
	v3 =	vld [tilespmem:$0x50]  }
0x46: {  	[tilespmem:$0x38A0] =	vst v1;
	v1 =	vand.u32 $0x3FFF, v62  }
0x47: {  	v63 =	vld [tilespmem:$0x60];
	[tilespmem:$0x3830] =	vst v1;
	v1 =	vshra.s32 v62, $0xE  }
0x48: {  	[tilespmem:$0x38B0] =	vst v1;
	v1 =	vand.u32 $0x3FFF, v2  }
0x49: {  	[tilespmem:$0x3840] =	vst v1;
	v1 =	vshra.s32 v2, $0xE;
	v2 =	vld [tilespmem:$0x70]  }
0x4a: {  	[tilespmem:$0x38C0] =	vst v1;
	v1 =	vand.u32 $0x3FFF, v3  }
0x4b: {  	[tilespmem:$0x3850] =	vst v1;
	v1 =	vshra.s32 v3, $0xE  }
0x4c: {  	[tilespmem:$0x38D0] =	vst v1;
	v1 =	vand.u32 $0x3FFF, v63  }
0x4d: {  	[tilespmem:$0x3860] =	vst v1;
	v1 =	vshra.s32 v63, $0xE  }
0x4e: {  	[tilespmem:$0x38E0] =	vst v1;
	v1 =	vand.u32 $0x3FFF, v2  }
0x4f: {  	[tilespmem:$0x3870] =	vst v1;
	v1 =	vshra.s32 v2, $0xE  }
0x50: {  	s14 =	simm.s32 $0x3800;
	[tilespmem:$0x38F0] =	vst v1  }
0x51: {  	[tilespmem:s19], [sflag:$0x1] =	stream.indirect.gather [hbm4b:s0+s21], $0x80, s14, s21, $0xb8;
	[tilespmem:$0x1FA00] =	vst v63  }
0x52: {  	_ =	swait.ge [sflag:s23], $0x4000  }
0x53: {  	p0 =	por $0x1, $0x1;
	[sflag:s23] =	ssyncset.done $0x0  }
0x54: {  	s2 =	simm.s32 @!p0 $0x4;
	[sflag:s23] =	ssyncadd.s32 $0xFFFFC000  }
0x55: {  	[spmem:s3] =	stream.indirect.scatter.add.f32 [tilespmem:s19], [sflag:$0x3], $0x80, s24, s21, $0xb8;
	[tilespmem:$0x1FA00] =	vst v63  }
0x56: {  	_ =	swait.ge @!p0 [sflag:s2], $0x4000  }
0x57: {  	[sflag:s2] =	ssyncset.done @!p0 $0x0  }
0x58: {  	s22 =	simm.s32 $0xC0;
	[sflag:s2] =	ssyncadd.s32 @!p0 $0xFFFFC000  }
0x59: {  	v1 =	vld [tilespmem:s22+$0xFFFFFFC0];
	_ =	sdelay $0x4  }
0x5a: {  	v2 =	vand.u32 $0x3FFF, v1  }
0x5b: {  	v1 =	vshra.s32 v1, $0xE;
	[tilespmem:$0x3900] =	vst v2  }
0x5c: {  	[tilespmem:$0x3980] =	vst v1  }
0x5d: {  	v1 =	vld [tilespmem:s22+$0xFFFFFFD0];
	_ =	sdelay $0x4  }
0x5e: {  	v2 =	vand.u32 $0x3FFF, v1  }
0x5f: {  	v1 =	vshra.s32 v1, $0xE;
	[tilespmem:$0x3910] =	vst v2  }
0x60: {  	[tilespmem:$0x3990] =	vst v1  }
0x61: {  	v1 =	vld [tilespmem:s22+$0xFFFFFFE0];
	_ =	sdelay $0x4  }
0x62: {  	v2 =	vand.u32 $0x3FFF, v1  }
0x63: {  	v1 =	vshra.s32 v1, $0xE;
	[tilespmem:$0x3920] =	vst v2  }
0x64: {  	[tilespmem:$0x39A0] =	vst v1  }
0x65: {  	v1 =	vld [tilespmem:s22+$0xFFFFFFF0];
	_ =	sdelay $0x4  }
0x66: {  	v2 =	vand.u32 $0x3FFF, v1  }
0x67: {  	v1 =	vshra.s32 v1, $0xE;
	[tilespmem:$0x3930] =	vst v2  }
0x68: {  	[tilespmem:$0x39B0] =	vst v1  }
0x69: {  	v1 =	vld [tilespmem:s22+$0x0];
	_ =	sdelay $0x4  }
0x6a: {  	v2 =	vand.u32 $0x3FFF, v1  }
0x6b: {  	v1 =	vshra.s32 v1, $0xE;
	[tilespmem:$0x3940] =	vst v2  }
0x6c: {  	[tilespmem:$0x39C0] =	vst v1  }
0x6d: {  	v1 =	vld [tilespmem:s22+$0x10];
	_ =	sdelay $0x4  }
0x6e: {  	v2 =	vand.u32 $0x3FFF, v1  }
0x6f: {  	v1 =	vshra.s32 v1, $0xE;
	[tilespmem:$0x3950] =	vst v2  }
0x70: {  	[tilespmem:$0x39D0] =	vst v1  }
0x71: {  	v1 =	vld [tilespmem:s22+$0x20];
	_ =	sdelay $0x4  }
0x72: {  	v2 =	vand.u32 $0x3FFF, v1  }
0x73: {  	v1 =	vshra.s32 v1, $0xE;
	[tilespmem:$0x3960] =	vst v2  }
0x74: {  	[tilespmem:$0x39E0] =	vst v1  }
0x75: {  	v1 =	vld [tilespmem:s22+$0x30];
	_ =	sdelay $0x4  }
0x76: {  	v2 =	vand.u32 $0x3FFF, v1  }
0x77: {  	v1 =	vshra.s32 v1, $0xE;
	[tilespmem:$0x3970] =	vst v2  }
0x78: {  	[tilespmem:$0x39F0] =	vst v1  }
0x79: {  	[tilespmem:s26], [sflag:$0x2] =	stream.indirect.gather [hbm4b:s0+s21], $0x80, s25, s21, $0xb8;
	[tilespmem:$0x1FA00] =	vst v63  }
0x7a: {  	_ =	swait.ge [sflag:s28], $0x4000  }
0x7b: {  	[sflag:s28] =	ssyncset.done $0x0  }
0x7c: {  	[sflag:s28] =	ssyncadd.s32 $0xFFFFC000  }
0x7d: {  	[spmem:s3] =	stream.indirect.scatter.add.f32 [tilespmem:s26], [sflag:$0x4], $0x80, s29, s21, $0xb8;
	[tilespmem:$0x1FA00] =	vst v63  }
0x7e: {  	_ =	swait.ge [sflag:s30], $0x4000  }
0x7f: {  	[sflag:s30] =	ssyncset.done $0x0  }
0x80: {  	p1 =	sle.u32 s5, $0x2;
	[sflag:s30] =	ssyncadd.s32 $0xFFFFC000  }
0x81: {  	v1 =	vld @!p1 [tilespmem:s22+$0x40];
	_ =	sdelay $0x4  }
0x82: {  	v2 =	vand.u32 @!p1 $0x3FFF, v1  }
0x83: {  	v1 =	vshra.s32 @!p1 v1, $0xE;
	[tilespmem:$0x3800] =	vst @!p1 v2  }
0x84: {  	[tilespmem:$0x3880] =	vst @!p1 v1  }
0x85: {  	v1 =	vld @!p1 [tilespmem:s22+$0x50];
	_ =	sdelay $0x4  }
0x86: {  	v2 =	vand.u32 @!p1 $0x3FFF, v1  }
0x87: {  	v1 =	vshra.s32 @!p1 v1, $0xE;
	[tilespmem:$0x3810] =	vst @!p1 v2  }
0x88: {  	[tilespmem:$0x3890] =	vst @!p1 v1  }
0x89: {  	v1 =	vld @!p1 [tilespmem:s22+$0x60];
	_ =	sdelay $0x4  }
0x8a: {  	v2 =	vand.u32 @!p1 $0x3FFF, v1  }
0x8b: {  	v1 =	vshra.s32 @!p1 v1, $0xE;
	[tilespmem:$0x3820] =	vst @!p1 v2  }
0x8c: {  	[tilespmem:$0x38A0] =	vst @!p1 v1  }
0x8d: {  	v1 =	vld @!p1 [tilespmem:s22+$0x70];
	_ =	sdelay $0x4  }
0x8e: {  	v2 =	vand.u32 @!p1 $0x3FFF, v1  }
0x8f: {  	v1 =	vshra.s32 @!p1 v1, $0xE;
	[tilespmem:$0x3830] =	vst @!p1 v2  }
0x90: {  	[tilespmem:$0x38B0] =	vst @!p1 v1  }
0x91: {  	v1 =	vld @!p1 [tilespmem:s22+$0x80];
	_ =	sdelay $0x4  }
0x92: {  	v2 =	vand.u32 @!p1 $0x3FFF, v1  }
0x93: {  	v1 =	vshra.s32 @!p1 v1, $0xE;
	[tilespmem:$0x3840] =	vst @!p1 v2  }
0x94: {  	s15 =	rddreg [dreg:$0x5];
	[tilespmem:$0x38C0] =	vst @!p1 v1  }
0x95: {  	s2 =	sadd.s32 $0xFFFFFFFF, s15;
	v1 =	vld @!p1 [tilespmem:s22+$0x90]  }
0x96: {  	p0 =	sne.s32 s2, $0x0  }
.Ltmp1:
0x97: {  	_ = 	snop;
	(pc) =	sbr.rel @!p0 .LBB2_5-.Ltmp1, $3  }
0x98: {  	_ =	sdelay $0x1  }
0x99: {  	v2 =	vand.u32 @!p1 $0x3FFF, v1  }
0x9a: {  	s11 =	simm.s32 $0x2;
	s12 =	simm.s32 $0xC0;
	v1 =	vshra.s32 @!p1 v1, $0xE;
	[tilespmem:$0x3850] =	vst @!p1 v2  }
.LBB2_4:
0x9b: {  	s2 =	sadd.s32 $0xFFFFFFFF, s2;
	[tilespmem:$0x38D0] =	vst @!p1 v1;
	s11 =	sadd.s32 $0x2, s11;
	s12 =	sadd.s32 $0x100, s12  }
0x9c: {  	p0 =	sne.s32 s2, $0x0;
	v1 =	vld @!p1 [tilespmem:s22+$0xA0];
	_ =	sdelay $0x4  }
0x9d: {  	v2 =	vand.u32 @!p1 $0x3FFF, v1;
	v1 =	vshra.s32 @!p1 v1, $0xE  }
0x9e: {  	[tilespmem:$0x3860] =	vst @!p1 v2  }
0x9f: {  	[tilespmem:$0x38E0] =	vst @!p1 v1  }
0xa0: {  	v1 =	vld @!p1 [tilespmem:s22+$0xB0];
	s22 =	smov.u32 s12;
	_ =	sdelay $0x4  }
0xa1: {  	v2 =	vand.u32 @!p1 $0x3FFF, v1;
	v1 =	vshra.s32 @!p1 v1, $0xE  }
0xa2: {  	s13 =	simm.s32 @!p1 $0x80;
	s14 =	simm.s32 @!p1 $0x3800;
	s15 =	simm.s32 @!p1 $0x3A00;
	[tilespmem:$0x3870] =	vst @!p1 v2  }
0xa3: {  	[tilespmem:$0x38F0] =	vst @!p1 v1  }
0xa4: {  	[tilespmem:s15], [sflag:$0x1] =	stream.indirect.gather @!p1 [hbm4b:s0+s13], $0x80, s14, s13, $0xb8;
	[tilespmem:$0x1FA00] =	vst v63  }
0xa5: {  	_ =	swait.ge [sflag:s23], $0x4000  }
0xa6: {  	p1 =	seq.s32 s11, $0x2;
	[sflag:s23] =	ssyncset.done $0x0  }
0xa7: {  	s13 =	simm.s32 @!p1 $0x4;
	[sflag:s23] =	ssyncadd.s32 $0xFFFFC000  }
0xa8: {  	[spmem:s3] =	stream.indirect.scatter.add.f32 [tilespmem:s19], [sflag:$0x3], $0x80, s24, s21, $0xb8;
	[tilespmem:$0x1FA00] =	vst v63  }
0xa9: {  	_ =	swait.ge @!p1 [sflag:s13], $0x4000  }
0xaa: {  	[sflag:s13] =	ssyncset.done @!p1 $0x0  }
0xab: {  	[sflag:s13] =	ssyncadd.s32 @!p1 $0xFFFFC000  }
0xac: {  	v1 =	vld [tilespmem:s12+$0xFFFFFFC0];
	_ =	sdelay $0x4  }
0xad: {  	v2 =	vand.u32 $0x3FFF, v1;
	v1 =	vshra.s32 v1, $0xE  }
0xae: {  	[tilespmem:$0x3900] =	vst v2  }
0xaf: {  	[tilespmem:$0x3980] =	vst v1  }
0xb0: {  	v1 =	vld [tilespmem:s12+$0xFFFFFFD0];
	_ =	sdelay $0x4  }
0xb1: {  	v2 =	vand.u32 $0x3FFF, v1;
	v1 =	vshra.s32 v1, $0xE  }
0xb2: {  	[tilespmem:$0x3910] =	vst v2  }
0xb3: {  	[tilespmem:$0x3990] =	vst v1  }
0xb4: {  	v1 =	vld [tilespmem:s12+$0xFFFFFFE0];
	_ =	sdelay $0x4  }
0xb5: {  	v2 =	vand.u32 $0x3FFF, v1;
	v1 =	vshra.s32 v1, $0xE  }
0xb6: {  	[tilespmem:$0x3920] =	vst v2  }
0xb7: {  	[tilespmem:$0x39A0] =	vst v1  }
0xb8: {  	v1 =	vld [tilespmem:s12+$0xFFFFFFF0];
	_ =	sdelay $0x4  }
0xb9: {  	v2 =	vand.u32 $0x3FFF, v1;
	v1 =	vshra.s32 v1, $0xE  }
0xba: {  	[tilespmem:$0x3930] =	vst v2  }
0xbb: {  	[tilespmem:$0x39B0] =	vst v1  }
0xbc: {  	v1 =	vld [tilespmem:s12+$0x0];
	_ =	sdelay $0x4  }
0xbd: {  	v2 =	vand.u32 $0x3FFF, v1;
	v1 =	vshra.s32 v1, $0xE  }
0xbe: {  	[tilespmem:$0x3940] =	vst v2  }
0xbf: {  	[tilespmem:$0x39C0] =	vst v1  }
0xc0: {  	v1 =	vld [tilespmem:s12+$0x10];
	_ =	sdelay $0x4  }
0xc1: {  	v2 =	vand.u32 $0x3FFF, v1;
	v1 =	vshra.s32 v1, $0xE  }
0xc2: {  	[tilespmem:$0x3950] =	vst v2  }
0xc3: {  	[tilespmem:$0x39D0] =	vst v1  }
0xc4: {  	v1 =	vld [tilespmem:s12+$0x20];
	_ =	sdelay $0x4  }
0xc5: {  	v2 =	vand.u32 $0x3FFF, v1;
	v1 =	vshra.s32 v1, $0xE  }
0xc6: {  	[tilespmem:$0x3960] =	vst v2  }
0xc7: {  	[tilespmem:$0x39E0] =	vst v1  }
0xc8: {  	v1 =	vld [tilespmem:s12+$0x30];
	_ =	sdelay $0x4  }
0xc9: {  	v2 =	vand.u32 $0x3FFF, v1;
	v1 =	vshra.s32 v1, $0xE  }
0xca: {  	[tilespmem:$0x3970] =	vst v2  }
0xcb: {  	[tilespmem:$0x39F0] =	vst v1  }
0xcc: {  	[tilespmem:s26], [sflag:$0x2] =	stream.indirect.gather [hbm4b:s0+s21], $0x80, s25, s21, $0xb8;
	[tilespmem:$0x1FA00] =	vst v63  }
0xcd: {  	_ =	swait.ge [sflag:s28], $0x4000  }
0xce: {  	[sflag:s28] =	ssyncset.done $0x0  }
0xcf: {  	[sflag:s28] =	ssyncadd.s32 $0xFFFFC000  }
0xd0: {  	[spmem:s3] =	stream.indirect.scatter.add.f32 [tilespmem:s26], [sflag:$0x4], $0x80, s29, s21, $0xb8;
	[tilespmem:$0x1FA00] =	vst v63  }
0xd1: {  	_ =	swait.ge [sflag:s30], $0x4000  }
0xd2: {  	[sflag:s30] =	ssyncset.done $0x0  }
0xd3: {  	p1 =	sge.u32 s11, s5;
	[sflag:s30] =	ssyncadd.s32 $0xFFFFC000  }
0xd4: {  	v1 =	vld @!p1 [tilespmem:s12+$0x40];
	_ =	sdelay $0x4  }
0xd5: {  	v2 =	vand.u32 @!p1 $0x3FFF, v1;
	v1 =	vshra.s32 @!p1 v1, $0xE  }
0xd6: {  	[tilespmem:$0x3800] =	vst @!p1 v2  }
0xd7: {  	[tilespmem:$0x3880] =	vst @!p1 v1  }
0xd8: {  	v1 =	vld @!p1 [tilespmem:s12+$0x50];
	_ =	sdelay $0x4  }
0xd9: {  	v2 =	vand.u32 @!p1 $0x3FFF, v1;
	v1 =	vshra.s32 @!p1 v1, $0xE  }
0xda: {  	[tilespmem:$0x3810] =	vst @!p1 v2  }
0xdb: {  	[tilespmem:$0x3890] =	vst @!p1 v1  }
0xdc: {  	v1 =	vld @!p1 [tilespmem:s12+$0x60];
	_ =	sdelay $0x4  }
0xdd: {  	v2 =	vand.u32 @!p1 $0x3FFF, v1;
	v1 =	vshra.s32 @!p1 v1, $0xE  }
0xde: {  	[tilespmem:$0x3820] =	vst @!p1 v2  }
0xdf: {  	[tilespmem:$0x38A0] =	vst @!p1 v1  }
0xe0: {  	v1 =	vld @!p1 [tilespmem:s12+$0x70];
	_ =	sdelay $0x4  }
0xe1: {  	v2 =	vand.u32 @!p1 $0x3FFF, v1;
	v1 =	vshra.s32 @!p1 v1, $0xE  }
0xe2: {  	[tilespmem:$0x3830] =	vst @!p1 v2  }
0xe3: {  	[tilespmem:$0x38B0] =	vst @!p1 v1  }
0xe4: {  	v1 =	vld @!p1 [tilespmem:s12+$0x80];
	_ =	sdelay $0x4  }
0xe5: {  	v2 =	vand.u32 @!p1 $0x3FFF, v1;
	v1 =	vshra.s32 @!p1 v1, $0xE  }
0xe6: {  	[tilespmem:$0x3840] =	vst @!p1 v2  }
0xe7: {  	[tilespmem:$0x38C0] =	vst @!p1 v1  }
0xe8: {  	v1 =	vld @!p1 [tilespmem:s12+$0x90];
	_ =	sdelay $0x1  }
.Ltmp2:
0xe9: {  	(pc) =	sbr.rel @p0 .LBB2_4-.Ltmp2, $3  }
0xea: {  	_ =	sdelay $0x1  }
0xeb: {  	v2 =	vand.u32 @!p1 $0x3FFF, v1;
	v1 =	vshra.s32 @!p1 v1, $0xE  }
0xec: {  	[tilespmem:$0x3850] =	vst @!p1 v2  }
.LBB2_5:
0xed: {  	[tilespmem:$0x38D0] =	vst @!p1 v1  }
0xee: {  	v1 =	vld @!p1 [tilespmem:s22+$0xA0];
	_ =	sdelay $0x4  }
0xef: {  	v2 =	vand.u32 @!p1 $0x3FFF, v1  }
0xf0: {  	v1 =	vshra.s32 @!p1 v1, $0xE;
	[tilespmem:$0x3860] =	vst @!p1 v2  }
0xf1: {  	[tilespmem:$0x38E0] =	vst @!p1 v1  }
0xf2: {  	v1 =	vld @!p1 [tilespmem:s22+$0xB0];
	_ =	sdelay $0x4  }
0xf3: {  	v2 =	vand.u32 @!p1 $0x3FFF, v1  }
0xf4: {  	v1 =	vshra.s32 @!p1 v1, $0xE;
	[tilespmem:$0x3870] =	vst @!p1 v2  }
0xf5: {  	s2 =	simm.s32 @!p1 $0x80;
	s11 =	simm.s32 @!p1 $0x3800;
	s12 =	simm.s32 @!p1 $0x3A00;
	[tilespmem:$0x38F0] =	vst @!p1 v1  }
0xf6: {  	[tilespmem:s12], [sflag:$0x1] =	stream.indirect.gather @!p1 [hbm4b:s0+s2], $0x80, s11, s2, $0xb8;
	[tilespmem:$0x1FA00] =	vst v63  }
0xf7: {  	_ =	swait.ge [sflag:s31], $0x4000  }
0xf8: {  	[sflag:s31] =	ssyncset.done $0x0  }
0xf9: {  	s12 =	stileid.u32;
	[sflag:s31] =	ssyncadd.s32 $0xFFFFC000  }
0xfa: {  	s2 =	sshll.u32 s12, $0x6;
	[bflag:$0x0] =	sbarrier.arrive $0xFFFF  }
0xfb: {  	s13 =	sshrl.u32 s6, $0x3;
	s2 =	sor.u32 $0x1C05, s2;
	s14 =	rddreg [dreg:$0x6]  }
0xfc: {  	[hbm:s14], [sflag:s2] =	dma.local [spmem:s13], $0x800  }
0xfd: {  	_ =	swait.ge [sflag:s20], $0x800  }
0xfe: {  	[sflag:s20] =	ssyncset.done $0x0  }
0xff: {  	s15 =	sshrl.u32 s7, $0x3;
	s22 =	rddreg [dreg:$0x7];
	[sflag:s20] =	ssyncadd.s32 $0xFFFFF800  }
0x100: {  	[hbm:s22], [sflag:s2] =	dma.local [spmem:s15], $0x800  }
0x101: {  	_ =	swait.ge [sflag:s20], $0x800  }
0x102: {  	[sflag:s20] =	ssyncset.done $0x0  }
0x103: {  	s13 =	sshrl.u32 s8, $0x3;
	s14 =	rddreg [dreg:$0x8];
	[sflag:s20] =	ssyncadd.s32 $0xFFFFF800  }
0x104: {  	[hbm:s14], [sflag:s2] =	dma.local [spmem:s13], $0x800  }
0x105: {  	_ =	swait.ge [sflag:s20], $0x800  }
0x106: {  	[sflag:s20] =	ssyncset.done $0x0  }
0x107: {  	s15 =	sshrl.u32 s9, $0x3;
	[sflag:s20] =	ssyncadd.s32 $0xFFFFF800  }
0x108: {  	[hbm:s16], [sflag:s2] =	dma.local [spmem:s15], $0x800  }
0x109: {  	s1 =	sadd.s32 $0x1, s1;
	_ =	swait.ge [sflag:s20], $0x800  }
0x10a: {  	p0 =	sne.s32 s1, s18;
	[sflag:s20] =	ssyncset.done $0x0  }
.Ltmp3:
0x10b: {  	s22 =	sshrl.u32 s10, $0x3;
	[sflag:s20] =	ssyncadd.s32 $0xFFFFF800;
	(pc) =	sbr.rel @p0 .LBB2_1-.Ltmp3, $4  }
0x10c: {  	[hbm:s17], [sflag:s2] =	dma.local [spmem:s22], $0x800  }
0x10d: {  	_ =	swait.ge [sflag:s20], $0x800  }
0x10e: {  	[sflag:s20] =	ssyncset.done $0x0  }
0x10f: {  	[sflag:s20] =	ssyncadd.s32 $0xFFFFF800  }
0x110: {  	_ =	sfence.sel $0x180000  }
0x111: {  	[bflag:$0x0] =	sbarrier.arrive $0xFFFF  }
0x112: {  	_ =	strace $0x9000004A  }
0x113: {  	s0 =	stileid.u32;
	[bflag:$0x2] =	sbarrier.arrive $0xFFFF  }
0x114: {  	p0 =	sne.s32 s0, $0x0;
	s0 =	rddreg [dreg:$0x3]  }
0x115: {  	s0 =	sadd.s32 @!p0 $0x100000, s0  }
0x116: {  	[sflag:s0] =	ssyncadd.tile.s32 @!p0 $0x1;
	_ =	shalt  }
.Lfunc_end2:
_tile_overlayer_lowered:
.L_overlay_start_2:
0x117: {  	(tag) =	ssettag $0x2  }
0x118: {  	s0 =	rddreg [dreg:$0x0];
	s2 =	stileid.u32  }
0x119: {  	s1 =	rddreg [dreg:$0x1];
	p0 =	sne.s32 s2, $0x0  }
0x11a: {  	s3 =	rddreg [dreg:$0x2];
	[bflag:$0x3] =	sbarrier.arrive $0xFFFF;
	s2 =	simm.s32 @!p0 $0x1C05  }
0x11b: {  	[timem:s3], [sflag:s2] =	dma.local @!p0 [hbm:s0], s1  }
0x11c: {  	s0 =	simm.s32 @!p0 $0x5  }
0x11d: {  	_ =	swait.ge @!p0 [sflag:s0], s1  }
0x11e: {  	s1 =	ssub.s32 @!p0 $0x0, s1;
	[sflag:s0] =	ssyncset.done @!p0 $0x0  }
0x11f: {  	[sflag:s0] =	ssyncadd.s32 @!p0 s1  }
0x120: {  	[bflag:$0x3] =	sbarrier.arrive $0xFFFF  }
0x121: {  	_ =	shalt  }

</sc_bundles>
